<compile_context>
chip_gen: v7x
topology: tpu7x:2x2x1
jax: 0.10.2.dev20260603
libtpu: 0.0.44.dev20260713+nightly
codegen_flags: <defaults>
</compile_context>

<pallas_src>
import functools

import jax
import jax.numpy as jnp
import numpy as np
from jax import lax
from jax.experimental import pallas as pl
from jax.experimental.pallas import tpu as pltpu
from jax.experimental.pallas import tpu_sc as plsc

NN = 10000
EE = 320000
FF = 128
HH = 128
CC = 16

NC = 2
NS = 16
NW = NC * NS
CH = 125
NCHUNK = 80
NCH2 = 160
RING = 8
RINGH = 4
NP = 10240
RPT = NP // NS
ZR = 128


def _threefry2x32_np(k1, k2, x0, x1):
    rotations = [np.uint32(r) for r in (13, 15, 26, 6, 17, 29, 16, 24)]
    ks0, ks1 = np.uint32(k1), np.uint32(k2)
    ks2 = np.uint32(np.uint32(0x1BD11BDA) ^ ks0 ^ ks1)
    ks = [ks0, ks1, ks2]
    x0 = x0 + ks0
    x1 = x1 + ks1

    def rotl(x, d):
        return (x << d) | (x >> np.uint32(32 - int(d)))

    for i in range(5):
        rots = rotations[:4] if i % 2 == 0 else rotations[4:]
        for r in rots:
            x0 = x0 + x1
            x1 = rotl(x1, r)
            x1 = x1 ^ x0
        x0 = x0 + ks[(i + 1) % 3]
        x1 = x1 + ks[(i + 2) % 3] + np.uint32(i + 1)
    return x0, x1


def _dropout_scale(shape, seed, p):
    n = int(np.prod(shape))
    idx = np.arange(n, dtype=np.uint64)
    c1 = (idx >> np.uint64(32)).astype(np.uint32)
    c2 = (idx & np.uint64(0xFFFFFFFF)).astype(np.uint32)
    with np.errstate(over="ignore"):
        b1, b2 = _threefry2x32_np(np.uint32(seed >> 32),
                                  np.uint32(seed & 0xFFFFFFFF), c1, c2)
    bits = b1 ^ b2
    fbits = ((bits >> np.uint32(9)) | np.uint32(0x3F800000)).view(np.float32)
    u = fbits - np.float32(1.0)
    return ((u < np.float32(p)).astype(np.float32) / np.float32(p)
            ).reshape(shape)


_DROP_SCALE = _dropout_scale((NN, HH), 42, 0.5)


def _make_sc_scatter16(gather):
    d = 16
    mesh = plsc.VectorSubcoreMesh(core_axis_name="c", subcore_axis_name="s")
    scratch = [
        pltpu.VMEM((NCHUNK, CH), jnp.int32),
        pltpu.VMEM((RING, CH, d), jnp.float32),
        pltpu.VMEM((ZR, d), jnp.float32),
        pltpu.VMEM_SHARED((NP, d), jnp.float32),
    ] + [pltpu.SemaphoreType.DMA] * RING
    if gather:
        scratch.insert(0, pltpu.VMEM((NCHUNK, CH), jnp.int32))

    @functools.partial(
        pl.kernel,
        out_type=jax.ShapeDtypeStruct((NC, NP, d), jnp.float32),
        mesh=mesh,
        scratch_types=scratch,
        compiler_params=pltpu.CompilerParams(use_tc_tiling_on_sc=False),
    )
    def scat(*args):
        if gather:
            (table_hbm, src_hbm, dst_hbm, out_hbm,
             src_v, dst_v, ring_v, zbuf_v, acc_sh, *sems) = args
        else:
            (dst_hbm, out_hbm, dst_v, ring_v, zbuf_v, acc_sh,
             *sems) = args
        rows_v = ring_v.at[0]
        c = lax.axis_index("c")
        s = lax.axis_index("s")
        wid = s * NC + c

        if gather:
            pltpu.sync_copy(src_hbm.at[wid], src_v)
        pltpu.sync_copy(dst_hbm.at[wid], dst_v)

        zeros16 = jnp.zeros((16,), jnp.float32)
        ones16 = jnp.ones((16,), jnp.float32)

        def zrow(i, carry):
            zbuf_v[i, pl.ds(0, 16)] = zeros16
            return carry

        lax.fori_loop(0, ZR, zrow, 0)
        if not gather:
            def orow(i, carry):
                rows_v[i, pl.ds(0, 16)] = ones16
                return carry

            lax.fori_loop(0, CH, orow, 0)
        for k in range(RPT // ZR):
            pltpu.sync_copy(zbuf_v, acc_sh.at[pl.ds(s * RPT + k * ZR, ZR)])
        plsc.subcore_barrier()

        if gather:
            dummy = table_hbm.at[pl.ds(0, CH)]
            g4 = NCHUNK // RING
            bufs = [ring_v.at[b] for b in range(RING)]
            for b in range(RING):
                pltpu.async_copy(table_hbm.at[src_v.at[b]], bufs[b],
                                 sems[b])

            def body(g, carry):
                for b in range(RING):
                    pltpu.make_async_copy(dummy, bufs[b], sems[b]).wait()
                    pltpu.async_copy(bufs[b],
                                     acc_sh.at[dst_v.at[RING * g + b]],
                                     sems[b], add=True)

                @pl.when(g < g4 - 1)
                def _():
                    for b in range(RING):
                        pltpu.make_async_copy(dummy, bufs[b],
                                              sems[b]).wait()
                        pltpu.async_copy(
                            table_hbm.at[src_v.at[RING * g + b + RING]],
                            bufs[b], sems[b])
                return carry

            lax.fori_loop(0, g4, body, 0)
            for b in range(RING):
                pltpu.make_async_copy(dummy, bufs[b], sems[b]).wait()
        else:
            def body(ci, carry):
                pltpu.sync_copy(rows_v, acc_sh.at[dst_v.at[ci]], add=True)
                return carry

            lax.fori_loop(0, NCHUNK, body, 0)
        plsc.subcore_barrier()
        pltpu.sync_copy(acc_sh.at[pl.ds(s * RPT, RPT)],
                        out_hbm.at[c, pl.ds(s * RPT, RPT)])

    return scat


def _make_sc_scatter_h():
    dh = HH // 2
    mesh = plsc.VectorSubcoreMesh(core_axis_name="c", subcore_axis_name="s")

    @functools.partial(
        pl.kernel,
        out_type=jax.ShapeDtypeStruct((NC, NP, HH // 2), jnp.float32),
        mesh=mesh,
        scratch_types=[
            pltpu.VMEM((NCH2, CH), jnp.int32),
            pltpu.VMEM((NCH2, CH), jnp.int32),
            pltpu.VMEM((RINGH, CH, dh), jnp.float32),
            pltpu.VMEM((ZR, dh), jnp.float32),
            pltpu.VMEM_SHARED((NP, dh), jnp.float32),
        ] + [pltpu.SemaphoreType.DMA] * RINGH,
        compiler_params=pltpu.CompilerParams(use_tc_tiling_on_sc=False),
    )
    def scat(table_hbm, src_hbm, dst_hbm, out_hbm,
             src_v, dst_v, ring_v, zbuf_v, acc_sh, *sems):
        c = lax.axis_index("c")
        s = lax.axis_index("s")

        for k in range(2):
            half = pl.ds(k * NCHUNK, NCHUNK)
            pltpu.sync_copy(src_hbm.at[2 * s + k], src_v.at[half])
            pltpu.sync_copy(dst_hbm.at[2 * s + k], dst_v.at[half])

        zeros16 = jnp.zeros((16,), jnp.float32)

        def zrow(i, carry):
            for j in range(dh // 16):
                zbuf_v[i, pl.ds(j * 16, 16)] = zeros16
            return carry

        lax.fori_loop(0, ZR, zrow, 0)
        for k in range(RPT // ZR):
            pltpu.sync_copy(zbuf_v, acc_sh.at[pl.ds(s * RPT + k * ZR, ZR)])
        plsc.subcore_barrier()

        tb = table_hbm.at[c]
        dummy = tb.at[pl.ds(0, CH)]
        g4 = NCH2 // RINGH
        bufs = [ring_v.at[b] for b in range(RINGH)]
        for b in range(RINGH):
            pltpu.async_copy(tb.at[src_v.at[b]], bufs[b], sems[b])

        def body(g, carry):
            for b in range(RINGH):
                pltpu.make_async_copy(dummy, bufs[b], sems[b]).wait()
                pltpu.async_copy(bufs[b],
                                 acc_sh.at[dst_v.at[RINGH * g + b]],
                                 sems[b], add=True)

            @pl.when(g < g4 - 1)
            def _():
                for b in range(RINGH):
                    pltpu.make_async_copy(dummy, bufs[b], sems[b]).wait()
                    pltpu.async_copy(tb.at[src_v.at[RINGH * g + b + RINGH]],
                                     bufs[b], sems[b])
            return carry

        lax.fori_loop(0, g4, body, 0)
        for b in range(RINGH):
            pltpu.make_async_copy(dummy, bufs[b], sems[b]).wait()
        plsc.subcore_barrier()
        pltpu.sync_copy(acc_sh.at[pl.ds(s * RPT, RPT)],
                        out_hbm.at[c, pl.ds(s * RPT, RPT)])

    return scat


_sc_scatter_hist = _make_sc_scatter16(gather=False)
_sc_scatter_h = _make_sc_scatter_h()
_sc_scatter_c = _make_sc_scatter16(gather=True)


def _tc_a(x_ref, w1_ref, hist_ref, g1_ref, dinv_ref):
    deg = hist_ref[0, :NN, 0:1] + hist_ref[1, :NN, 0:1] + 1.0
    dinv = lax.rsqrt(deg)
    h = jnp.dot(x_ref[...], w1_ref[...], preferred_element_type=jnp.float32)
    g = h * dinv
    g1_ref[0] = g[:, :HH // 2]
    g1_ref[1] = g[:, HH // 2:]
    dinv_ref[...] = jnp.broadcast_to(dinv, (NN, 16))


def _tc_b(a1_ref, g1_ref, dinv_ref, b1_ref, drop_ref, w2_ref, g2_ref):
    dinv = dinv_ref[:, 0:1]
    g1 = jnp.concatenate([g1_ref[0], g1_ref[1]], axis=1)
    a1 = jnp.concatenate([a1_ref[0, :NN], a1_ref[1, :NN]], axis=1)
    out1 = (a1 + g1) * dinv + b1_ref[...]
    h = jnp.maximum(out1, 0.0) * drop_ref[...]
    g2_ref[...] = jnp.dot(h, w2_ref[...],
                          preferred_element_type=jnp.float32) * dinv


def _tc_c(acc2_ref, g2_ref, dinv_ref, b2_ref, out_ref):
    dinv = dinv_ref[:, 0:1]
    out_ref[...] = (acc2_ref[0, :NN] + acc2_ref[1, :NN] + g2_ref[...]) \
        * dinv + b2_ref[...]


def kernel(x, edge_index, W1, b1, W2, b2):
    src = edge_index[0].reshape(NW, NCHUNK, CH)
    dst = edge_index[1].reshape(NW, NCHUNK, CH)

    hist = _sc_scatter_hist(dst)

    g1_halves, dinv = pl.pallas_call(
        _tc_a,
        out_shape=[
            jax.ShapeDtypeStruct((NC, NN, HH // 2), jnp.float32),
            jax.ShapeDtypeStruct((NN, 16), jnp.float32),
        ],
    )(x, W1, hist)

    acc1 = _sc_scatter_h(g1_halves, src, dst)

    drop = jnp.asarray(_DROP_SCALE)

    g2 = pl.pallas_call(
        _tc_b,
        out_shape=jax.ShapeDtypeStruct((NN, CC), jnp.float32),
    )(acc1, g1_halves, dinv, b1.reshape(1, HH), drop, W2)

    acc2 = _sc_scatter_c(g2, src, dst)

    out = pl.pallas_call(
        _tc_c,
        out_shape=jax.ShapeDtypeStruct((NN, CC), jnp.float32),
    )(acc2, g2, dinv, b2.reshape(1, CC))

    return out

# --- scband reference (transcript-rebuilt; emitter-appended) ---
"""Pipeline reference for scband-method-gnn-65206193488465 (READ-ONLY COPY).

The authoritative reference and input builder live on the scoring server;
editing this copy changes nothing except your own understanding.
"""

import jax, jax.numpy as jnp
import numpy as np

N = 10000
E = 320000
F = 128
H = 128
C = 16


def gcn_conv(x, edge_index, W, b, num_nodes):
    # GCNConv: add self-loops, symmetric normalization, linear transform, scatter-add aggregate
    src = edge_index[0]
    dst = edge_index[1]
    loop = jnp.arange(num_nodes, dtype=edge_index.dtype)
    src = jnp.concatenate([src, loop])
    dst = jnp.concatenate([dst, loop])
    deg = jnp.zeros((num_nodes,), dtype=jnp.float32).at[dst].add(1.0)
    deg_inv_sqrt = jnp.where(deg > 0, deg ** -0.5, 0.0)
    norm = deg_inv_sqrt[src] * deg_inv_sqrt[dst]
    h = x @ W
    msg = h[src] * norm[:, None]
    out = jnp.zeros((num_nodes, W.shape[1]), dtype=jnp.float32).at[dst].add(msg)
    return out + b


def setup_inputs(seed: int = 0) -> dict:
    key = jax.random.key(seed)
    k1, k2, k3, k4, k5, k6 = jax.random.split(key, 6)
    x = jax.random.normal(k1, (N, F), dtype=jnp.float32)
    edge_index = jax.random.randint(k2, (2, E), 0, N, dtype=jnp.int32)
    # Glorot-style init for GCN weights
    W1 = jax.random.normal(k3, (F, H), dtype=jnp.float32) * (1.0 / np.sqrt(F))
    b1 = jnp.zeros((H,), dtype=jnp.float32)
    W2 = jax.random.normal(k4, (H, C), dtype=jnp.float32) * (1.0 / np.sqrt(H))
    b2 = jnp.zeros((C,), dtype=jnp.float32)
    return {"x": x, "edge_index": edge_index, "W1": W1, "b1": b1, "W2": W2, "b2": b2}


def reference(x, edge_index, W1, b1, W2, b2):
    # conv1 -> relu -> dropout(0.5, deterministic fixed key) -> conv2
    h = gcn_conv(x, edge_index, W1, b1, N)
    h = jax.nn.relu(h)
    drop_key = jax.random.key(42)
    mask = jax.random.bernoulli(drop_key, 0.5, h.shape)
    h = jnp.where(mask, h / 0.5, 0.0)
    out = gcn_conv(h, edge_index, W2, b2, N)
    return out

if __name__ == "__main__":
    import jax
    _d = setup_inputs()
    print(jax.jit(kernel)(*tuple(_d.values())))

</pallas_src>

<mosaic_0001>
#map = affine_map<(d0, d1) -> (0, 0, 0)>
module attributes {stable_mosaic.version = 14 : i64} {
  func.func @scat(%arg0: i32, %arg1: i32, %arg2: memref<32x80x125xi32, #tpu.memory_space<hbm>>, %arg3: memref<2x10240x16xf32, #tpu.memory_space<hbm>>, %arg4: memref<80x125xi32, #tpu.memory_space<vmem>>, %arg5: memref<8x125x16xf32, #tpu.memory_space<vmem>>, %arg6: memref<128x16xf32, #tpu.memory_space<vmem>>, %arg7: memref<10240x16xf32, #tpu.memory_space<vmem_shared>>, %arg8: memref<!tpu.dma_semaphore, #tpu.memory_space<semaphore_mem>>, %arg9: memref<!tpu.dma_semaphore, #tpu.memory_space<semaphore_mem>>, %arg10: memref<!tpu.dma_semaphore, #tpu.memory_space<semaphore_mem>>, %arg11: memref<!tpu.dma_semaphore, #tpu.memory_space<semaphore_mem>>, %arg12: memref<!tpu.dma_semaphore, #tpu.memory_space<semaphore_mem>>, %arg13: memref<!tpu.dma_semaphore, #tpu.memory_space<semaphore_mem>>, %arg14: memref<!tpu.dma_semaphore, #tpu.memory_space<semaphore_mem>>, %arg15: memref<!tpu.dma_semaphore, #tpu.memory_space<semaphore_mem>>) attributes {dimension_semantics = [#tpu.dimension_semantics<core_parallel>, #tpu.dimension_semantics<subcore_parallel>], iteration_bounds = array<i64: 2, 16>, scalar_prefetch = 0 : i64, scratch_operands = 12 : i64, tpu.core_type = #tpu.core_type<sc_vector_subcore>, window_params = [{transform_indices = #map}, {transform_indices = #map}]} {
    %mul3A = arith.constant 2 : i32
    %mul3A_0 = arith.muli %arg1, %mul3A : i32
    %add3A = arith.addi %mul3A_0, %arg0 : i32
    "tpu.region"() ({
      %run_scoped3A = tpu.sem_alloc : memref<!tpu.dma_semaphore, #tpu.memory_space<semaphore_mem>>
      %dma_start3A = arith.constant 0 : i32
      %dma_start3A_48 = arith.constant 0 : i32
      %dma_start3A_49 = tpu.memref_slice %arg2[%add3A, %dma_start3A, %dma_start3A_48] : memref<32x80x125xi32, #tpu.memory_space<hbm>> -> memref<1x80x125xi32, #tpu.memory_space<hbm>>
      %dma_start3A_50 = tpu.memref_squeeze %dma_start3A_49 : memref<1x80x125xi32, #tpu.memory_space<hbm>> -> memref<80x125xi32, #tpu.memory_space<hbm>>
      %dma_start3A_51 = arith.constant 0 : i32
      %dma_start3A_52 = arith.constant 0 : i32
      %dma_start3A_53 = tpu.memref_slice %arg2[%add3A, %dma_start3A_51, %dma_start3A_52] : memref<32x80x125xi32, #tpu.memory_space<hbm>> -> memref<1x80x125xi32, #tpu.memory_space<hbm>>
      %dma_start3A_54 = tpu.memref_squeeze %dma_start3A_53 : memref<1x80x125xi32, #tpu.memory_space<hbm>> -> memref<80x125xi32, #tpu.memory_space<hbm>>
      tpu.enqueue_dma source(%dma_start3A_54 : memref<80x125xi32, #tpu.memory_space<hbm>>) target(%arg4 : memref<80x125xi32, #tpu.memory_space<vmem>>) target_semaphore(%run_scoped3A : memref<!tpu.dma_semaphore, #tpu.memory_space<semaphore_mem>>)
      %dma_wait3A = arith.constant 0 : i32
      %dma_wait3A_55 = arith.constant 0 : i32
      %dma_wait3A_56 = tpu.memref_slice %arg2[%add3A, %dma_wait3A, %dma_wait3A_55] : memref<32x80x125xi32, #tpu.memory_space<hbm>> -> memref<1x80x125xi32, #tpu.memory_space<hbm>>
      %dma_wait3A_57 = tpu.memref_squeeze %dma_wait3A_56 : memref<1x80x125xi32, #tpu.memory_space<hbm>> -> memref<80x125xi32, #tpu.memory_space<hbm>>
      %dma_wait3A_58 = arith.constant 0 : i32
      %dma_wait3A_59 = arith.constant 0 : i32
      %dma_wait3A_60 = tpu.memref_slice %arg2[%add3A, %dma_wait3A_58, %dma_wait3A_59] : memref<32x80x125xi32, #tpu.memory_space<hbm>> -> memref<1x80x125xi32, #tpu.memory_space<hbm>>
      %dma_wait3A_61 = tpu.memref_squeeze %dma_wait3A_60 : memref<1x80x125xi32, #tpu.memory_space<hbm>> -> memref<80x125xi32, #tpu.memory_space<hbm>>
      tpu.wait_dma2 semaphore(%run_scoped3A : memref<!tpu.dma_semaphore, #tpu.memory_space<semaphore_mem>>) src(%dma_wait3A_61 : memref<80x125xi32, #tpu.memory_space<hbm>>) dst(%arg4 : memref<80x125xi32, #tpu.memory_space<vmem>>)
      tpu.yield
    }) : () -> ()
    %broadcast_in_dim3A = arith.constant 0.000000e+00 : f32
    %broadcast_in_dim3A_1 = vector.broadcast %broadcast_in_dim3A : f32 to vector<16xf32>
    %broadcast_in_dim3A_2 = arith.constant 1.000000e+00 : f32
    %broadcast_in_dim3A_3 = vector.broadcast %broadcast_in_dim3A_2 : f32 to vector<16xf32>
    %scan3A = arith.constant 0 : i32
    %scan3A_4 = arith.constant 0 : i32
    %scan3A_5 = arith.constant 128 : i32
    %scan3A_6 = arith.addi %scan3A_4, %scan3A_5 : i32
    %scan3A_7 = arith.constant 1 : i32
    scf.for %scan3A_48 = %scan3A_4 to %scan3A_6 step %scan3A_7  : i32 {
      %swap3A = arith.index_cast %scan3A_48 : i32 to index
      %swap3A_49 = arith.constant 0 : index
      %swap3A_50 = tpu.vector_load %arg6[%swap3A, %swap3A_49] {strides = array<i32>} : memref<128x16xf32, #tpu.memory_space<vmem>>, vector<1x16xf32>,
      %swap3A_51 = vector.shape_cast %swap3A_50 : vector<1x16xf32> to vector<16xf32>
      %swap3A_52 = vector.shape_cast %broadcast_in_dim3A_1 : vector<16xf32> to vector<1x16xf32>
      tpu.vector_store %arg6[%swap3A, %swap3A_49], %swap3A_52 {strides = array<i32>} : memref<128x16xf32, #tpu.memory_space<vmem>>, vector<1x16xf32>,
    }
    %scan3A_8 = arith.constant 128 : i32
    %scan3A_9 = arith.constant 0 : i32
    %scan3A_10 = arith.constant 0 : i32
    %scan3A_11 = arith.constant 0 : i32
    %scan3A_12 = arith.constant 125 : i32
    %scan3A_13 = arith.addi %scan3A_11, %scan3A_12 : i32
    %scan3A_14 = arith.constant 1 : i32
    scf.for %scan3A_48 = %scan3A_11 to %scan3A_13 step %scan3A_14  : i32 {
      %swap3A = arith.constant 0 : i32
      %swap3A_49 = arith.constant 0 : i32
      %swap3A_50 = tpu.memref_slice %arg5[%scan3A_10, %swap3A, %swap3A_49] : memref<8x125x16xf32, #tpu.memory_space<vmem>> -> memref<1x125x16xf32, #tpu.memory_space<vmem>>
      %swap3A_51 = tpu.memref_squeeze %swap3A_50 : memref<1x125x16xf32, #tpu.memory_space<vmem>> -> memref<125x16xf32, #tpu.memory_space<vmem>>
      %swap3A_52 = arith.index_cast %scan3A_48 : i32 to index
      %swap3A_53 = arith.constant 0 : index
      %swap3A_54 = tpu.vector_load %swap3A_51[%swap3A_52, %swap3A_53] {strides = array<i32>} : memref<125x16xf32, #tpu.memory_space<vmem>>, vector<1x16xf32>,
      %swap3A_55 = vector.shape_cast %swap3A_54 : vector<1x16xf32> to vector<16xf32>
      %swap3A_56 = vector.shape_cast %broadcast_in_dim3A_3 : vector<16xf32> to vector<1x16xf32>
      tpu.vector_store %swap3A_51[%swap3A_52, %swap3A_53], %swap3A_56 {strides = array<i32>} : memref<125x16xf32, #tpu.memory_space<vmem>>, vector<1x16xf32>,
    }
    %scan3A_15 = arith.constant 125 : i32
    %mul3A_16 = arith.constant 640 : i32
    %mul3A_17 = arith.muli %arg1, %mul3A_16 : i32
    %add3A_18 = arith.constant 0 : i32
    %add3A_19 = arith.addi %mul3A_17, %add3A_18 : i32
    "tpu.region"() ({
      %run_scoped3A = tpu.sem_alloc : memref<!tpu.dma_semaphore, #tpu.memory_space<semaphore_mem>>
      %dma_start3A = arith.constant 0 : i32
      %dma_start3A_48 = tpu.memref_slice %arg7[%add3A_19, %dma_start3A] : memref<10240x16xf32, #tpu.memory_space<vmem_shared>> -> memref<128x16xf32, #tpu.memory_space<vmem_shared>>
      %dma_start3A_49 = arith.constant 0 : i32
      %dma_start3A_50 = tpu.memref_slice %arg7[%add3A_19, %dma_start3A_49] : memref<10240x16xf32, #tpu.memory_space<vmem_shared>> -> memref<128x16xf32, #tpu.memory_space<vmem_shared>>
      tpu.enqueue_dma source(%arg6 : memref<128x16xf32, #tpu.memory_space<vmem>>) target(%dma_start3A_50 : memref<128x16xf32, #tpu.memory_space<vmem_shared>>) target_semaphore(%run_scoped3A : memref<!tpu.dma_semaphore, #tpu.memory_space<semaphore_mem>>)
      %dma_wait3A = arith.constant 0 : i32
      %dma_wait3A_51 = tpu.memref_slice %arg7[%add3A_19, %dma_wait3A] : memref<10240x16xf32, #tpu.memory_space<vmem_shared>> -> memref<128x16xf32, #tpu.memory_space<vmem_shared>>
      %dma_wait3A_52 = arith.constant 0 : i32
      %dma_wait3A_53 = tpu.memref_slice %arg7[%add3A_19, %dma_wait3A_52] : memref<10240x16xf32, #tpu.memory_space<vmem_shared>> -> memref<128x16xf32, #tpu.memory_space<vmem_shared>>
      tpu.wait_dma2 semaphore(%run_scoped3A : memref<!tpu.dma_semaphore, #tpu.memory_space<semaphore_mem>>) src(%arg6 : memref<128x16xf32, #tpu.memory_space<vmem>>) dst(%dma_wait3A_53 : memref<128x16xf32, #tpu.memory_space<vmem_shared>>)
      tpu.yield
    }) : () -> ()
    %mul3A_20 = arith.constant 640 : i32
    %mul3A_21 = arith.muli %arg1, %mul3A_20 : i32
    %add3A_22 = arith.constant 128 : i32
    %add3A_23 = arith.addi %mul3A_21, %add3A_22 : i32
    "tpu.region"() ({
      %run_scoped3A = tpu.sem_alloc : memref<!tpu.dma_semaphore, #tpu.memory_space<semaphore_mem>>
      %dma_start3A = arith.constant 0 : i32
      %dma_start3A_48 = tpu.memref_slice %arg7[%add3A_23, %dma_start3A] : memref<10240x16xf32, #tpu.memory_space<vmem_shared>> -> memref<128x16xf32, #tpu.memory_space<vmem_shared>>
      %dma_start3A_49 = arith.constant 0 : i32
      %dma_start3A_50 = tpu.memref_slice %arg7[%add3A_23, %dma_start3A_49] : memref<10240x16xf32, #tpu.memory_space<vmem_shared>> -> memref<128x16xf32, #tpu.memory_space<vmem_shared>>
      tpu.enqueue_dma source(%arg6 : memref<128x16xf32, #tpu.memory_space<vmem>>) target(%dma_start3A_50 : memref<128x16xf32, #tpu.memory_space<vmem_shared>>) target_semaphore(%run_scoped3A : memref<!tpu.dma_semaphore, #tpu.memory_space<semaphore_mem>>)
      %dma_wait3A = arith.constant 0 : i32
      %dma_wait3A_51 = tpu.memref_slice %arg7[%add3A_23, %dma_wait3A] : memref<10240x16xf32, #tpu.memory_space<vmem_shared>> -> memref<128x16xf32, #tpu.memory_space<vmem_shared>>
      %dma_wait3A_52 = arith.constant 0 : i32
      %dma_wait3A_53 = tpu.memref_slice %arg7[%add3A_23, %dma_wait3A_52] : memref<10240x16xf32, #tpu.memory_space<vmem_shared>> -> memref<128x16xf32, #tpu.memory_space<vmem_shared>>
      tpu.wait_dma2 semaphore(%run_scoped3A : memref<!tpu.dma_semaphore, #tpu.memory_space<semaphore_mem>>) src(%arg6 : memref<128x16xf32, #tpu.memory_space<vmem>>) dst(%dma_wait3A_53 : memref<128x16xf32, #tpu.memory_space<vmem_shared>>)
      tpu.yield
    }) : () -> ()
    %mul3A_24 = arith.constant 640 : i32
    %mul3A_25 = arith.muli %arg1, %mul3A_24 : i32
    %add3A_26 = arith.constant 256 : i32
    %add3A_27 = arith.addi %mul3A_25, %add3A_26 : i32
    "tpu.region"() ({
      %run_scoped3A = tpu.sem_alloc : memref<!tpu.dma_semaphore, #tpu.memory_space<semaphore_mem>>
      %dma_start3A = arith.constant 0 : i32
      %dma_start3A_48 = tpu.memref_slice %arg7[%add3A_27, %dma_start3A] : memref<10240x16xf32, #tpu.memory_space<vmem_shared>> -> memref<128x16xf32, #tpu.memory_space<vmem_shared>>
      %dma_start3A_49 = arith.constant 0 : i32
      %dma_start3A_50 = tpu.memref_slice %arg7[%add3A_27, %dma_start3A_49] : memref<10240x16xf32, #tpu.memory_space<vmem_shared>> -> memref<128x16xf32, #tpu.memory_space<vmem_shared>>
      tpu.enqueue_dma source(%arg6 : memref<128x16xf32, #tpu.memory_space<vmem>>) target(%dma_start3A_50 : memref<128x16xf32, #tpu.memory_space<vmem_shared>>) target_semaphore(%run_scoped3A : memref<!tpu.dma_semaphore, #tpu.memory_space<semaphore_mem>>)
      %dma_wait3A = arith.constant 0 : i32
      %dma_wait3A_51 = tpu.memref_slice %arg7[%add3A_27, %dma_wait3A] : memref<10240x16xf32, #tpu.memory_space<vmem_shared>> -> memref<128x16xf32, #tpu.memory_space<vmem_shared>>
      %dma_wait3A_52 = arith.constant 0 : i32
      %dma_wait3A_53 = tpu.memref_slice %arg7[%add3A_27, %dma_wait3A_52] : memref<10240x16xf32, #tpu.memory_space<vmem_shared>> -> memref<128x16xf32, #tpu.memory_space<vmem_shared>>
      tpu.wait_dma2 semaphore(%run_scoped3A : memref<!tpu.dma_semaphore, #tpu.memory_space<semaphore_mem>>) src(%arg6 : memref<128x16xf32, #tpu.memory_space<vmem>>) dst(%dma_wait3A_53 : memref<128x16xf32, #tpu.memory_space<vmem_shared>>)
      tpu.yield
    }) : () -> ()
    %mul3A_28 = arith.constant 640 : i32
    %mul3A_29 = arith.muli %arg1, %mul3A_28 : i32
    %add3A_30 = arith.constant 384 : i32
    %add3A_31 = arith.addi %mul3A_29, %add3A_30 : i32
    "tpu.region"() ({
      %run_scoped3A = tpu.sem_alloc : memref<!tpu.dma_semaphore, #tpu.memory_space<semaphore_mem>>
      %dma_start3A = arith.constant 0 : i32
      %dma_start3A_48 = tpu.memref_slice %arg7[%add3A_31, %dma_start3A] : memref<10240x16xf32, #tpu.memory_space<vmem_shared>> -> memref<128x16xf32, #tpu.memory_space<vmem_shared>>
      %dma_start3A_49 = arith.constant 0 : i32
      %dma_start3A_50 = tpu.memref_slice %arg7[%add3A_31, %dma_start3A_49] : memref<10240x16xf32, #tpu.memory_space<vmem_shared>> -> memref<128x16xf32, #tpu.memory_space<vmem_shared>>
      tpu.enqueue_dma source(%arg6 : memref<128x16xf32, #tpu.memory_space<vmem>>) target(%dma_start3A_50 : memref<128x16xf32, #tpu.memory_space<vmem_shared>>) target_semaphore(%run_scoped3A : memref<!tpu.dma_semaphore, #tpu.memory_space<semaphore_mem>>)
      %dma_wait3A = arith.constant 0 : i32
      %dma_wait3A_51 = tpu.memref_slice %arg7[%add3A_31, %dma_wait3A] : memref<10240x16xf32, #tpu.memory_space<vmem_shared>> -> memref<128x16xf32, #tpu.memory_space<vmem_shared>>
      %dma_wait3A_52 = arith.constant 0 : i32
      %dma_wait3A_53 = tpu.memref_slice %arg7[%add3A_31, %dma_wait3A_52] : memref<10240x16xf32, #tpu.memory_space<vmem_shared>> -> memref<128x16xf32, #tpu.memory_space<vmem_shared>>
      tpu.wait_dma2 semaphore(%run_scoped3A : memref<!tpu.dma_semaphore, #tpu.memory_space<semaphore_mem>>) src(%arg6 : memref<128x16xf32, #tpu.memory_space<vmem>>) dst(%dma_wait3A_53 : memref<128x16xf32, #tpu.memory_space<vmem_shared>>)
      tpu.yield
    }) : () -> ()
    %mul3A_32 = arith.constant 640 : i32
    %mul3A_33 = arith.muli %arg1, %mul3A_32 : i32
    %add3A_34 = arith.constant 512 : i32
    %add3A_35 = arith.addi %mul3A_33, %add3A_34 : i32
    "tpu.region"() ({
      %run_scoped3A = tpu.sem_alloc : memref<!tpu.dma_semaphore, #tpu.memory_space<semaphore_mem>>
      %dma_start3A = arith.constant 0 : i32
      %dma_start3A_48 = tpu.memref_slice %arg7[%add3A_35, %dma_start3A] : memref<10240x16xf32, #tpu.memory_space<vmem_shared>> -> memref<128x16xf32, #tpu.memory_space<vmem_shared>>
      %dma_start3A_49 = arith.constant 0 : i32
      %dma_start3A_50 = tpu.memref_slice %arg7[%add3A_35, %dma_start3A_49] : memref<10240x16xf32, #tpu.memory_space<vmem_shared>> -> memref<128x16xf32, #tpu.memory_space<vmem_shared>>
      tpu.enqueue_dma source(%arg6 : memref<128x16xf32, #tpu.memory_space<vmem>>) target(%dma_start3A_50 : memref<128x16xf32, #tpu.memory_space<vmem_shared>>) target_semaphore(%run_scoped3A : memref<!tpu.dma_semaphore, #tpu.memory_space<semaphore_mem>>)
      %dma_wait3A = arith.constant 0 : i32
      %dma_wait3A_51 = tpu.memref_slice %arg7[%add3A_35, %dma_wait3A] : memref<10240x16xf32, #tpu.memory_space<vmem_shared>> -> memref<128x16xf32, #tpu.memory_space<vmem_shared>>
      %dma_wait3A_52 = arith.constant 0 : i32
      %dma_wait3A_53 = tpu.memref_slice %arg7[%add3A_35, %dma_wait3A_52] : memref<10240x16xf32, #tpu.memory_space<vmem_shared>> -> memref<128x16xf32, #tpu.memory_space<vmem_shared>>
      tpu.wait_dma2 semaphore(%run_scoped3A : memref<!tpu.dma_semaphore, #tpu.memory_space<semaphore_mem>>) src(%arg6 : memref<128x16xf32, #tpu.memory_space<vmem>>) dst(%dma_wait3A_53 : memref<128x16xf32, #tpu.memory_space<vmem_shared>>)
      tpu.yield
    }) : () -> ()
    %barrier3A = arith.constant 0 : index
    tpu.barrier barrier_id(%barrier3A)
    %scan3A_36 = arith.constant 0 : i32
    %scan3A_37 = arith.constant 0 : i32
    %scan3A_38 = arith.constant 0 : i32
    %scan3A_39 = arith.constant 80 : i32
    %scan3A_40 = arith.addi %scan3A_38, %scan3A_39 : i32
    %scan3A_41 = arith.constant 1 : i32
    scf.for %scan3A_48 = %scan3A_38 to %scan3A_40 step %scan3A_41  : i32 {
      "tpu.region"() ({
        %run_scoped3A = tpu.sem_alloc : memref<!tpu.dma_semaphore, #tpu.memory_space<semaphore_mem>>
        %dma_start3A = arith.constant 0 : i32
        %dma_start3A_49 = arith.constant 0 : i32
        %dma_start3A_50 = tpu.memref_slice %arg5[%scan3A_37, %dma_start3A, %dma_start3A_49] : memref<8x125x16xf32, #tpu.memory_space<vmem>> -> memref<1x125x16xf32, #tpu.memory_space<vmem>>
        %dma_start3A_51 = tpu.memref_squeeze %dma_start3A_50 : memref<1x125x16xf32, #tpu.memory_space<vmem>> -> memref<125x16xf32, #tpu.memory_space<vmem>>
        %dma_start3A_52 = arith.constant 0 : i32
        %dma_start3A_53 = tpu.memref_slice %arg4[%scan3A_48, %dma_start3A_52] : memref<80x125xi32, #tpu.memory_space<vmem>> -> memref<1x125xi32, #tpu.memory_space<vmem>>
        %dma_start3A_54 = tpu.memref_squeeze %dma_start3A_53 : memref<1x125xi32, #tpu.memory_space<vmem>> -> memref<125xi32, #tpu.memory_space<vmem>>
        %dma_start3A_55 = arith.constant 0 : i32
        %dma_start3A_56 = arith.constant 0 : i32
        %dma_start3A_57 = tpu.memref_slice %arg7[%dma_start3A_55, %dma_start3A_56] : memref<10240x16xf32, #tpu.memory_space<vmem_shared>> -> memref<10240x16xf32, #tpu.memory_space<vmem_shared>>
        tpu.enqueue_indirect_dma source(%dma_start3A_51 : memref<125x16xf32, #tpu.memory_space<vmem>>) target(%dma_start3A_57 : memref<10240x16xf32, #tpu.memory_space<vmem_shared>>) offsets(%dma_start3A_54 : memref<125xi32, #tpu.memory_space<vmem>>) semaphore(%run_scoped3A : memref<!tpu.dma_semaphore, #tpu.memory_space<semaphore_mem>>) {add = true}
        %dma_wait3A = arith.constant 0 : i32
        %dma_wait3A_58 = arith.constant 0 : i32
        %dma_wait3A_59 = tpu.memref_slice %arg5[%scan3A_37, %dma_wait3A, %dma_wait3A_58] : memref<8x125x16xf32, #tpu.memory_space<vmem>> -> memref<1x125x16xf32, #tpu.memory_space<vmem>>
        %dma_wait3A_60 = tpu.memref_squeeze %dma_wait3A_59 : memref<1x125x16xf32, #tpu.memory_space<vmem>> -> memref<125x16xf32, #tpu.memory_space<vmem>>
        %dma_wait3A_61 = arith.constant 0 : i32
        %dma_wait3A_62 = tpu.memref_slice %arg4[%scan3A_48, %dma_wait3A_61] : memref<80x125xi32, #tpu.memory_space<vmem>> -> memref<1x125xi32, #tpu.memory_space<vmem>>
        %dma_wait3A_63 = tpu.memref_squeeze %dma_wait3A_62 : memref<1x125xi32, #tpu.memory_space<vmem>> -> memref<125xi32, #tpu.memory_space<vmem>>
        %dma_wait3A_64 = arith.constant 0 : i32
        %dma_wait3A_65 = arith.constant 0 : i32
        %dma_wait3A_66 = tpu.memref_slice %arg7[%dma_wait3A_64, %dma_wait3A_65] : memref<10240x16xf32, #tpu.memory_space<vmem_shared>> -> memref<10240x16xf32, #tpu.memory_space<vmem_shared>>
        tpu.wait_indirect_dma semaphore(%run_scoped3A : memref<!tpu.dma_semaphore, #tpu.memory_space<semaphore_mem>>) src(%dma_wait3A_60 : memref<125x16xf32, #tpu.memory_space<vmem>>) dst(%dma_wait3A_66 : memref<10240x16xf32, #tpu.memory_space<vmem_shared>>)
        tpu.yield
      }) : () -> ()
    }
    %scan3A_42 = arith.constant 80 : i32
    %barrier3A_43 = arith.constant 0 : index
    tpu.barrier barrier_id(%barrier3A_43)
    %mul3A_44 = arith.constant 640 : i32
    %mul3A_45 = arith.muli %arg1, %mul3A_44 : i32
    %mul3A_46 = arith.constant 640 : i32
    %mul3A_47 = arith.muli %arg1, %mul3A_46 : i32
    "tpu.region"() ({
      %run_scoped3A = tpu.sem_alloc : memref<!tpu.dma_semaphore, #tpu.memory_space<semaphore_mem>>
      %dma_start3A = arith.constant 0 : i32
      %dma_start3A_48 = tpu.memref_slice %arg3[%arg0, %mul3A_47, %dma_start3A] : memref<2x10240x16xf32, #tpu.memory_space<hbm>> -> memref<1x640x16xf32, #tpu.memory_space<hbm>>
      %dma_start3A_49 = tpu.memref_squeeze %dma_start3A_48 : memref<1x640x16xf32, #tpu.memory_space<hbm>> -> memref<640x16xf32, #tpu.memory_space<hbm>>
      %dma_start3A_50 = arith.constant 0 : i32
      %dma_start3A_51 = tpu.memref_slice %arg7[%mul3A_45, %dma_start3A_50] : memref<10240x16xf32, #tpu.memory_space<vmem_shared>> -> memref<640x16xf32, #tpu.memory_space<vmem_shared>>
      tpu.enqueue_dma source(%dma_start3A_51 : memref<640x16xf32, #tpu.memory_space<vmem_shared>>) target(%dma_start3A_49 : memref<640x16xf32, #tpu.memory_space<hbm>>) target_semaphore(%run_scoped3A : memref<!tpu.dma_semaphore, #tpu.memory_space<semaphore_mem>>)
      %dma_wait3A = arith.constant 0 : i32
      %dma_wait3A_52 = tpu.memref_slice %arg3[%arg0, %mul3A_47, %dma_wait3A] : memref<2x10240x16xf32, #tpu.memory_space<hbm>> -> memref<1x640x16xf32, #tpu.memory_space<hbm>>
      %dma_wait3A_53 = tpu.memref_squeeze %dma_wait3A_52 : memref<1x640x16xf32, #tpu.memory_space<hbm>> -> memref<640x16xf32, #tpu.memory_space<hbm>>
      %dma_wait3A_54 = arith.constant 0 : i32
      %dma_wait3A_55 = tpu.memref_slice %arg7[%mul3A_45, %dma_wait3A_54] : memref<10240x16xf32, #tpu.memory_space<vmem_shared>> -> memref<640x16xf32, #tpu.memory_space<vmem_shared>>
      tpu.wait_dma2 semaphore(%run_scoped3A : memref<!tpu.dma_semaphore, #tpu.memory_space<semaphore_mem>>) src(%dma_wait3A_55 : memref<640x16xf32, #tpu.memory_space<vmem_shared>>) dst(%dma_wait3A_53 : memref<640x16xf32, #tpu.memory_space<hbm>>)
      tpu.yield
    }) : () -> ()
    return
  }
}

#map = affine_map<(d0, d1) -> (0, 0, 0)>
module attributes {stable_mosaic.version = 14 : i64} {
  func.func @scat(%arg0: i32, %arg1: i32, %arg2: memref<2x10000x64xf32, #tpu.memory_space<hbm>>, %arg3: memref<32x80x125xi32, #tpu.memory_space<hbm>>, %arg4: memref<32x80x125xi32, #tpu.memory_space<hbm>>, %arg5: memref<2x10240x64xf32, #tpu.memory_space<hbm>>, %arg6: memref<160x125xi32, #tpu.memory_space<vmem>>, %arg7: memref<160x125xi32, #tpu.memory_space<vmem>>, %arg8: memref<4x125x64xf32, #tpu.memory_space<vmem>>, %arg9: memref<128x64xf32, #tpu.memory_space<vmem>>, %arg10: memref<10240x64xf32, #tpu.memory_space<vmem_shared>>, %arg11: memref<!tpu.dma_semaphore, #tpu.memory_space<semaphore_mem>>, %arg12: memref<!tpu.dma_semaphore, #tpu.memory_space<semaphore_mem>>, %arg13: memref<!tpu.dma_semaphore, #tpu.memory_space<semaphore_mem>>, %arg14: memref<!tpu.dma_semaphore, #tpu.memory_space<semaphore_mem>>) attributes {dimension_semantics = [#tpu.dimension_semantics<core_parallel>, #tpu.dimension_semantics<subcore_parallel>], iteration_bounds = array<i64: 2, 16>, scalar_prefetch = 0 : i64, scratch_operands = 9 : i64, tpu.core_type = #tpu.core_type<sc_vector_subcore>, window_params = [{transform_indices = #map}, {transform_indices = #map}, {transform_indices = #map}, {transform_indices = #map}]} {
    %mul3A = arith.constant 2 : i32
    %mul3A_0 = arith.muli %mul3A, %arg1 : i32
    %add3A = arith.constant 0 : i32
    %add3A_1 = arith.addi %mul3A_0, %add3A : i32
    "tpu.region"() ({
      %run_scoped3A = tpu.sem_alloc : memref<!tpu.dma_semaphore, #tpu.memory_space<semaphore_mem>>
      %dma_start3A_209 = arith.constant 0 : i32
      %dma_start3A_210 = arith.constant 0 : i32
      %dma_start3A_211 = tpu.memref_slice %arg6[%dma_start3A_209, %dma_start3A_210] : memref<160x125xi32, #tpu.memory_space<vmem>> -> memref<80x125xi32, #tpu.memory_space<vmem>>
      %dma_start3A_212 = arith.constant 0 : i32
      %dma_start3A_213 = arith.constant 0 : i32
      %dma_start3A_214 = tpu.memref_slice %arg3[%add3A_1, %dma_start3A_212, %dma_start3A_213] : memref<32x80x125xi32, #tpu.memory_space<hbm>> -> memref<1x80x125xi32, #tpu.memory_space<hbm>>
      %dma_start3A_215 = tpu.memref_squeeze %dma_start3A_214 : memref<1x80x125xi32, #tpu.memory_space<hbm>> -> memref<80x125xi32, #tpu.memory_space<hbm>>
      %dma_start3A_216 = arith.constant 0 : i32
      %dma_start3A_217 = arith.constant 0 : i32
      %dma_start3A_218 = tpu.memref_slice %arg6[%dma_start3A_216, %dma_start3A_217] : memref<160x125xi32, #tpu.memory_space<vmem>> -> memref<80x125xi32, #tpu.memory_space<vmem>>
      %dma_start3A_219 = arith.constant 0 : i32
      %dma_start3A_220 = arith.constant 0 : i32
      %dma_start3A_221 = tpu.memref_slice %arg3[%add3A_1, %dma_start3A_219, %dma_start3A_220] : memref<32x80x125xi32, #tpu.memory_space<hbm>> -> memref<1x80x125xi32, #tpu.memory_space<hbm>>
      %dma_start3A_222 = tpu.memref_squeeze %dma_start3A_221 : memref<1x80x125xi32, #tpu.memory_space<hbm>> -> memref<80x125xi32, #tpu.memory_space<hbm>>
      tpu.enqueue_dma source(%dma_start3A_222 : memref<80x125xi32, #tpu.memory_space<hbm>>) target(%dma_start3A_218 : memref<80x125xi32, #tpu.memory_space<vmem>>) target_semaphore(%run_scoped3A : memref<!tpu.dma_semaphore, #tpu.memory_space<semaphore_mem>>)
      %dma_wait3A_223 = arith.constant 0 : i32
      %dma_wait3A_224 = arith.constant 0 : i32
      %dma_wait3A_225 = tpu.memref_slice %arg6[%dma_wait3A_223, %dma_wait3A_224] : memref<160x125xi32, #tpu.memory_space<vmem>> -> memref<80x125xi32, #tpu.memory_space<vmem>>
      %dma_wait3A_226 = arith.constant 0 : i32
      %dma_wait3A_227 = arith.constant 0 : i32
      %dma_wait3A_228 = tpu.memref_slice %arg3[%add3A_1, %dma_wait3A_226, %dma_wait3A_227] : memref<32x80x125xi32, #tpu.memory_space<hbm>> -> memref<1x80x125xi32, #tpu.memory_space<hbm>>
      %dma_wait3A_229 = tpu.memref_squeeze %dma_wait3A_228 : memref<1x80x125xi32, #tpu.memory_space<hbm>> -> memref<80x125xi32, #tpu.memory_space<hbm>>
      %dma_wait3A_230 = arith.constant 0 : i32
      %dma_wait3A_231 = arith.constant 0 : i32
      %dma_wait3A_232 = tpu.memref_slice %arg6[%dma_wait3A_230, %dma_wait3A_231] : memref<160x125xi32, #tpu.memory_space<vmem>> -> memref<80x125xi32, #tpu.memory_space<vmem>>
      %dma_wait3A_233 = arith.constant 0 : i32
      %dma_wait3A_234 = arith.constant 0 : i32
      %dma_wait3A_235 = tpu.memref_slice %arg3[%add3A_1, %dma_wait3A_233, %dma_wait3A_234] : memref<32x80x125xi32, #tpu.memory_space<hbm>> -> memref<1x80x125xi32, #tpu.memory_space<hbm>>
      %dma_wait3A_236 = tpu.memref_squeeze %dma_wait3A_235 : memref<1x80x125xi32, #tpu.memory_space<hbm>> -> memref<80x125xi32, #tpu.memory_space<hbm>>
      tpu.wait_dma2 semaphore(%run_scoped3A : memref<!tpu.dma_semaphore, #tpu.memory_space<semaphore_mem>>) src(%dma_wait3A_236 : memref<80x125xi32, #tpu.memory_space<hbm>>) dst(%dma_wait3A_232 : memref<80x125xi32, #tpu.memory_space<vmem>>)
      tpu.yield
    }) : () -> ()
    %mul3A_2 = arith.constant 2 : i32
    %mul3A_3 = arith.muli %mul3A_2, %arg1 : i32
    %add3A_4 = arith.constant 0 : i32
    %add3A_5 = arith.addi %mul3A_3, %add3A_4 : i32
    "tpu.region"() ({
      %run_scoped3A = tpu.sem_alloc : memref<!tpu.dma_semaphore, #tpu.memory_space<semaphore_mem>>
      %dma_start3A_209 = arith.constant 0 : i32
      %dma_start3A_210 = arith.constant 0 : i32
      %dma_start3A_211 = tpu.memref_slice %arg7[%dma_start3A_209, %dma_start3A_210] : memref<160x125xi32, #tpu.memory_space<vmem>> -> memref<80x125xi32, #tpu.memory_space<vmem>>
      %dma_start3A_212 = arith.constant 0 : i32
      %dma_start3A_213 = arith.constant 0 : i32
      %dma_start3A_214 = tpu.memref_slice %arg4[%add3A_5, %dma_start3A_212, %dma_start3A_213] : memref<32x80x125xi32, #tpu.memory_space<hbm>> -> memref<1x80x125xi32, #tpu.memory_space<hbm>>
      %dma_start3A_215 = tpu.memref_squeeze %dma_start3A_214 : memref<1x80x125xi32, #tpu.memory_space<hbm>> -> memref<80x125xi32, #tpu.memory_space<hbm>>
      %dma_start3A_216 = arith.constant 0 : i32
      %dma_start3A_217 = arith.constant 0 : i32
      %dma_start3A_218 = tpu.memref_slice %arg7[%dma_start3A_216, %dma_start3A_217] : memref<160x125xi32, #tpu.memory_space<vmem>> -> memref<80x125xi32, #tpu.memory_space<vmem>>
      %dma_start3A_219 = arith.constant 0 : i32
      %dma_start3A_220 = arith.constant 0 : i32
      %dma_start3A_221 = tpu.memref_slice %arg4[%add3A_5, %dma_start3A_219, %dma_start3A_220] : memref<32x80x125xi32, #tpu.memory_space<hbm>> -> memref<1x80x125xi32, #tpu.memory_space<hbm>>
      %dma_start3A_222 = tpu.memref_squeeze %dma_start3A_221 : memref<1x80x125xi32, #tpu.memory_space<hbm>> -> memref<80x125xi32, #tpu.memory_space<hbm>>
      tpu.enqueue_dma source(%dma_start3A_222 : memref<80x125xi32, #tpu.memory_space<hbm>>) target(%dma_start3A_218 : memref<80x125xi32, #tpu.memory_space<vmem>>) target_semaphore(%run_scoped3A : memref<!tpu.dma_semaphore, #tpu.memory_space<semaphore_mem>>)
      %dma_wait3A_223 = arith.constant 0 : i32
      %dma_wait3A_224 = arith.constant 0 : i32
      %dma_wait3A_225 = tpu.memref_slice %arg7[%dma_wait3A_223, %dma_wait3A_224] : memref<160x125xi32, #tpu.memory_space<vmem>> -> memref<80x125xi32, #tpu.memory_space<vmem>>
      %dma_wait3A_226 = arith.constant 0 : i32
      %dma_wait3A_227 = arith.constant 0 : i32
      %dma_wait3A_228 = tpu.memref_slice %arg4[%add3A_5, %dma_wait3A_226, %dma_wait3A_227] : memref<32x80x125xi32, #tpu.memory_space<hbm>> -> memref<1x80x125xi32, #tpu.memory_space<hbm>>
      %dma_wait3A_229 = tpu.memref_squeeze %dma_wait3A_228 : memref<1x80x125xi32, #tpu.memory_space<hbm>> -> memref<80x125xi32, #tpu.memory_space<hbm>>
      %dma_wait3A_230 = arith.constant 0 : i32
      %dma_wait3A_231 = arith.constant 0 : i32
      %dma_wait3A_232 = tpu.memref_slice %arg7[%dma_wait3A_230, %dma_wait3A_231] : memref<160x125xi32, #tpu.memory_space<vmem>> -> memref<80x125xi32, #tpu.memory_space<vmem>>
      %dma_wait3A_233 = arith.constant 0 : i32
      %dma_wait3A_234 = arith.constant 0 : i32
      %dma_wait3A_235 = tpu.memref_slice %arg4[%add3A_5, %dma_wait3A_233, %dma_wait3A_234] : memref<32x80x125xi32, #tpu.memory_space<hbm>> -> memref<1x80x125xi32, #tpu.memory_space<hbm>>
      %dma_wait3A_236 = tpu.memref_squeeze %dma_wait3A_235 : memref<1x80x125xi32, #tpu.memory_space<hbm>> -> memref<80x125xi32, #tpu.memory_space<hbm>>
      tpu.wait_dma2 semaphore(%run_scoped3A : memref<!tpu.dma_semaphore, #tpu.memory_space<semaphore_mem>>) src(%dma_wait3A_236 : memref<80x125xi32, #tpu.memory_space<hbm>>) dst(%dma_wait3A_232 : memref<80x125xi32, #tpu.memory_space<vmem>>)
      tpu.yield
    }) : () -> ()
    %mul3A_6 = arith.constant 2 : i32
    %mul3A_7 = arith.muli %mul3A_6, %arg1 : i32
    %add3A_8 = arith.constant 1 : i32
    %add3A_9 = arith.addi %mul3A_7, %add3A_8 : i32
    "tpu.region"() ({
      %run_scoped3A = tpu.sem_alloc : memref<!tpu.dma_semaphore, #tpu.memory_space<semaphore_mem>>
      %dma_start3A_209 = arith.constant 80 : i32
      %dma_start3A_210 = arith.constant 0 : i32
      %dma_start3A_211 = tpu.memref_slice %arg6[%dma_start3A_209, %dma_start3A_210] : memref<160x125xi32, #tpu.memory_space<vmem>> -> memref<80x125xi32, #tpu.memory_space<vmem>>
      %dma_start3A_212 = arith.constant 0 : i32
      %dma_start3A_213 = arith.constant 0 : i32
      %dma_start3A_214 = tpu.memref_slice %arg3[%add3A_9, %dma_start3A_212, %dma_start3A_213] : memref<32x80x125xi32, #tpu.memory_space<hbm>> -> memref<1x80x125xi32, #tpu.memory_space<hbm>>
      %dma_start3A_215 = tpu.memref_squeeze %dma_start3A_214 : memref<1x80x125xi32, #tpu.memory_space<hbm>> -> memref<80x125xi32, #tpu.memory_space<hbm>>
      %dma_start3A_216 = arith.constant 80 : i32
      %dma_start3A_217 = arith.constant 0 : i32
      %dma_start3A_218 = tpu.memref_slice %arg6[%dma_start3A_216, %dma_start3A_217] : memref<160x125xi32, #tpu.memory_space<vmem>> -> memref<80x125xi32, #tpu.memory_space<vmem>>
      %dma_start3A_219 = arith.constant 0 : i32
      %dma_start3A_220 = arith.constant 0 : i32
      %dma_start3A_221 = tpu.memref_slice %arg3[%add3A_9, %dma_start3A_219, %dma_start3A_220] : memref<32x80x125xi32, #tpu.memory_space<hbm>> -> memref<1x80x125xi32, #tpu.memory_space<hbm>>
      %dma_start3A_222 = tpu.memref_squeeze %dma_start3A_221 : memref<1x80x125xi32, #tpu.memory_space<hbm>> -> memref<80x125xi32, #tpu.memory_space<hbm>>
      tpu.enqueue_dma source(%dma_start3A_222 : memref<80x125xi32, #tpu.memory_space<hbm>>) target(%dma_start3A_218 : memref<80x125xi32, #tpu.memory_space<vmem>>) target_semaphore(%run_scoped3A : memref<!tpu.dma_semaphore, #tpu.memory_space<semaphore_mem>>)
      %dma_wait3A_223 = arith.constant 80 : i32
      %dma_wait3A_224 = arith.constant 0 : i32
      %dma_wait3A_225 = tpu.memref_slice %arg6[%dma_wait3A_223, %dma_wait3A_224] : memref<160x125xi32, #tpu.memory_space<vmem>> -> memref<80x125xi32, #tpu.memory_space<vmem>>
      %dma_wait3A_226 = arith.constant 0 : i32
      %dma_wait3A_227 = arith.constant 0 : i32
      %dma_wait3A_228 = tpu.memref_slice %arg3[%add3A_9, %dma_wait3A_226, %dma_wait3A_227] : memref<32x80x125xi32, #tpu.memory_space<hbm>> -> memref<1x80x125xi32, #tpu.memory_space<hbm>>
      %dma_wait3A_229 = tpu.memref_squeeze %dma_wait3A_228 : memref<1x80x125xi32, #tpu.memory_space<hbm>> -> memref<80x125xi32, #tpu.memory_space<hbm>>
      %dma_wait3A_230 = arith.constant 80 : i32
      %dma_wait3A_231 = arith.constant 0 : i32
      %dma_wait3A_232 = tpu.memref_slice %arg6[%dma_wait3A_230, %dma_wait3A_231] : memref<160x125xi32, #tpu.memory_space<vmem>> -> memref<80x125xi32, #tpu.memory_space<vmem>>
      %dma_wait3A_233 = arith.constant 0 : i32
      %dma_wait3A_234 = arith.constant 0 : i32
      %dma_wait3A_235 = tpu.memref_slice %arg3[%add3A_9, %dma_wait3A_233, %dma_wait3A_234] : memref<32x80x125xi32, #tpu.memory_space<hbm>> -> memref<1x80x125xi32, #tpu.memory_space<hbm>>
      %dma_wait3A_236 = tpu.memref_squeeze %dma_wait3A_235 : memref<1x80x125xi32, #tpu.memory_space<hbm>> -> memref<80x125xi32, #tpu.memory_space<hbm>>
      tpu.wait_dma2 semaphore(%run_scoped3A : memref<!tpu.dma_semaphore, #tpu.memory_space<semaphore_mem>>) src(%dma_wait3A_236 : memref<80x125xi32, #tpu.memory_space<hbm>>) dst(%dma_wait3A_232 : memref<80x125xi32, #tpu.memory_space<vmem>>)
      tpu.yield
    }) : () -> ()
    %mul3A_10 = arith.constant 2 : i32
    %mul3A_11 = arith.muli %mul3A_10, %arg1 : i32
    %add3A_12 = arith.constant 1 : i32
    %add3A_13 = arith.addi %mul3A_11, %add3A_12 : i32
    "tpu.region"() ({
      %run_scoped3A = tpu.sem_alloc : memref<!tpu.dma_semaphore, #tpu.memory_space<semaphore_mem>>
      %dma_start3A_209 = arith.constant 80 : i32
      %dma_start3A_210 = arith.constant 0 : i32
      %dma_start3A_211 = tpu.memref_slice %arg7[%dma_start3A_209, %dma_start3A_210] : memref<160x125xi32, #tpu.memory_space<vmem>> -> memref<80x125xi32, #tpu.memory_space<vmem>>
      %dma_start3A_212 = arith.constant 0 : i32
      %dma_start3A_213 = arith.constant 0 : i32
      %dma_start3A_214 = tpu.memref_slice %arg4[%add3A_13, %dma_start3A_212, %dma_start3A_213] : memref<32x80x125xi32, #tpu.memory_space<hbm>> -> memref<1x80x125xi32, #tpu.memory_space<hbm>>
      %dma_start3A_215 = tpu.memref_squeeze %dma_start3A_214 : memref<1x80x125xi32, #tpu.memory_space<hbm>> -> memref<80x125xi32, #tpu.memory_space<hbm>>
      %dma_start3A_216 = arith.constant 80 : i32
      %dma_start3A_217 = arith.constant 0 : i32
      %dma_start3A_218 = tpu.memref_slice %arg7[%dma_start3A_216, %dma_start3A_217] : memref<160x125xi32, #tpu.memory_space<vmem>> -> memref<80x125xi32, #tpu.memory_space<vmem>>
      %dma_start3A_219 = arith.constant 0 : i32
      %dma_start3A_220 = arith.constant 0 : i32
      %dma_start3A_221 = tpu.memref_slice %arg4[%add3A_13, %dma_start3A_219, %dma_start3A_220] : memref<32x80x125xi32, #tpu.memory_space<hbm>> -> memref<1x80x125xi32, #tpu.memory_space<hbm>>
      %dma_start3A_222 = tpu.memref_squeeze %dma_start3A_221 : memref<1x80x125xi32, #tpu.memory_space<hbm>> -> memref<80x125xi32, #tpu.memory_space<hbm>>
      tpu.enqueue_dma source(%dma_start3A_222 : memref<80x125xi32, #tpu.memory_space<hbm>>) target(%dma_start3A_218 : memref<80x125xi32, #tpu.memory_space<vmem>>) target_semaphore(%run_scoped3A : memref<!tpu.dma_semaphore, #tpu.memory_space<semaphore_mem>>)
      %dma_wait3A_223 = arith.constant 80 : i32
      %dma_wait3A_224 = arith.constant 0 : i32
      %dma_wait3A_225 = tpu.memref_slice %arg7[%dma_wait3A_223, %dma_wait3A_224] : memref<160x125xi32, #tpu.memory_space<vmem>> -> memref<80x125xi32, #tpu.memory_space<vmem>>
      %dma_wait3A_226 = arith.constant 0 : i32
      %dma_wait3A_227 = arith.constant 0 : i32
      %dma_wait3A_228 = tpu.memref_slice %arg4[%add3A_13, %dma_wait3A_226, %dma_wait3A_227] : memref<32x80x125xi32, #tpu.memory_space<hbm>> -> memref<1x80x125xi32, #tpu.memory_space<hbm>>
      %dma_wait3A_229 = tpu.memref_squeeze %dma_wait3A_228 : memref<1x80x125xi32, #tpu.memory_space<hbm>> -> memref<80x125xi32, #tpu.memory_space<hbm>>
      %dma_wait3A_230 = arith.constant 80 : i32
      %dma_wait3A_231 = arith.constant 0 : i32
      %dma_wait3A_232 = tpu.memref_slice %arg7[%dma_wait3A_230, %dma_wait3A_231] : memref<160x125xi32, #tpu.memory_space<vmem>> -> memref<80x125xi32, #tpu.memory_space<vmem>>
      %dma_wait3A_233 = arith.constant 0 : i32
      %dma_wait3A_234 = arith.constant 0 : i32
      %dma_wait3A_235 = tpu.memref_slice %arg4[%add3A_13, %dma_wait3A_233, %dma_wait3A_234] : memref<32x80x125xi32, #tpu.memory_space<hbm>> -> memref<1x80x125xi32, #tpu.memory_space<hbm>>
      %dma_wait3A_236 = tpu.memref_squeeze %dma_wait3A_235 : memref<1x80x125xi32, #tpu.memory_space<hbm>> -> memref<80x125xi32, #tpu.memory_space<hbm>>
      tpu.wait_dma2 semaphore(%run_scoped3A : memref<!tpu.dma_semaphore, #tpu.memory_space<semaphore_mem>>) src(%dma_wait3A_236 : memref<80x125xi32, #tpu.memory_space<hbm>>) dst(%dma_wait3A_232 : memref<80x125xi32, #tpu.memory_space<vmem>>)
      tpu.yield
    }) : () -> ()
    %broadcast_in_dim3A = arith.constant 0.000000e+00 : f32
    %broadcast_in_dim3A_14 = vector.broadcast %broadcast_in_dim3A : f32 to vector<16xf32>
    %scan3A = arith.constant 0 : i32
    %scan3A_15 = arith.constant 0 : i32
    %scan3A_16 = arith.constant 128 : i32
    %scan3A_17 = arith.addi %scan3A_15, %scan3A_16 : i32
    %scan3A_18 = arith.constant 1 : i32
    scf.for %scan3A_209 = %scan3A_15 to %scan3A_17 step %scan3A_18  : i32 {
      %swap3A = arith.index_cast %scan3A_209 : i32 to index
      %swap3A_210 = arith.constant 0 : index
      %swap3A_211 = tpu.vector_load %arg9[%swap3A, %swap3A_210] {strides = array<i32>} : memref<128x64xf32, #tpu.memory_space<vmem>>, vector<1x16xf32>,
      %swap3A_212 = vector.shape_cast %swap3A_211 : vector<1x16xf32> to vector<16xf32>
      %swap3A_213 = vector.shape_cast %broadcast_in_dim3A_14 : vector<16xf32> to vector<1x16xf32>
      tpu.vector_store %arg9[%swap3A, %swap3A_210], %swap3A_213 {strides = array<i32>} : memref<128x64xf32, #tpu.memory_space<vmem>>, vector<1x16xf32>,
      %swap3A_214 = arith.index_cast %scan3A_209 : i32 to index
      %swap3A_215 = arith.constant 16 : index
      %swap3A_216 = tpu.vector_load %arg9[%swap3A_214, %swap3A_215] {strides = array<i32>} : memref<128x64xf32, #tpu.memory_space<vmem>>, vector<1x16xf32>,
      %swap3A_217 = vector.shape_cast %swap3A_216 : vector<1x16xf32> to vector<16xf32>
      %swap3A_218 = vector.shape_cast %broadcast_in_dim3A_14 : vector<16xf32> to vector<1x16xf32>
      tpu.vector_store %arg9[%swap3A_214, %swap3A_215], %swap3A_218 {strides = array<i32>} : memref<128x64xf32, #tpu.memory_space<vmem>>, vector<1x16xf32>,
      %swap3A_219 = arith.index_cast %scan3A_209 : i32 to index
      %swap3A_220 = arith.constant 32 : index
      %swap3A_221 = tpu.vector_load %arg9[%swap3A_219, %swap3A_220] {strides = array<i32>} : memref<128x64xf32, #tpu.memory_space<vmem>>, vector<1x16xf32>,
      %swap3A_222 = vector.shape_cast %swap3A_221 : vector<1x16xf32> to vector<16xf32>
      %swap3A_223 = vector.shape_cast %broadcast_in_dim3A_14 : vector<16xf32> to vector<1x16xf32>
      tpu.vector_store %arg9[%swap3A_219, %swap3A_220], %swap3A_223 {strides = array<i32>} : memref<128x64xf32, #tpu.memory_space<vmem>>, vector<1x16xf32>,
      %swap3A_224 = arith.index_cast %scan3A_209 : i32 to index
      %swap3A_225 = arith.constant 48 : index
      %swap3A_226 = tpu.vector_load %arg9[%swap3A_224, %swap3A_225] {strides = array<i32>} : memref<128x64xf32, #tpu.memory_space<vmem>>, vector<1x16xf32>,
      %swap3A_227 = vector.shape_cast %swap3A_226 : vector<1x16xf32> to vector<16xf32>
      %swap3A_228 = vector.shape_cast %broadcast_in_dim3A_14 : vector<16xf32> to vector<1x16xf32>
      tpu.vector_store %arg9[%swap3A_224, %swap3A_225], %swap3A_228 {strides = array<i32>} : memref<128x64xf32, #tpu.memory_space<vmem>>, vector<1x16xf32>,
    }
    %scan3A_19 = arith.constant 128 : i32
    %mul3A_20 = arith.constant 640 : i32
    %mul3A_21 = arith.muli %arg1, %mul3A_20 : i32
    %add3A_22 = arith.constant 0 : i32
    %add3A_23 = arith.addi %mul3A_21, %add3A_22 : i32
    "tpu.region"() ({
      %run_scoped3A = tpu.sem_alloc : memref<!tpu.dma_semaphore, #tpu.memory_space<semaphore_mem>>
      %dma_start3A_209 = arith.constant 0 : i32
      %dma_start3A_210 = tpu.memref_slice %arg10[%add3A_23, %dma_start3A_209] : memref<10240x64xf32, #tpu.memory_space<vmem_shared>> -> memref<128x64xf32, #tpu.memory_space<vmem_shared>>
      %dma_start3A_211 = arith.constant 0 : i32
      %dma_start3A_212 = tpu.memref_slice %arg10[%add3A_23, %dma_start3A_211] : memref<10240x64xf32, #tpu.memory_space<vmem_shared>> -> memref<128x64xf32, #tpu.memory_space<vmem_shared>>
      tpu.enqueue_dma source(%arg9 : memref<128x64xf32, #tpu.memory_space<vmem>>) target(%dma_start3A_212 : memref<128x64xf32, #tpu.memory_space<vmem_shared>>) target_semaphore(%run_scoped3A : memref<!tpu.dma_semaphore, #tpu.memory_space<semaphore_mem>>)
      %dma_wait3A_213 = arith.constant 0 : i32
      %dma_wait3A_214 = tpu.memref_slice %arg10[%add3A_23, %dma_wait3A_213] : memref<10240x64xf32, #tpu.memory_space<vmem_shared>> -> memref<128x64xf32, #tpu.memory_space<vmem_shared>>
      %dma_wait3A_215 = arith.constant 0 : i32
      %dma_wait3A_216 = tpu.memref_slice %arg10[%add3A_23, %dma_wait3A_215] : memref<10240x64xf32, #tpu.memory_space<vmem_shared>> -> memref<128x64xf32, #tpu.memory_space<vmem_shared>>
      tpu.wait_dma2 semaphore(%run_scoped3A : memref<!tpu.dma_semaphore, #tpu.memory_space<semaphore_mem>>) src(%arg9 : memref<128x64xf32, #tpu.memory_space<vmem>>) dst(%dma_wait3A_216 : memref<128x64xf32, #tpu.memory_space<vmem_shared>>)
      tpu.yield
    }) : () -> ()
    %mul3A_24 = arith.constant 640 : i32
    %mul3A_25 = arith.muli %arg1, %mul3A_24 : i32
    %add3A_26 = arith.constant 128 : i32
    %add3A_27 = arith.addi %mul3A_25, %add3A_26 : i32
    "tpu.region"() ({
      %run_scoped3A = tpu.sem_alloc : memref<!tpu.dma_semaphore, #tpu.memory_space<semaphore_mem>>
      %dma_start3A_209 = arith.constant 0 : i32
      %dma_start3A_210 = tpu.memref_slice %arg10[%add3A_27, %dma_start3A_209] : memref<10240x64xf32, #tpu.memory_space<vmem_shared>> -> memref<128x64xf32, #tpu.memory_space<vmem_shared>>
      %dma_start3A_211 = arith.constant 0 : i32
      %dma_start3A_212 = tpu.memref_slice %arg10[%add3A_27, %dma_start3A_211] : memref<10240x64xf32, #tpu.memory_space<vmem_shared>> -> memref<128x64xf32, #tpu.memory_space<vmem_shared>>
      tpu.enqueue_dma source(%arg9 : memref<128x64xf32, #tpu.memory_space<vmem>>) target(%dma_start3A_212 : memref<128x64xf32, #tpu.memory_space<vmem_shared>>) target_semaphore(%run_scoped3A : memref<!tpu.dma_semaphore, #tpu.memory_space<semaphore_mem>>)
      %dma_wait3A_213 = arith.constant 0 : i32
      %dma_wait3A_214 = tpu.memref_slice %arg10[%add3A_27, %dma_wait3A_213] : memref<10240x64xf32, #tpu.memory_space<vmem_shared>> -> memref<128x64xf32, #tpu.memory_space<vmem_shared>>
      %dma_wait3A_215 = arith.constant 0 : i32
      %dma_wait3A_216 = tpu.memref_slice %arg10[%add3A_27, %dma_wait3A_215] : memref<10240x64xf32, #tpu.memory_space<vmem_shared>> -> memref<128x64xf32, #tpu.memory_space<vmem_shared>>
      tpu.wait_dma2 semaphore(%run_scoped3A : memref<!tpu.dma_semaphore, #tpu.memory_space<semaphore_mem>>) src(%arg9 : memref<128x64xf32, #tpu.memory_space<vmem>>) dst(%dma_wait3A_216 : memref<128x64xf32, #tpu.memory_space<vmem_shared>>)
      tpu.yield
    }) : () -> ()
    %mul3A_28 = arith.constant 640 : i32
    %mul3A_29 = arith.muli %arg1, %mul3A_28 : i32
    %add3A_30 = arith.constant 256 : i32
    %add3A_31 = arith.addi %mul3A_29, %add3A_30 : i32
    "tpu.region"() ({
      %run_scoped3A = tpu.sem_alloc : memref<!tpu.dma_semaphore, #tpu.memory_space<semaphore_mem>>
      %dma_start3A_209 = arith.constant 0 : i32
      %dma_start3A_210 = tpu.memref_slice %arg10[%add3A_31, %dma_start3A_209] : memref<10240x64xf32, #tpu.memory_space<vmem_shared>> -> memref<128x64xf32, #tpu.memory_space<vmem_shared>>
      %dma_start3A_211 = arith.constant 0 : i32
      %dma_start3A_212 = tpu.memref_slice %arg10[%add3A_31, %dma_start3A_211] : memref<10240x64xf32, #tpu.memory_space<vmem_shared>> -> memref<128x64xf32, #tpu.memory_space<vmem_shared>>
      tpu.enqueue_dma source(%arg9 : memref<128x64xf32, #tpu.memory_space<vmem>>) target(%dma_start3A_212 : memref<128x64xf32, #tpu.memory_space<vmem_shared>>) target_semaphore(%run_scoped3A : memref<!tpu.dma_semaphore, #tpu.memory_space<semaphore_mem>>)
      %dma_wait3A_213 = arith.constant 0 : i32
      %dma_wait3A_214 = tpu.memref_slice %arg10[%add3A_31, %dma_wait3A_213] : memref<10240x64xf32, #tpu.memory_space<vmem_shared>> -> memref<128x64xf32, #tpu.memory_space<vmem_shared>>
      %dma_wait3A_215 = arith.constant 0 : i32
      %dma_wait3A_216 = tpu.memref_slice %arg10[%add3A_31, %dma_wait3A_215] : memref<10240x64xf32, #tpu.memory_space<vmem_shared>> -> memref<128x64xf32, #tpu.memory_space<vmem_shared>>
      tpu.wait_dma2 semaphore(%run_scoped3A : memref<!tpu.dma_semaphore, #tpu.memory_space<semaphore_mem>>) src(%arg9 : memref<128x64xf32, #tpu.memory_space<vmem>>) dst(%dma_wait3A_216 : memref<128x64xf32, #tpu.memory_space<vmem_shared>>)
      tpu.yield
    }) : () -> ()
    %mul3A_32 = arith.constant 640 : i32
    %mul3A_33 = arith.muli %arg1, %mul3A_32 : i32
    %add3A_34 = arith.constant 384 : i32
    %add3A_35 = arith.addi %mul3A_33, %add3A_34 : i32
    "tpu.region"() ({
      %run_scoped3A = tpu.sem_alloc : memref<!tpu.dma_semaphore, #tpu.memory_space<semaphore_mem>>
      %dma_start3A_209 = arith.constant 0 : i32
      %dma_start3A_210 = tpu.memref_slice %arg10[%add3A_35, %dma_start3A_209] : memref<10240x64xf32, #tpu.memory_space<vmem_shared>> -> memref<128x64xf32, #tpu.memory_space<vmem_shared>>
      %dma_start3A_211 = arith.constant 0 : i32
      %dma_start3A_212 = tpu.memref_slice %arg10[%add3A_35, %dma_start3A_211] : memref<10240x64xf32, #tpu.memory_space<vmem_shared>> -> memref<128x64xf32, #tpu.memory_space<vmem_shared>>
      tpu.enqueue_dma source(%arg9 : memref<128x64xf32, #tpu.memory_space<vmem>>) target(%dma_start3A_212 : memref<128x64xf32, #tpu.memory_space<vmem_shared>>) target_semaphore(%run_scoped3A : memref<!tpu.dma_semaphore, #tpu.memory_space<semaphore_mem>>)
      %dma_wait3A_213 = arith.constant 0 : i32
      %dma_wait3A_214 = tpu.memref_slice %arg10[%add3A_35, %dma_wait3A_213] : memref<10240x64xf32, #tpu.memory_space<vmem_shared>> -> memref<128x64xf32, #tpu.memory_space<vmem_shared>>
      %dma_wait3A_215 = arith.constant 0 : i32
      %dma_wait3A_216 = tpu.memref_slice %arg10[%add3A_35, %dma_wait3A_215] : memref<10240x64xf32, #tpu.memory_space<vmem_shared>> -> memref<128x64xf32, #tpu.memory_space<vmem_shared>>
      tpu.wait_dma2 semaphore(%run_scoped3A : memref<!tpu.dma_semaphore, #tpu.memory_space<semaphore_mem>>) src(%arg9 : memref<128x64xf32, #tpu.memory_space<vmem>>) dst(%dma_wait3A_216 : memref<128x64xf32, #tpu.memory_space<vmem_shared>>)
      tpu.yield
    }) : () -> ()
    %mul3A_36 = arith.constant 640 : i32
    %mul3A_37 = arith.muli %arg1, %mul3A_36 : i32
    %add3A_38 = arith.constant 512 : i32
    %add3A_39 = arith.addi %mul3A_37, %add3A_38 : i32
    "tpu.region"() ({
      %run_scoped3A = tpu.sem_alloc : memref<!tpu.dma_semaphore, #tpu.memory_space<semaphore_mem>>
      %dma_start3A_209 = arith.constant 0 : i32
      %dma_start3A_210 = tpu.memref_slice %arg10[%add3A_39, %dma_start3A_209] : memref<10240x64xf32, #tpu.memory_space<vmem_shared>> -> memref<128x64xf32, #tpu.memory_space<vmem_shared>>
      %dma_start3A_211 = arith.constant 0 : i32
      %dma_start3A_212 = tpu.memref_slice %arg10[%add3A_39, %dma_start3A_211] : memref<10240x64xf32, #tpu.memory_space<vmem_shared>> -> memref<128x64xf32, #tpu.memory_space<vmem_shared>>
      tpu.enqueue_dma source(%arg9 : memref<128x64xf32, #tpu.memory_space<vmem>>) target(%dma_start3A_212 : memref<128x64xf32, #tpu.memory_space<vmem_shared>>) target_semaphore(%run_scoped3A : memref<!tpu.dma_semaphore, #tpu.memory_space<semaphore_mem>>)
      %dma_wait3A_213 = arith.constant 0 : i32
      %dma_wait3A_214 = tpu.memref_slice %arg10[%add3A_39, %dma_wait3A_213] : memref<10240x64xf32, #tpu.memory_space<vmem_shared>> -> memref<128x64xf32, #tpu.memory_space<vmem_shared>>
      %dma_wait3A_215 = arith.constant 0 : i32
      %dma_wait3A_216 = tpu.memref_slice %arg10[%add3A_39, %dma_wait3A_215] : memref<10240x64xf32, #tpu.memory_space<vmem_shared>> -> memref<128x64xf32, #tpu.memory_space<vmem_shared>>
      tpu.wait_dma2 semaphore(%run_scoped3A : memref<!tpu.dma_semaphore, #tpu.memory_space<semaphore_mem>>) src(%arg9 : memref<128x64xf32, #tpu.memory_space<vmem>>) dst(%dma_wait3A_216 : memref<128x64xf32, #tpu.memory_space<vmem_shared>>)
      tpu.yield
    }) : () -> ()
    %barrier3A = arith.constant 0 : index
    tpu.barrier barrier_id(%barrier3A)
    %dma_start3A = arith.constant 0 : i32
    %dma_start3A_40 = arith.constant 0 : i32
    %dma_start3A_41 = arith.constant 0 : i32
    %dma_start3A_42 = arith.constant 0 : i32
    %dma_start3A_43 = tpu.memref_slice %arg8[%dma_start3A_40, %dma_start3A_41, %dma_start3A_42] : memref<4x125x64xf32, #tpu.memory_space<vmem>> -> memref<1x125x64xf32, #tpu.memory_space<vmem>>
    %dma_start3A_44 = tpu.memref_squeeze %dma_start3A_43 : memref<1x125x64xf32, #tpu.memory_space<vmem>> -> memref<125x64xf32, #tpu.memory_space<vmem>>
    %dma_start3A_45 = arith.constant 0 : i32
    %dma_start3A_46 = tpu.memref_slice %arg6[%dma_start3A, %dma_start3A_45] : memref<160x125xi32, #tpu.memory_space<vmem>> -> memref<1x125xi32, #tpu.memory_space<vmem>>
    %dma_start3A_47 = tpu.memref_squeeze %dma_start3A_46 : memref<1x125xi32, #tpu.memory_space<vmem>> -> memref<125xi32, #tpu.memory_space<vmem>>
    %dma_start3A_48 = arith.constant 0 : i32
    %dma_start3A_49 = arith.constant 0 : i32
    %dma_start3A_50 = tpu.memref_slice %arg2[%arg0, %dma_start3A_48, %dma_start3A_49] : memref<2x10000x64xf32, #tpu.memory_space<hbm>> -> memref<1x10000x64xf32, #tpu.memory_space<hbm>>
    %dma_start3A_51 = tpu.memref_squeeze %dma_start3A_50 : memref<1x10000x64xf32, #tpu.memory_space<hbm>> -> memref<10000x64xf32, #tpu.memory_space<hbm>>
    %dma_start3A_52 = arith.constant 0 : i32
    %dma_start3A_53 = arith.constant 0 : i32
    %dma_start3A_54 = tpu.memref_slice %dma_start3A_51[%dma_start3A_52, %dma_start3A_53] : memref<10000x64xf32, #tpu.memory_space<hbm>> -> memref<10000x64xf32, #tpu.memory_space<hbm>>
    tpu.enqueue_indirect_dma source(%dma_start3A_54 : memref<10000x64xf32, #tpu.memory_space<hbm>>) target(%dma_start3A_44 : memref<125x64xf32, #tpu.memory_space<vmem>>) offsets(%dma_start3A_47 : memref<125xi32, #tpu.memory_space<vmem>>) semaphore(%arg11 : memref<!tpu.dma_semaphore, #tpu.memory_space<semaphore_mem>>)
    %dma_start3A_55 = arith.constant 1 : i32
    %dma_start3A_56 = arith.constant 1 : i32
    %dma_start3A_57 = arith.constant 0 : i32
    %dma_start3A_58 = arith.constant 0 : i32
    %dma_start3A_59 = tpu.memref_slice %arg8[%dma_start3A_56, %dma_start3A_57, %dma_start3A_58] : memref<4x125x64xf32, #tpu.memory_space<vmem>> -> memref<1x125x64xf32, #tpu.memory_space<vmem>>
    %dma_start3A_60 = tpu.memref_squeeze %dma_start3A_59 : memref<1x125x64xf32, #tpu.memory_space<vmem>> -> memref<125x64xf32, #tpu.memory_space<vmem>>
    %dma_start3A_61 = arith.constant 0 : i32
    %dma_start3A_62 = tpu.memref_slice %arg6[%dma_start3A_55, %dma_start3A_61] : memref<160x125xi32, #tpu.memory_space<vmem>> -> memref<1x125xi32, #tpu.memory_space<vmem>>
    %dma_start3A_63 = tpu.memref_squeeze %dma_start3A_62 : memref<1x125xi32, #tpu.memory_space<vmem>> -> memref<125xi32, #tpu.memory_space<vmem>>
    %dma_start3A_64 = arith.constant 0 : i32
    %dma_start3A_65 = arith.constant 0 : i32
    %dma_start3A_66 = tpu.memref_slice %arg2[%arg0, %dma_start3A_64, %dma_start3A_65] : memref<2x10000x64xf32, #tpu.memory_space<hbm>> -> memref<1x10000x64xf32, #tpu.memory_space<hbm>>
    %dma_start3A_67 = tpu.memref_squeeze %dma_start3A_66 : memref<1x10000x64xf32, #tpu.memory_space<hbm>> -> memref<10000x64xf32, #tpu.memory_space<hbm>>
    %dma_start3A_68 = arith.constant 0 : i32
    %dma_start3A_69 = arith.constant 0 : i32
    %dma_start3A_70 = tpu.memref_slice %dma_start3A_67[%dma_start3A_68, %dma_start3A_69] : memref<10000x64xf32, #tpu.memory_space<hbm>> -> memref<10000x64xf32, #tpu.memory_space<hbm>>
    tpu.enqueue_indirect_dma source(%dma_start3A_70 : memref<10000x64xf32, #tpu.memory_space<hbm>>) target(%dma_start3A_60 : memref<125x64xf32, #tpu.memory_space<vmem>>) offsets(%dma_start3A_63 : memref<125xi32, #tpu.memory_space<vmem>>) semaphore(%arg12 : memref<!tpu.dma_semaphore, #tpu.memory_space<semaphore_mem>>)
    %dma_start3A_71 = arith.constant 2 : i32
    %dma_start3A_72 = arith.constant 2 : i32
    %dma_start3A_73 = arith.constant 0 : i32
    %dma_start3A_74 = arith.constant 0 : i32
    %dma_start3A_75 = tpu.memref_slice %arg8[%dma_start3A_72, %dma_start3A_73, %dma_start3A_74] : memref<4x125x64xf32, #tpu.memory_space<vmem>> -> memref<1x125x64xf32, #tpu.memory_space<vmem>>
    %dma_start3A_76 = tpu.memref_squeeze %dma_start3A_75 : memref<1x125x64xf32, #tpu.memory_space<vmem>> -> memref<125x64xf32, #tpu.memory_space<vmem>>
    %dma_start3A_77 = arith.constant 0 : i32
    %dma_start3A_78 = tpu.memref_slice %arg6[%dma_start3A_71, %dma_start3A_77] : memref<160x125xi32, #tpu.memory_space<vmem>> -> memref<1x125xi32, #tpu.memory_space<vmem>>
    %dma_start3A_79 = tpu.memref_squeeze %dma_start3A_78 : memref<1x125xi32, #tpu.memory_space<vmem>> -> memref<125xi32, #tpu.memory_space<vmem>>
    %dma_start3A_80 = arith.constant 0 : i32
    %dma_start3A_81 = arith.constant 0 : i32
    %dma_start3A_82 = tpu.memref_slice %arg2[%arg0, %dma_start3A_80, %dma_start3A_81] : memref<2x10000x64xf32, #tpu.memory_space<hbm>> -> memref<1x10000x64xf32, #tpu.memory_space<hbm>>
    %dma_start3A_83 = tpu.memref_squeeze %dma_start3A_82 : memref<1x10000x64xf32, #tpu.memory_space<hbm>> -> memref<10000x64xf32, #tpu.memory_space<hbm>>
    %dma_start3A_84 = arith.constant 0 : i32
    %dma_start3A_85 = arith.constant 0 : i32
    %dma_start3A_86 = tpu.memref_slice %dma_start3A_83[%dma_start3A_84, %dma_start3A_85] : memref<10000x64xf32, #tpu.memory_space<hbm>> -> memref<10000x64xf32, #tpu.memory_space<hbm>>
    tpu.enqueue_indirect_dma source(%dma_start3A_86 : memref<10000x64xf32, #tpu.memory_space<hbm>>) target(%dma_start3A_76 : memref<125x64xf32, #tpu.memory_space<vmem>>) offsets(%dma_start3A_79 : memref<125xi32, #tpu.memory_space<vmem>>) semaphore(%arg13 : memref<!tpu.dma_semaphore, #tpu.memory_space<semaphore_mem>>)
    %dma_start3A_87 = arith.constant 3 : i32
    %dma_start3A_88 = arith.constant 3 : i32
    %dma_start3A_89 = arith.constant 0 : i32
    %dma_start3A_90 = arith.constant 0 : i32
    %dma_start3A_91 = tpu.memref_slice %arg8[%dma_start3A_88, %dma_start3A_89, %dma_start3A_90] : memref<4x125x64xf32, #tpu.memory_space<vmem>> -> memref<1x125x64xf32, #tpu.memory_space<vmem>>
    %dma_start3A_92 = tpu.memref_squeeze %dma_start3A_91 : memref<1x125x64xf32, #tpu.memory_space<vmem>> -> memref<125x64xf32, #tpu.memory_space<vmem>>
    %dma_start3A_93 = arith.constant 0 : i32
    %dma_start3A_94 = tpu.memref_slice %arg6[%dma_start3A_87, %dma_start3A_93] : memref<160x125xi32, #tpu.memory_space<vmem>> -> memref<1x125xi32, #tpu.memory_space<vmem>>
    %dma_start3A_95 = tpu.memref_squeeze %dma_start3A_94 : memref<1x125xi32, #tpu.memory_space<vmem>> -> memref<125xi32, #tpu.memory_space<vmem>>
    %dma_start3A_96 = arith.constant 0 : i32
    %dma_start3A_97 = arith.constant 0 : i32
    %dma_start3A_98 = tpu.memref_slice %arg2[%arg0, %dma_start3A_96, %dma_start3A_97] : memref<2x10000x64xf32, #tpu.memory_space<hbm>> -> memref<1x10000x64xf32, #tpu.memory_space<hbm>>
    %dma_start3A_99 = tpu.memref_squeeze %dma_start3A_98 : memref<1x10000x64xf32, #tpu.memory_space<hbm>> -> memref<10000x64xf32, #tpu.memory_space<hbm>>
    %dma_start3A_100 = arith.constant 0 : i32
    %dma_start3A_101 = arith.constant 0 : i32
    %dma_start3A_102 = tpu.memref_slice %dma_start3A_99[%dma_start3A_100, %dma_start3A_101] : memref<10000x64xf32, #tpu.memory_space<hbm>> -> memref<10000x64xf32, #tpu.memory_space<hbm>>
    tpu.enqueue_indirect_dma source(%dma_start3A_102 : memref<10000x64xf32, #tpu.memory_space<hbm>>) target(%dma_start3A_92 : memref<125x64xf32, #tpu.memory_space<vmem>>) offsets(%dma_start3A_95 : memref<125xi32, #tpu.memory_space<vmem>>) semaphore(%arg14 : memref<!tpu.dma_semaphore, #tpu.memory_space<semaphore_mem>>)
    %scan3A_103 = arith.constant 0 : i32
    %scan3A_104 = arith.constant 0 : i32
    %scan3A_105 = arith.constant 1 : i32
    %scan3A_106 = arith.constant 2 : i32
    %scan3A_107 = arith.constant 3 : i32
    %scan3A_108 = arith.constant 0 : i32
    %scan3A_109 = arith.constant 40 : i32
    %scan3A_110 = arith.addi %scan3A_108, %scan3A_109 : i32
    %scan3A_111 = arith.constant 1 : i32
    scf.for %scan3A_209 = %scan3A_108 to %scan3A_110 step %scan3A_111  : i32 {
      %dma_wait3A_210 = arith.constant 0 : i32
      %dma_wait3A_211 = arith.constant 0 : i32
      %dma_wait3A_212 = tpu.memref_slice %arg8[%scan3A_104, %dma_wait3A_210, %dma_wait3A_211] : memref<4x125x64xf32, #tpu.memory_space<vmem>> -> memref<1x125x64xf32, #tpu.memory_space<vmem>>
      %dma_wait3A_213 = tpu.memref_squeeze %dma_wait3A_212 : memref<1x125x64xf32, #tpu.memory_space<vmem>> -> memref<125x64xf32, #tpu.memory_space<vmem>>
      %dma_wait3A_214 = arith.constant 0 : i32
      %dma_wait3A_215 = arith.constant 0 : i32
      %dma_wait3A_216 = tpu.memref_slice %arg2[%arg0, %dma_wait3A_214, %dma_wait3A_215] : memref<2x10000x64xf32, #tpu.memory_space<hbm>> -> memref<1x10000x64xf32, #tpu.memory_space<hbm>>
      %dma_wait3A_217 = tpu.memref_squeeze %dma_wait3A_216 : memref<1x10000x64xf32, #tpu.memory_space<hbm>> -> memref<10000x64xf32, #tpu.memory_space<hbm>>
      %dma_wait3A_218 = arith.constant 0 : i32
      %dma_wait3A_219 = arith.constant 0 : i32
      %dma_wait3A_220 = tpu.memref_slice %dma_wait3A_217[%dma_wait3A_218, %dma_wait3A_219] : memref<10000x64xf32, #tpu.memory_space<hbm>> -> memref<125x64xf32, #tpu.memory_space<hbm>>
      %dma_wait3A_221 = arith.constant 0 : i32
      %dma_wait3A_222 = arith.constant 0 : i32
      %dma_wait3A_223 = tpu.memref_slice %arg8[%scan3A_104, %dma_wait3A_221, %dma_wait3A_222] : memref<4x125x64xf32, #tpu.memory_space<vmem>> -> memref<1x125x64xf32, #tpu.memory_space<vmem>>
      %dma_wait3A_224 = tpu.memref_squeeze %dma_wait3A_223 : memref<1x125x64xf32, #tpu.memory_space<vmem>> -> memref<125x64xf32, #tpu.memory_space<vmem>>
      %dma_wait3A_225 = arith.constant 0 : i32
      %dma_wait3A_226 = arith.constant 0 : i32
      %dma_wait3A_227 = tpu.memref_slice %arg2[%arg0, %dma_wait3A_225, %dma_wait3A_226] : memref<2x10000x64xf32, #tpu.memory_space<hbm>> -> memref<1x10000x64xf32, #tpu.memory_space<hbm>>
      %dma_wait3A_228 = tpu.memref_squeeze %dma_wait3A_227 : memref<1x10000x64xf32, #tpu.memory_space<hbm>> -> memref<10000x64xf32, #tpu.memory_space<hbm>>
      %dma_wait3A_229 = arith.constant 0 : i32
      %dma_wait3A_230 = arith.constant 0 : i32
      %dma_wait3A_231 = tpu.memref_slice %dma_wait3A_228[%dma_wait3A_229, %dma_wait3A_230] : memref<10000x64xf32, #tpu.memory_space<hbm>> -> memref<125x64xf32, #tpu.memory_space<hbm>>
      tpu.wait_dma2 semaphore(%arg11 : memref<!tpu.dma_semaphore, #tpu.memory_space<semaphore_mem>>) src(%dma_wait3A_231 : memref<125x64xf32, #tpu.memory_space<hbm>>) dst(%dma_wait3A_224 : memref<125x64xf32, #tpu.memory_space<vmem>>)
      %mul3A_232 = arith.constant 4 : i32
      %mul3A_233 = arith.muli %mul3A_232, %scan3A_209 : i32
      %add3A_234 = arith.constant 0 : i32
      %add3A_235 = arith.addi %mul3A_233, %add3A_234 : i32
      %dma_start3A_236 = arith.constant 0 : i32
      %dma_start3A_237 = arith.constant 0 : i32
      %dma_start3A_238 = tpu.memref_slice %arg8[%scan3A_104, %dma_start3A_236, %dma_start3A_237] : memref<4x125x64xf32, #tpu.memory_space<vmem>> -> memref<1x125x64xf32, #tpu.memory_space<vmem>>
      %dma_start3A_239 = tpu.memref_squeeze %dma_start3A_238 : memref<1x125x64xf32, #tpu.memory_space<vmem>> -> memref<125x64xf32, #tpu.memory_space<vmem>>
      %dma_start3A_240 = arith.constant 0 : i32
      %dma_start3A_241 = tpu.memref_slice %arg7[%add3A_235, %dma_start3A_240] : memref<160x125xi32, #tpu.memory_space<vmem>> -> memref<1x125xi32, #tpu.memory_space<vmem>>
      %dma_start3A_242 = tpu.memref_squeeze %dma_start3A_241 : memref<1x125xi32, #tpu.memory_space<vmem>> -> memref<125xi32, #tpu.memory_space<vmem>>
      %dma_start3A_243 = arith.constant 0 : i32
      %dma_start3A_244 = arith.constant 0 : i32
      %dma_start3A_245 = tpu.memref_slice %arg10[%dma_start3A_243, %dma_start3A_244] : memref<10240x64xf32, #tpu.memory_space<vmem_shared>> -> memref<10240x64xf32, #tpu.memory_space<vmem_shared>>
      tpu.enqueue_indirect_dma source(%dma_start3A_239 : memref<125x64xf32, #tpu.memory_space<vmem>>) target(%dma_start3A_245 : memref<10240x64xf32, #tpu.memory_space<vmem_shared>>) offsets(%dma_start3A_242 : memref<125xi32, #tpu.memory_space<vmem>>) semaphore(%arg11 : memref<!tpu.dma_semaphore, #tpu.memory_space<semaphore_mem>>) {add = true}
      %dma_wait3A_246 = arith.constant 0 : i32
      %dma_wait3A_247 = arith.constant 0 : i32
      %dma_wait3A_248 = tpu.memref_slice %arg8[%scan3A_105, %dma_wait3A_246, %dma_wait3A_247] : memref<4x125x64xf32, #tpu.memory_space<vmem>> -> memref<1x125x64xf32, #tpu.memory_space<vmem>>
      %dma_wait3A_249 = tpu.memref_squeeze %dma_wait3A_248 : memref<1x125x64xf32, #tpu.memory_space<vmem>> -> memref<125x64xf32, #tpu.memory_space<vmem>>
      %dma_wait3A_250 = arith.constant 0 : i32
      %dma_wait3A_251 = arith.constant 0 : i32
      %dma_wait3A_252 = tpu.memref_slice %arg2[%arg0, %dma_wait3A_250, %dma_wait3A_251] : memref<2x10000x64xf32, #tpu.memory_space<hbm>> -> memref<1x10000x64xf32, #tpu.memory_space<hbm>>
      %dma_wait3A_253 = tpu.memref_squeeze %dma_wait3A_252 : memref<1x10000x64xf32, #tpu.memory_space<hbm>> -> memref<10000x64xf32, #tpu.memory_space<hbm>>
      %dma_wait3A_254 = arith.constant 0 : i32
      %dma_wait3A_255 = arith.constant 0 : i32
      %dma_wait3A_256 = tpu.memref_slice %dma_wait3A_253[%dma_wait3A_254, %dma_wait3A_255] : memref<10000x64xf32, #tpu.memory_space<hbm>> -> memref<125x64xf32, #tpu.memory_space<hbm>>
      %dma_wait3A_257 = arith.constant 0 : i32
      %dma_wait3A_258 = arith.constant 0 : i32
      %dma_wait3A_259 = tpu.memref_slice %arg8[%scan3A_105, %dma_wait3A_257, %dma_wait3A_258] : memref<4x125x64xf32, #tpu.memory_space<vmem>> -> memref<1x125x64xf32, #tpu.memory_space<vmem>>
      %dma_wait3A_260 = tpu.memref_squeeze %dma_wait3A_259 : memref<1x125x64xf32, #tpu.memory_space<vmem>> -> memref<125x64xf32, #tpu.memory_space<vmem>>
      %dma_wait3A_261 = arith.constant 0 : i32
      %dma_wait3A_262 = arith.constant 0 : i32
      %dma_wait3A_263 = tpu.memref_slice %arg2[%arg0, %dma_wait3A_261, %dma_wait3A_262] : memref<2x10000x64xf32, #tpu.memory_space<hbm>> -> memref<1x10000x64xf32, #tpu.memory_space<hbm>>
      %dma_wait3A_264 = tpu.memref_squeeze %dma_wait3A_263 : memref<1x10000x64xf32, #tpu.memory_space<hbm>> -> memref<10000x64xf32, #tpu.memory_space<hbm>>
      %dma_wait3A_265 = arith.constant 0 : i32
      %dma_wait3A_266 = arith.constant 0 : i32
      %dma_wait3A_267 = tpu.memref_slice %dma_wait3A_264[%dma_wait3A_265, %dma_wait3A_266] : memref<10000x64xf32, #tpu.memory_space<hbm>> -> memref<125x64xf32, #tpu.memory_space<hbm>>
      tpu.wait_dma2 semaphore(%arg12 : memref<!tpu.dma_semaphore, #tpu.memory_space<semaphore_mem>>) src(%dma_wait3A_267 : memref<125x64xf32, #tpu.memory_space<hbm>>) dst(%dma_wait3A_260 : memref<125x64xf32, #tpu.memory_space<vmem>>)
      %mul3A_268 = arith.constant 4 : i32
      %mul3A_269 = arith.muli %mul3A_268, %scan3A_209 : i32
      %add3A_270 = arith.constant 1 : i32
      %add3A_271 = arith.addi %mul3A_269, %add3A_270 : i32
      %dma_start3A_272 = arith.constant 0 : i32
      %dma_start3A_273 = arith.constant 0 : i32
      %dma_start3A_274 = tpu.memref_slice %arg8[%scan3A_105, %dma_start3A_272, %dma_start3A_273] : memref<4x125x64xf32, #tpu.memory_space<vmem>> -> memref<1x125x64xf32, #tpu.memory_space<vmem>>
      %dma_start3A_275 = tpu.memref_squeeze %dma_start3A_274 : memref<1x125x64xf32, #tpu.memory_space<vmem>> -> memref<125x64xf32, #tpu.memory_space<vmem>>
      %dma_start3A_276 = arith.constant 0 : i32
      %dma_start3A_277 = tpu.memref_slice %arg7[%add3A_271, %dma_start3A_276] : memref<160x125xi32, #tpu.memory_space<vmem>> -> memref<1x125xi32, #tpu.memory_space<vmem>>
      %dma_start3A_278 = tpu.memref_squeeze %dma_start3A_277 : memref<1x125xi32, #tpu.memory_space<vmem>> -> memref<125xi32, #tpu.memory_space<vmem>>
      %dma_start3A_279 = arith.constant 0 : i32
      %dma_start3A_280 = arith.constant 0 : i32
      %dma_start3A_281 = tpu.memref_slice %arg10[%dma_start3A_279, %dma_start3A_280] : memref<10240x64xf32, #tpu.memory_space<vmem_shared>> -> memref<10240x64xf32, #tpu.memory_space<vmem_shared>>
      tpu.enqueue_indirect_dma source(%dma_start3A_275 : memref<125x64xf32, #tpu.memory_space<vmem>>) target(%dma_start3A_281 : memref<10240x64xf32, #tpu.memory_space<vmem_shared>>) offsets(%dma_start3A_278 : memref<125xi32, #tpu.memory_space<vmem>>) semaphore(%arg12 : memref<!tpu.dma_semaphore, #tpu.memory_space<semaphore_mem>>) {add = true}
      %dma_wait3A_282 = arith.constant 0 : i32
      %dma_wait3A_283 = arith.constant 0 : i32
      %dma_wait3A_284 = tpu.memref_slice %arg8[%scan3A_106, %dma_wait3A_282, %dma_wait3A_283] : memref<4x125x64xf32, #tpu.memory_space<vmem>> -> memref<1x125x64xf32, #tpu.memory_space<vmem>>
      %dma_wait3A_285 = tpu.memref_squeeze %dma_wait3A_284 : memref<1x125x64xf32, #tpu.memory_space<vmem>> -> memref<125x64xf32, #tpu.memory_space<vmem>>
      %dma_wait3A_286 = arith.constant 0 : i32
      %dma_wait3A_287 = arith.constant 0 : i32
      %dma_wait3A_288 = tpu.memref_slice %arg2[%arg0, %dma_wait3A_286, %dma_wait3A_287] : memref<2x10000x64xf32, #tpu.memory_space<hbm>> -> memref<1x10000x64xf32, #tpu.memory_space<hbm>>
      %dma_wait3A_289 = tpu.memref_squeeze %dma_wait3A_288 : memref<1x10000x64xf32, #tpu.memory_space<hbm>> -> memref<10000x64xf32, #tpu.memory_space<hbm>>
      %dma_wait3A_290 = arith.constant 0 : i32
      %dma_wait3A_291 = arith.constant 0 : i32
      %dma_wait3A_292 = tpu.memref_slice %dma_wait3A_289[%dma_wait3A_290, %dma_wait3A_291] : memref<10000x64xf32, #tpu.memory_space<hbm>> -> memref<125x64xf32, #tpu.memory_space<hbm>>
      %dma_wait3A_293 = arith.constant 0 : i32
      %dma_wait3A_294 = arith.constant 0 : i32
      %dma_wait3A_295 = tpu.memref_slice %arg8[%scan3A_106, %dma_wait3A_293, %dma_wait3A_294] : memref<4x125x64xf32, #tpu.memory_space<vmem>> -> memref<1x125x64xf32, #tpu.memory_space<vmem>>
      %dma_wait3A_296 = tpu.memref_squeeze %dma_wait3A_295 : memref<1x125x64xf32, #tpu.memory_space<vmem>> -> memref<125x64xf32, #tpu.memory_space<vmem>>
      %dma_wait3A_297 = arith.constant 0 : i32
      %dma_wait3A_298 = arith.constant 0 : i32
      %dma_wait3A_299 = tpu.memref_slice %arg2[%arg0, %dma_wait3A_297, %dma_wait3A_298] : memref<2x10000x64xf32, #tpu.memory_space<hbm>> -> memref<1x10000x64xf32, #tpu.memory_space<hbm>>
      %dma_wait3A_300 = tpu.memref_squeeze %dma_wait3A_299 : memref<1x10000x64xf32, #tpu.memory_space<hbm>> -> memref<10000x64xf32, #tpu.memory_space<hbm>>
      %dma_wait3A_301 = arith.constant 0 : i32
      %dma_wait3A_302 = arith.constant 0 : i32
      %dma_wait3A_303 = tpu.memref_slice %dma_wait3A_300[%dma_wait3A_301, %dma_wait3A_302] : memref<10000x64xf32, #tpu.memory_space<hbm>> -> memref<125x64xf32, #tpu.memory_space<hbm>>
      tpu.wait_dma2 semaphore(%arg13 : memref<!tpu.dma_semaphore, #tpu.memory_space<semaphore_mem>>) src(%dma_wait3A_303 : memref<125x64xf32, #tpu.memory_space<hbm>>) dst(%dma_wait3A_296 : memref<125x64xf32, #tpu.memory_space<vmem>>)
      %mul3A_304 = arith.constant 4 : i32
      %mul3A_305 = arith.muli %mul3A_304, %scan3A_209 : i32
      %add3A_306 = arith.constant 2 : i32
      %add3A_307 = arith.addi %mul3A_305, %add3A_306 : i32
      %dma_start3A_308 = arith.constant 0 : i32
      %dma_start3A_309 = arith.constant 0 : i32
      %dma_start3A_310 = tpu.memref_slice %arg8[%scan3A_106, %dma_start3A_308, %dma_start3A_309] : memref<4x125x64xf32, #tpu.memory_space<vmem>> -> memref<1x125x64xf32, #tpu.memory_space<vmem>>
      %dma_start3A_311 = tpu.memref_squeeze %dma_start3A_310 : memref<1x125x64xf32, #tpu.memory_space<vmem>> -> memref<125x64xf32, #tpu.memory_space<vmem>>
      %dma_start3A_312 = arith.constant 0 : i32
      %dma_start3A_313 = tpu.memref_slice %arg7[%add3A_307, %dma_start3A_312] : memref<160x125xi32, #tpu.memory_space<vmem>> -> memref<1x125xi32, #tpu.memory_space<vmem>>
      %dma_start3A_314 = tpu.memref_squeeze %dma_start3A_313 : memref<1x125xi32, #tpu.memory_space<vmem>> -> memref<125xi32, #tpu.memory_space<vmem>>
      %dma_start3A_315 = arith.constant 0 : i32
      %dma_start3A_316 = arith.constant 0 : i32
      %dma_start3A_317 = tpu.memref_slice %arg10[%dma_start3A_315, %dma_start3A_316] : memref<10240x64xf32, #tpu.memory_space<vmem_shared>> -> memref<10240x64xf32, #tpu.memory_space<vmem_shared>>
      tpu.enqueue_indirect_dma source(%dma_start3A_311 : memref<125x64xf32, #tpu.memory_space<vmem>>) target(%dma_start3A_317 : memref<10240x64xf32, #tpu.memory_space<vmem_shared>>) offsets(%dma_start3A_314 : memref<125xi32, #tpu.memory_space<vmem>>) semaphore(%arg13 : memref<!tpu.dma_semaphore, #tpu.memory_space<semaphore_mem>>) {add = true}
      %dma_wait3A_318 = arith.constant 0 : i32
      %dma_wait3A_319 = arith.constant 0 : i32
      %dma_wait3A_320 = tpu.memref_slice %arg8[%scan3A_107, %dma_wait3A_318, %dma_wait3A_319] : memref<4x125x64xf32, #tpu.memory_space<vmem>> -> memref<1x125x64xf32, #tpu.memory_space<vmem>>
      %dma_wait3A_321 = tpu.memref_squeeze %dma_wait3A_320 : memref<1x125x64xf32, #tpu.memory_space<vmem>> -> memref<125x64xf32, #tpu.memory_space<vmem>>
      %dma_wait3A_322 = arith.constant 0 : i32
      %dma_wait3A_323 = arith.constant 0 : i32
      %dma_wait3A_324 = tpu.memref_slice %arg2[%arg0, %dma_wait3A_322, %dma_wait3A_323] : memref<2x10000x64xf32, #tpu.memory_space<hbm>> -> memref<1x10000x64xf32, #tpu.memory_space<hbm>>
      %dma_wait3A_325 = tpu.memref_squeeze %dma_wait3A_324 : memref<1x10000x64xf32, #tpu.memory_space<hbm>> -> memref<10000x64xf32, #tpu.memory_space<hbm>>
      %dma_wait3A_326 = arith.constant 0 : i32
      %dma_wait3A_327 = arith.constant 0 : i32
      %dma_wait3A_328 = tpu.memref_slice %dma_wait3A_325[%dma_wait3A_326, %dma_wait3A_327] : memref<10000x64xf32, #tpu.memory_space<hbm>> -> memref<125x64xf32, #tpu.memory_space<hbm>>
      %dma_wait3A_329 = arith.constant 0 : i32
      %dma_wait3A_330 = arith.constant 0 : i32
      %dma_wait3A_331 = tpu.memref_slice %arg8[%scan3A_107, %dma_wait3A_329, %dma_wait3A_330] : memref<4x125x64xf32, #tpu.memory_space<vmem>> -> memref<1x125x64xf32, #tpu.memory_space<vmem>>
      %dma_wait3A_332 = tpu.memref_squeeze %dma_wait3A_331 : memref<1x125x64xf32, #tpu.memory_space<vmem>> -> memref<125x64xf32, #tpu.memory_space<vmem>>
      %dma_wait3A_333 = arith.constant 0 : i32
      %dma_wait3A_334 = arith.constant 0 : i32
      %dma_wait3A_335 = tpu.memref_slice %arg2[%arg0, %dma_wait3A_333, %dma_wait3A_334] : memref<2x10000x64xf32, #tpu.memory_space<hbm>> -> memref<1x10000x64xf32, #tpu.memory_space<hbm>>
      %dma_wait3A_336 = tpu.memref_squeeze %dma_wait3A_335 : memref<1x10000x64xf32, #tpu.memory_space<hbm>> -> memref<10000x64xf32, #tpu.memory_space<hbm>>
      %dma_wait3A_337 = arith.constant 0 : i32
      %dma_wait3A_338 = arith.constant 0 : i32
      %dma_wait3A_339 = tpu.memref_slice %dma_wait3A_336[%dma_wait3A_337, %dma_wait3A_338] : memref<10000x64xf32, #tpu.memory_space<hbm>> -> memref<125x64xf32, #tpu.memory_space<hbm>>
      tpu.wait_dma2 semaphore(%arg14 : memref<!tpu.dma_semaphore, #tpu.memory_space<semaphore_mem>>) src(%dma_wait3A_339 : memref<125x64xf32, #tpu.memory_space<hbm>>) dst(%dma_wait3A_332 : memref<125x64xf32, #tpu.memory_space<vmem>>)
      %mul3A_340 = arith.constant 4 : i32
      %mul3A_341 = arith.muli %mul3A_340, %scan3A_209 : i32
      %add3A_342 = arith.constant 3 : i32
      %add3A_343 = arith.addi %mul3A_341, %add3A_342 : i32
      %dma_start3A_344 = arith.constant 0 : i32
      %dma_start3A_345 = arith.constant 0 : i32
      %dma_start3A_346 = tpu.memref_slice %arg8[%scan3A_107, %dma_start3A_344, %dma_start3A_345] : memref<4x125x64xf32, #tpu.memory_space<vmem>> -> memref<1x125x64xf32, #tpu.memory_space<vmem>>
      %dma_start3A_347 = tpu.memref_squeeze %dma_start3A_346 : memref<1x125x64xf32, #tpu.memory_space<vmem>> -> memref<125x64xf32, #tpu.memory_space<vmem>>
      %dma_start3A_348 = arith.constant 0 : i32
      %dma_start3A_349 = tpu.memref_slice %arg7[%add3A_343, %dma_start3A_348] : memref<160x125xi32, #tpu.memory_space<vmem>> -> memref<1x125xi32, #tpu.memory_space<vmem>>
      %dma_start3A_350 = tpu.memref_squeeze %dma_start3A_349 : memref<1x125xi32, #tpu.memory_space<vmem>> -> memref<125xi32, #tpu.memory_space<vmem>>
      %dma_start3A_351 = arith.constant 0 : i32
      %dma_start3A_352 = arith.constant 0 : i32
      %dma_start3A_353 = tpu.memref_slice %arg10[%dma_start3A_351, %dma_start3A_352] : memref<10240x64xf32, #tpu.memory_space<vmem_shared>> -> memref<10240x64xf32, #tpu.memory_space<vmem_shared>>
      tpu.enqueue_indirect_dma source(%dma_start3A_347 : memref<125x64xf32, #tpu.memory_space<vmem>>) target(%dma_start3A_353 : memref<10240x64xf32, #tpu.memory_space<vmem_shared>>) offsets(%dma_start3A_350 : memref<125xi32, #tpu.memory_space<vmem>>) semaphore(%arg14 : memref<!tpu.dma_semaphore, #tpu.memory_space<semaphore_mem>>) {add = true}
      %lt3A = arith.constant 39 : i32
      %lt3A_354 = arith.cmpi slt, %scan3A_209, %lt3A : i32
      %convert_element_type3A = arith.extui %lt3A_354 : i1 to i32
      %cond3A = arith.constant 0 : i32
      %cond3A_355 = arith.cmpi ne, %convert_element_type3A, %cond3A : i32
      scf.if %cond3A_355 {
        %dma_wait3A_356 = arith.constant 0 : i32
        %dma_wait3A_357 = arith.constant 0 : i32
        %dma_wait3A_358 = tpu.memref_slice %arg8[%scan3A_104, %dma_wait3A_356, %dma_wait3A_357] : memref<4x125x64xf32, #tpu.memory_space<vmem>> -> memref<1x125x64xf32, #tpu.memory_space<vmem>>
        %dma_wait3A_359 = tpu.memref_squeeze %dma_wait3A_358 : memref<1x125x64xf32, #tpu.memory_space<vmem>> -> memref<125x64xf32, #tpu.memory_space<vmem>>
        %dma_wait3A_360 = arith.constant 0 : i32
        %dma_wait3A_361 = arith.constant 0 : i32
        %dma_wait3A_362 = tpu.memref_slice %arg2[%arg0, %dma_wait3A_360, %dma_wait3A_361] : memref<2x10000x64xf32, #tpu.memory_space<hbm>> -> memref<1x10000x64xf32, #tpu.memory_space<hbm>>
        %dma_wait3A_363 = tpu.memref_squeeze %dma_wait3A_362 : memref<1x10000x64xf32, #tpu.memory_space<hbm>> -> memref<10000x64xf32, #tpu.memory_space<hbm>>
        %dma_wait3A_364 = arith.constant 0 : i32
        %dma_wait3A_365 = arith.constant 0 : i32
        %dma_wait3A_366 = tpu.memref_slice %dma_wait3A_363[%dma_wait3A_364, %dma_wait3A_365] : memref<10000x64xf32, #tpu.memory_space<hbm>> -> memref<125x64xf32, #tpu.memory_space<hbm>>
        %dma_wait3A_367 = arith.constant 0 : i32
        %dma_wait3A_368 = arith.constant 0 : i32
        %dma_wait3A_369 = tpu.memref_slice %arg8[%scan3A_104, %dma_wait3A_367, %dma_wait3A_368] : memref<4x125x64xf32, #tpu.memory_space<vmem>> -> memref<1x125x64xf32, #tpu.memory_space<vmem>>
        %dma_wait3A_370 = tpu.memref_squeeze %dma_wait3A_369 : memref<1x125x64xf32, #tpu.memory_space<vmem>> -> memref<125x64xf32, #tpu.memory_space<vmem>>
        %dma_wait3A_371 = arith.constant 0 : i32
        %dma_wait3A_372 = arith.constant 0 : i32
        %dma_wait3A_373 = tpu.memref_slice %arg2[%arg0, %dma_wait3A_371, %dma_wait3A_372] : memref<2x10000x64xf32, #tpu.memory_space<hbm>> -> memref<1x10000x64xf32, #tpu.memory_space<hbm>>
        %dma_wait3A_374 = tpu.memref_squeeze %dma_wait3A_373 : memref<1x10000x64xf32, #tpu.memory_space<hbm>> -> memref<10000x64xf32, #tpu.memory_space<hbm>>
        %dma_wait3A_375 = arith.constant 0 : i32
        %dma_wait3A_376 = arith.constant 0 : i32
        %dma_wait3A_377 = tpu.memref_slice %dma_wait3A_374[%dma_wait3A_375, %dma_wait3A_376] : memref<10000x64xf32, #tpu.memory_space<hbm>> -> memref<125x64xf32, #tpu.memory_space<hbm>>
        tpu.wait_dma2 semaphore(%arg11 : memref<!tpu.dma_semaphore, #tpu.memory_space<semaphore_mem>>) src(%dma_wait3A_377 : memref<125x64xf32, #tpu.memory_space<hbm>>) dst(%dma_wait3A_370 : memref<125x64xf32, #tpu.memory_space<vmem>>)
        %mul3A_378 = arith.constant 4 : i32
        %mul3A_379 = arith.muli %mul3A_378, %scan3A_209 : i32
        %add3A_380 = arith.constant 0 : i32
        %add3A_381 = arith.addi %mul3A_379, %add3A_380 : i32
        %add3A_382 = arith.constant 4 : i32
        %add3A_383 = arith.addi %add3A_381, %add3A_382 : i32
        %dma_start3A_384 = arith.constant 0 : i32
        %dma_start3A_385 = arith.constant 0 : i32
        %dma_start3A_386 = tpu.memref_slice %arg8[%scan3A_104, %dma_start3A_384, %dma_start3A_385] : memref<4x125x64xf32, #tpu.memory_space<vmem>> -> memref<1x125x64xf32, #tpu.memory_space<vmem>>
        %dma_start3A_387 = tpu.memref_squeeze %dma_start3A_386 : memref<1x125x64xf32, #tpu.memory_space<vmem>> -> memref<125x64xf32, #tpu.memory_space<vmem>>
        %dma_start3A_388 = arith.constant 0 : i32
        %dma_start3A_389 = tpu.memref_slice %arg6[%add3A_383, %dma_start3A_388] : memref<160x125xi32, #tpu.memory_space<vmem>> -> memref<1x125xi32, #tpu.memory_space<vmem>>
        %dma_start3A_390 = tpu.memref_squeeze %dma_start3A_389 : memref<1x125xi32, #tpu.memory_space<vmem>> -> memref<125xi32, #tpu.memory_space<vmem>>
        %dma_start3A_391 = arith.constant 0 : i32
        %dma_start3A_392 = arith.constant 0 : i32
        %dma_start3A_393 = tpu.memref_slice %arg2[%arg0, %dma_start3A_391, %dma_start3A_392] : memref<2x10000x64xf32, #tpu.memory_space<hbm>> -> memref<1x10000x64xf32, #tpu.memory_space<hbm>>
        %dma_start3A_394 = tpu.memref_squeeze %dma_start3A_393 : memref<1x10000x64xf32, #tpu.memory_space<hbm>> -> memref<10000x64xf32, #tpu.memory_space<hbm>>
        %dma_start3A_395 = arith.constant 0 : i32
        %dma_start3A_396 = arith.constant 0 : i32
        %dma_start3A_397 = tpu.memref_slice %dma_start3A_394[%dma_start3A_395, %dma_start3A_396] : memref<10000x64xf32, #tpu.memory_space<hbm>> -> memref<10000x64xf32, #tpu.memory_space<hbm>>
        tpu.enqueue_indirect_dma source(%dma_start3A_397 : memref<10000x64xf32, #tpu.memory_space<hbm>>) target(%dma_start3A_387 : memref<125x64xf32, #tpu.memory_space<vmem>>) offsets(%dma_start3A_390 : memref<125xi32, #tpu.memory_space<vmem>>) semaphore(%arg11 : memref<!tpu.dma_semaphore, #tpu.memory_space<semaphore_mem>>)
        %dma_wait3A_398 = arith.constant 0 : i32
        %dma_wait3A_399 = arith.constant 0 : i32
        %dma_wait3A_400 = tpu.memref_slice %arg8[%scan3A_105, %dma_wait3A_398, %dma_wait3A_399] : memref<4x125x64xf32, #tpu.memory_space<vmem>> -> memref<1x125x64xf32, #tpu.memory_space<vmem>>
        %dma_wait3A_401 = tpu.memref_squeeze %dma_wait3A_400 : memref<1x125x64xf32, #tpu.memory_space<vmem>> -> memref<125x64xf32, #tpu.memory_space<vmem>>
        %dma_wait3A_402 = arith.constant 0 : i32
        %dma_wait3A_403 = arith.constant 0 : i32
        %dma_wait3A_404 = tpu.memref_slice %arg2[%arg0, %dma_wait3A_402, %dma_wait3A_403] : memref<2x10000x64xf32, #tpu.memory_space<hbm>> -> memref<1x10000x64xf32, #tpu.memory_space<hbm>>
        %dma_wait3A_405 = tpu.memref_squeeze %dma_wait3A_404 : memref<1x10000x64xf32, #tpu.memory_space<hbm>> -> memref<10000x64xf32, #tpu.memory_space<hbm>>
        %dma_wait3A_406 = arith.constant 0 : i32
        %dma_wait3A_407 = arith.constant 0 : i32
        %dma_wait3A_408 = tpu.memref_slice %dma_wait3A_405[%dma_wait3A_406, %dma_wait3A_407] : memref<10000x64xf32, #tpu.memory_space<hbm>> -> memref<125x64xf32, #tpu.memory_space<hbm>>
        %dma_wait3A_409 = arith.constant 0 : i32
        %dma_wait3A_410 = arith.constant 0 : i32
        %dma_wait3A_411 = tpu.memref_slice %arg8[%scan3A_105, %dma_wait3A_409, %dma_wait3A_410] : memref<4x125x64xf32, #tpu.memory_space<vmem>> -> memref<1x125x64xf32, #tpu.memory_space<vmem>>
        %dma_wait3A_412 = tpu.memref_squeeze %dma_wait3A_411 : memref<1x125x64xf32, #tpu.memory_space<vmem>> -> memref<125x64xf32, #tpu.memory_space<vmem>>
        %dma_wait3A_413 = arith.constant 0 : i32
        %dma_wait3A_414 = arith.constant 0 : i32
        %dma_wait3A_415 = tpu.memref_slice %arg2[%arg0, %dma_wait3A_413, %dma_wait3A_414] : memref<2x10000x64xf32, #tpu.memory_space<hbm>> -> memref<1x10000x64xf32, #tpu.memory_space<hbm>>
        %dma_wait3A_416 = tpu.memref_squeeze %dma_wait3A_415 : memref<1x10000x64xf32, #tpu.memory_space<hbm>> -> memref<10000x64xf32, #tpu.memory_space<hbm>>
        %dma_wait3A_417 = arith.constant 0 : i32
        %dma_wait3A_418 = arith.constant 0 : i32
        %dma_wait3A_419 = tpu.memref_slice %dma_wait3A_416[%dma_wait3A_417, %dma_wait3A_418] : memref<10000x64xf32, #tpu.memory_space<hbm>> -> memref<125x64xf32, #tpu.memory_space<hbm>>
        tpu.wait_dma2 semaphore(%arg12 : memref<!tpu.dma_semaphore, #tpu.memory_space<semaphore_mem>>) src(%dma_wait3A_419 : memref<125x64xf32, #tpu.memory_space<hbm>>) dst(%dma_wait3A_412 : memref<125x64xf32, #tpu.memory_space<vmem>>)
        %mul3A_420 = arith.constant 4 : i32
        %mul3A_421 = arith.muli %mul3A_420, %scan3A_209 : i32
        %add3A_422 = arith.constant 1 : i32
        %add3A_423 = arith.addi %mul3A_421, %add3A_422 : i32
        %add3A_424 = arith.constant 4 : i32
        %add3A_425 = arith.addi %add3A_423, %add3A_424 : i32
        %dma_start3A_426 = arith.constant 0 : i32
        %dma_start3A_427 = arith.constant 0 : i32
        %dma_start3A_428 = tpu.memref_slice %arg8[%scan3A_105, %dma_start3A_426, %dma_start3A_427] : memref<4x125x64xf32, #tpu.memory_space<vmem>> -> memref<1x125x64xf32, #tpu.memory_space<vmem>>
        %dma_start3A_429 = tpu.memref_squeeze %dma_start3A_428 : memref<1x125x64xf32, #tpu.memory_space<vmem>> -> memref<125x64xf32, #tpu.memory_space<vmem>>
        %dma_start3A_430 = arith.constant 0 : i32
        %dma_start3A_431 = tpu.memref_slice %arg6[%add3A_425, %dma_start3A_430] : memref<160x125xi32, #tpu.memory_space<vmem>> -> memref<1x125xi32, #tpu.memory_space<vmem>>
        %dma_start3A_432 = tpu.memref_squeeze %dma_start3A_431 : memref<1x125xi32, #tpu.memory_space<vmem>> -> memref<125xi32, #tpu.memory_space<vmem>>
        %dma_start3A_433 = arith.constant 0 : i32
        %dma_start3A_434 = arith.constant 0 : i32
        %dma_start3A_435 = tpu.memref_slice %arg2[%arg0, %dma_start3A_433, %dma_start3A_434] : memref<2x10000x64xf32, #tpu.memory_space<hbm>> -> memref<1x10000x64xf32, #tpu.memory_space<hbm>>
        %dma_start3A_436 = tpu.memref_squeeze %dma_start3A_435 : memref<1x10000x64xf32, #tpu.memory_space<hbm>> -> memref<10000x64xf32, #tpu.memory_space<hbm>>
        %dma_start3A_437 = arith.constant 0 : i32
        %dma_start3A_438 = arith.constant 0 : i32
        %dma_start3A_439 = tpu.memref_slice %dma_start3A_436[%dma_start3A_437, %dma_start3A_438] : memref<10000x64xf32, #tpu.memory_space<hbm>> -> memref<10000x64xf32, #tpu.memory_space<hbm>>
        tpu.enqueue_indirect_dma source(%dma_start3A_439 : memref<10000x64xf32, #tpu.memory_space<hbm>>) target(%dma_start3A_429 : memref<125x64xf32, #tpu.memory_space<vmem>>) offsets(%dma_start3A_432 : memref<125xi32, #tpu.memory_space<vmem>>) semaphore(%arg12 : memref<!tpu.dma_semaphore, #tpu.memory_space<semaphore_mem>>)
        %dma_wait3A_440 = arith.constant 0 : i32
        %dma_wait3A_441 = arith.constant 0 : i32
        %dma_wait3A_442 = tpu.memref_slice %arg8[%scan3A_106, %dma_wait3A_440, %dma_wait3A_441] : memref<4x125x64xf32, #tpu.memory_space<vmem>> -> memref<1x125x64xf32, #tpu.memory_space<vmem>>
        %dma_wait3A_443 = tpu.memref_squeeze %dma_wait3A_442 : memref<1x125x64xf32, #tpu.memory_space<vmem>> -> memref<125x64xf32, #tpu.memory_space<vmem>>
        %dma_wait3A_444 = arith.constant 0 : i32
        %dma_wait3A_445 = arith.constant 0 : i32
        %dma_wait3A_446 = tpu.memref_slice %arg2[%arg0, %dma_wait3A_444, %dma_wait3A_445] : memref<2x10000x64xf32, #tpu.memory_space<hbm>> -> memref<1x10000x64xf32, #tpu.memory_space<hbm>>
        %dma_wait3A_447 = tpu.memref_squeeze %dma_wait3A_446 : memref<1x10000x64xf32, #tpu.memory_space<hbm>> -> memref<10000x64xf32, #tpu.memory_space<hbm>>
        %dma_wait3A_448 = arith.constant 0 : i32
        %dma_wait3A_449 = arith.constant 0 : i32
        %dma_wait3A_450 = tpu.memref_slice %dma_wait3A_447[%dma_wait3A_448, %dma_wait3A_449] : memref<10000x64xf32, #tpu.memory_space<hbm>> -> memref<125x64xf32, #tpu.memory_space<hbm>>
        %dma_wait3A_451 = arith.constant 0 : i32
        %dma_wait3A_452 = arith.constant 0 : i32
        %dma_wait3A_453 = tpu.memref_slice %arg8[%scan3A_106, %dma_wait3A_451, %dma_wait3A_452] : memref<4x125x64xf32, #tpu.memory_space<vmem>> -> memref<1x125x64xf32, #tpu.memory_space<vmem>>
        %dma_wait3A_454 = tpu.memref_squeeze %dma_wait3A_453 : memref<1x125x64xf32, #tpu.memory_space<vmem>> -> memref<125x64xf32, #tpu.memory_space<vmem>>
        %dma_wait3A_455 = arith.constant 0 : i32
        %dma_wait3A_456 = arith.constant 0 : i32
        %dma_wait3A_457 = tpu.memref_slice %arg2[%arg0, %dma_wait3A_455, %dma_wait3A_456] : memref<2x10000x64xf32, #tpu.memory_space<hbm>> -> memref<1x10000x64xf32, #tpu.memory_space<hbm>>
        %dma_wait3A_458 = tpu.memref_squeeze %dma_wait3A_457 : memref<1x10000x64xf32, #tpu.memory_space<hbm>> -> memref<10000x64xf32, #tpu.memory_space<hbm>>
        %dma_wait3A_459 = arith.constant 0 : i32
        %dma_wait3A_460 = arith.constant 0 : i32
        %dma_wait3A_461 = tpu.memref_slice %dma_wait3A_458[%dma_wait3A_459, %dma_wait3A_460] : memref<10000x64xf32, #tpu.memory_space<hbm>> -> memref<125x64xf32, #tpu.memory_space<hbm>>
        tpu.wait_dma2 semaphore(%arg13 : memref<!tpu.dma_semaphore, #tpu.memory_space<semaphore_mem>>) src(%dma_wait3A_461 : memref<125x64xf32, #tpu.memory_space<hbm>>) dst(%dma_wait3A_454 : memref<125x64xf32, #tpu.memory_space<vmem>>)
        %mul3A_462 = arith.constant 4 : i32
        %mul3A_463 = arith.muli %mul3A_462, %scan3A_209 : i32
        %add3A_464 = arith.constant 2 : i32
        %add3A_465 = arith.addi %mul3A_463, %add3A_464 : i32
        %add3A_466 = arith.constant 4 : i32
        %add3A_467 = arith.addi %add3A_465, %add3A_466 : i32
        %dma_start3A_468 = arith.constant 0 : i32
        %dma_start3A_469 = arith.constant 0 : i32
        %dma_start3A_470 = tpu.memref_slice %arg8[%scan3A_106, %dma_start3A_468, %dma_start3A_469] : memref<4x125x64xf32, #tpu.memory_space<vmem>> -> memref<1x125x64xf32, #tpu.memory_space<vmem>>
        %dma_start3A_471 = tpu.memref_squeeze %dma_start3A_470 : memref<1x125x64xf32, #tpu.memory_space<vmem>> -> memref<125x64xf32, #tpu.memory_space<vmem>>
        %dma_start3A_472 = arith.constant 0 : i32
        %dma_start3A_473 = tpu.memref_slice %arg6[%add3A_467, %dma_start3A_472] : memref<160x125xi32, #tpu.memory_space<vmem>> -> memref<1x125xi32, #tpu.memory_space<vmem>>
        %dma_start3A_474 = tpu.memref_squeeze %dma_start3A_473 : memref<1x125xi32, #tpu.memory_space<vmem>> -> memref<125xi32, #tpu.memory_space<vmem>>
        %dma_start3A_475 = arith.constant 0 : i32
        %dma_start3A_476 = arith.constant 0 : i32
        %dma_start3A_477 = tpu.memref_slice %arg2[%arg0, %dma_start3A_475, %dma_start3A_476] : memref<2x10000x64xf32, #tpu.memory_space<hbm>> -> memref<1x10000x64xf32, #tpu.memory_space<hbm>>
        %dma_start3A_478 = tpu.memref_squeeze %dma_start3A_477 : memref<1x10000x64xf32, #tpu.memory_space<hbm>> -> memref<10000x64xf32, #tpu.memory_space<hbm>>
        %dma_start3A_479 = arith.constant 0 : i32
        %dma_start3A_480 = arith.constant 0 : i32
        %dma_start3A_481 = tpu.memref_slice %dma_start3A_478[%dma_start3A_479, %dma_start3A_480] : memref<10000x64xf32, #tpu.memory_space<hbm>> -> memref<10000x64xf32, #tpu.memory_space<hbm>>
        tpu.enqueue_indirect_dma source(%dma_start3A_481 : memref<10000x64xf32, #tpu.memory_space<hbm>>) target(%dma_start3A_471 : memref<125x64xf32, #tpu.memory_space<vmem>>) offsets(%dma_start3A_474 : memref<125xi32, #tpu.memory_space<vmem>>) semaphore(%arg13 : memref<!tpu.dma_semaphore, #tpu.memory_space<semaphore_mem>>)
        %dma_wait3A_482 = arith.constant 0 : i32
        %dma_wait3A_483 = arith.constant 0 : i32
        %dma_wait3A_484 = tpu.memref_slice %arg8[%scan3A_107, %dma_wait3A_482, %dma_wait3A_483] : memref<4x125x64xf32, #tpu.memory_space<vmem>> -> memref<1x125x64xf32, #tpu.memory_space<vmem>>
        %dma_wait3A_485 = tpu.memref_squeeze %dma_wait3A_484 : memref<1x125x64xf32, #tpu.memory_space<vmem>> -> memref<125x64xf32, #tpu.memory_space<vmem>>
        %dma_wait3A_486 = arith.constant 0 : i32
        %dma_wait3A_487 = arith.constant 0 : i32
        %dma_wait3A_488 = tpu.memref_slice %arg2[%arg0, %dma_wait3A_486, %dma_wait3A_487] : memref<2x10000x64xf32, #tpu.memory_space<hbm>> -> memref<1x10000x64xf32, #tpu.memory_space<hbm>>
        %dma_wait3A_489 = tpu.memref_squeeze %dma_wait3A_488 : memref<1x10000x64xf32, #tpu.memory_space<hbm>> -> memref<10000x64xf32, #tpu.memory_space<hbm>>
        %dma_wait3A_490 = arith.constant 0 : i32
        %dma_wait3A_491 = arith.constant 0 : i32
        %dma_wait3A_492 = tpu.memref_slice %dma_wait3A_489[%dma_wait3A_490, %dma_wait3A_491] : memref<10000x64xf32, #tpu.memory_space<hbm>> -> memref<125x64xf32, #tpu.memory_space<hbm>>
        %dma_wait3A_493 = arith.constant 0 : i32
        %dma_wait3A_494 = arith.constant 0 : i32
        %dma_wait3A_495 = tpu.memref_slice %arg8[%scan3A_107, %dma_wait3A_493, %dma_wait3A_494] : memref<4x125x64xf32, #tpu.memory_space<vmem>> -> memref<1x125x64xf32, #tpu.memory_space<vmem>>
        %dma_wait3A_496 = tpu.memref_squeeze %dma_wait3A_495 : memref<1x125x64xf32, #tpu.memory_space<vmem>> -> memref<125x64xf32, #tpu.memory_space<vmem>>
        %dma_wait3A_497 = arith.constant 0 : i32
        %dma_wait3A_498 = arith.constant 0 : i32
        %dma_wait3A_499 = tpu.memref_slice %arg2[%arg0, %dma_wait3A_497, %dma_wait3A_498] : memref<2x10000x64xf32, #tpu.memory_space<hbm>> -> memref<1x10000x64xf32, #tpu.memory_space<hbm>>
        %dma_wait3A_500 = tpu.memref_squeeze %dma_wait3A_499 : memref<1x10000x64xf32, #tpu.memory_space<hbm>> -> memref<10000x64xf32, #tpu.memory_space<hbm>>
        %dma_wait3A_501 = arith.constant 0 : i32
        %dma_wait3A_502 = arith.constant 0 : i32
        %dma_wait3A_503 = tpu.memref_slice %dma_wait3A_500[%dma_wait3A_501, %dma_wait3A_502] : memref<10000x64xf32, #tpu.memory_space<hbm>> -> memref<125x64xf32, #tpu.memory_space<hbm>>
        tpu.wait_dma2 semaphore(%arg14 : memref<!tpu.dma_semaphore, #tpu.memory_space<semaphore_mem>>) src(%dma_wait3A_503 : memref<125x64xf32, #tpu.memory_space<hbm>>) dst(%dma_wait3A_496 : memref<125x64xf32, #tpu.memory_space<vmem>>)
        %mul3A_504 = arith.constant 4 : i32
        %mul3A_505 = arith.muli %mul3A_504, %scan3A_209 : i32
        %add3A_506 = arith.constant 3 : i32
        %add3A_507 = arith.addi %mul3A_505, %add3A_506 : i32
        %add3A_508 = arith.constant 4 : i32
        %add3A_509 = arith.addi %add3A_507, %add3A_508 : i32
        %dma_start3A_510 = arith.constant 0 : i32
        %dma_start3A_511 = arith.constant 0 : i32
        %dma_start3A_512 = tpu.memref_slice %arg8[%scan3A_107, %dma_start3A_510, %dma_start3A_511] : memref<4x125x64xf32, #tpu.memory_space<vmem>> -> memref<1x125x64xf32, #tpu.memory_space<vmem>>
        %dma_start3A_513 = tpu.memref_squeeze %dma_start3A_512 : memref<1x125x64xf32, #tpu.memory_space<vmem>> -> memref<125x64xf32, #tpu.memory_space<vmem>>
        %dma_start3A_514 = arith.constant 0 : i32
        %dma_start3A_515 = tpu.memref_slice %arg6[%add3A_509, %dma_start3A_514] : memref<160x125xi32, #tpu.memory_space<vmem>> -> memref<1x125xi32, #tpu.memory_space<vmem>>
        %dma_start3A_516 = tpu.memref_squeeze %dma_start3A_515 : memref<1x125xi32, #tpu.memory_space<vmem>> -> memref<125xi32, #tpu.memory_space<vmem>>
        %dma_start3A_517 = arith.constant 0 : i32
        %dma_start3A_518 = arith.constant 0 : i32
        %dma_start3A_519 = tpu.memref_slice %arg2[%arg0, %dma_start3A_517, %dma_start3A_518] : memref<2x10000x64xf32, #tpu.memory_space<hbm>> -> memref<1x10000x64xf32, #tpu.memory_space<hbm>>
        %dma_start3A_520 = tpu.memref_squeeze %dma_start3A_519 : memref<1x10000x64xf32, #tpu.memory_space<hbm>> -> memref<10000x64xf32, #tpu.memory_space<hbm>>
        %dma_start3A_521 = arith.constant 0 : i32
        %dma_start3A_522 = arith.constant 0 : i32
        %dma_start3A_523 = tpu.memref_slice %dma_start3A_520[%dma_start3A_521, %dma_start3A_522] : memref<10000x64xf32, #tpu.memory_space<hbm>> -> memref<10000x64xf32, #tpu.memory_space<hbm>>
        tpu.enqueue_indirect_dma source(%dma_start3A_523 : memref<10000x64xf32, #tpu.memory_space<hbm>>) target(%dma_start3A_513 : memref<125x64xf32, #tpu.memory_space<vmem>>) offsets(%dma_start3A_516 : memref<125xi32, #tpu.memory_space<vmem>>) semaphore(%arg14 : memref<!tpu.dma_semaphore, #tpu.memory_space<semaphore_mem>>)
      } else {
      }
    }
    %scan3A_112 = arith.constant 40 : i32
    %dma_wait3A = arith.constant 0 : i32
    %dma_wait3A_113 = arith.constant 0 : i32
    %dma_wait3A_114 = arith.constant 0 : i32
    %dma_wait3A_115 = tpu.memref_slice %arg8[%dma_wait3A, %dma_wait3A_113, %dma_wait3A_114] : memref<4x125x64xf32, #tpu.memory_space<vmem>> -> memref<1x125x64xf32, #tpu.memory_space<vmem>>
    %dma_wait3A_116 = tpu.memref_squeeze %dma_wait3A_115 : memref<1x125x64xf32, #tpu.memory_space<vmem>> -> memref<125x64xf32, #tpu.memory_space<vmem>>
    %dma_wait3A_117 = arith.constant 0 : i32
    %dma_wait3A_118 = arith.constant 0 : i32
    %dma_wait3A_119 = tpu.memref_slice %arg2[%arg0, %dma_wait3A_117, %dma_wait3A_118] : memref<2x10000x64xf32, #tpu.memory_space<hbm>> -> memref<1x10000x64xf32, #tpu.memory_space<hbm>>
    %dma_wait3A_120 = tpu.memref_squeeze %dma_wait3A_119 : memref<1x10000x64xf32, #tpu.memory_space<hbm>> -> memref<10000x64xf32, #tpu.memory_space<hbm>>
    %dma_wait3A_121 = arith.constant 0 : i32
    %dma_wait3A_122 = arith.constant 0 : i32
    %dma_wait3A_123 = tpu.memref_slice %dma_wait3A_120[%dma_wait3A_121, %dma_wait3A_122] : memref<10000x64xf32, #tpu.memory_space<hbm>> -> memref<125x64xf32, #tpu.memory_space<hbm>>
    %dma_wait3A_124 = arith.constant 0 : i32
    %dma_wait3A_125 = arith.constant 0 : i32
    %dma_wait3A_126 = tpu.memref_slice %arg8[%dma_wait3A, %dma_wait3A_124, %dma_wait3A_125] : memref<4x125x64xf32, #tpu.memory_space<vmem>> -> memref<1x125x64xf32, #tpu.memory_space<vmem>>
    %dma_wait3A_127 = tpu.memref_squeeze %dma_wait3A_126 : memref<1x125x64xf32, #tpu.memory_space<vmem>> -> memref<125x64xf32, #tpu.memory_space<vmem>>
    %dma_wait3A_128 = arith.constant 0 : i32
    %dma_wait3A_129 = arith.constant 0 : i32
    %dma_wait3A_130 = tpu.memref_slice %arg2[%arg0, %dma_wait3A_128, %dma_wait3A_129] : memref<2x10000x64xf32, #tpu.memory_space<hbm>> -> memref<1x10000x64xf32, #tpu.memory_space<hbm>>
    %dma_wait3A_131 = tpu.memref_squeeze %dma_wait3A_130 : memref<1x10000x64xf32, #tpu.memory_space<hbm>> -> memref<10000x64xf32, #tpu.memory_space<hbm>>
    %dma_wait3A_132 = arith.constant 0 : i32
    %dma_wait3A_133 = arith.constant 0 : i32
    %dma_wait3A_134 = tpu.memref_slice %dma_wait3A_131[%dma_wait3A_132, %dma_wait3A_133] : memref<10000x64xf32, #tpu.memory_space<hbm>> -> memref<125x64xf32, #tpu.memory_space<hbm>>
    tpu.wait_dma2 semaphore(%arg11 : memref<!tpu.dma_semaphore, #tpu.memory_space<semaphore_mem>>) src(%dma_wait3A_134 : memref<125x64xf32, #tpu.memory_space<hbm>>) dst(%dma_wait3A_127 : memref<125x64xf32, #tpu.memory_space<vmem>>)
    %dma_wait3A_135 = arith.constant 1 : i32
    %dma_wait3A_136 = arith.constant 0 : i32
    %dma_wait3A_137 = arith.constant 0 : i32
    %dma_wait3A_138 = tpu.memref_slice %arg8[%dma_wait3A_135, %dma_wait3A_136, %dma_wait3A_137] : memref<4x125x64xf32, #tpu.memory_space<vmem>> -> memref<1x125x64xf32, #tpu.memory_space<vmem>>
    %dma_wait3A_139 = tpu.memref_squeeze %dma_wait3A_138 : memref<1x125x64xf32, #tpu.memory_space<vmem>> -> memref<125x64xf32, #tpu.memory_space<vmem>>
    %dma_wait3A_140 = arith.constant 0 : i32
    %dma_wait3A_141 = arith.constant 0 : i32
    %dma_wait3A_142 = tpu.memref_slice %arg2[%arg0, %dma_wait3A_140, %dma_wait3A_141] : memref<2x10000x64xf32, #tpu.memory_space<hbm>> -> memref<1x10000x64xf32, #tpu.memory_space<hbm>>
    %dma_wait3A_143 = tpu.memref_squeeze %dma_wait3A_142 : memref<1x10000x64xf32, #tpu.memory_space<hbm>> -> memref<10000x64xf32, #tpu.memory_space<hbm>>
    %dma_wait3A_144 = arith.constant 0 : i32
    %dma_wait3A_145 = arith.constant 0 : i32
    %dma_wait3A_146 = tpu.memref_slice %dma_wait3A_143[%dma_wait3A_144, %dma_wait3A_145] : memref<10000x64xf32, #tpu.memory_space<hbm>> -> memref<125x64xf32, #tpu.memory_space<hbm>>
    %dma_wait3A_147 = arith.constant 0 : i32
    %dma_wait3A_148 = arith.constant 0 : i32
    %dma_wait3A_149 = tpu.memref_slice %arg8[%dma_wait3A_135, %dma_wait3A_147, %dma_wait3A_148] : memref<4x125x64xf32, #tpu.memory_space<vmem>> -> memref<1x125x64xf32, #tpu.memory_space<vmem>>
    %dma_wait3A_150 = tpu.memref_squeeze %dma_wait3A_149 : memref<1x125x64xf32, #tpu.memory_space<vmem>> -> memref<125x64xf32, #tpu.memory_space<vmem>>
    %dma_wait3A_151 = arith.constant 0 : i32
    %dma_wait3A_152 = arith.constant 0 : i32
    %dma_wait3A_153 = tpu.memref_slice %arg2[%arg0, %dma_wait3A_151, %dma_wait3A_152] : memref<2x10000x64xf32, #tpu.memory_space<hbm>> -> memref<1x10000x64xf32, #tpu.memory_space<hbm>>
    %dma_wait3A_154 = tpu.memref_squeeze %dma_wait3A_153 : memref<1x10000x64xf32, #tpu.memory_space<hbm>> -> memref<10000x64xf32, #tpu.memory_space<hbm>>
    %dma_wait3A_155 = arith.constant 0 : i32
    %dma_wait3A_156 = arith.constant 0 : i32
    %dma_wait3A_157 = tpu.memref_slice %dma_wait3A_154[%dma_wait3A_155, %dma_wait3A_156] : memref<10000x64xf32, #tpu.memory_space<hbm>> -> memref<125x64xf32, #tpu.memory_space<hbm>>
    tpu.wait_dma2 semaphore(%arg12 : memref<!tpu.dma_semaphore, #tpu.memory_space<semaphore_mem>>) src(%dma_wait3A_157 : memref<125x64xf32, #tpu.memory_space<hbm>>) dst(%dma_wait3A_150 : memref<125x64xf32, #tpu.memory_space<vmem>>)
    %dma_wait3A_158 = arith.constant 2 : i32
    %dma_wait3A_159 = arith.constant 0 : i32
    %dma_wait3A_160 = arith.constant 0 : i32
    %dma_wait3A_161 = tpu.memref_slice %arg8[%dma_wait3A_158, %dma_wait3A_159, %dma_wait3A_160] : memref<4x125x64xf32, #tpu.memory_space<vmem>> -> memref<1x125x64xf32, #tpu.memory_space<vmem>>
    %dma_wait3A_162 = tpu.memref_squeeze %dma_wait3A_161 : memref<1x125x64xf32, #tpu.memory_space<vmem>> -> memref<125x64xf32, #tpu.memory_space<vmem>>
    %dma_wait3A_163 = arith.constant 0 : i32
    %dma_wait3A_164 = arith.constant 0 : i32
    %dma_wait3A_165 = tpu.memref_slice %arg2[%arg0, %dma_wait3A_163, %dma_wait3A_164] : memref<2x10000x64xf32, #tpu.memory_space<hbm>> -> memref<1x10000x64xf32, #tpu.memory_space<hbm>>
    %dma_wait3A_166 = tpu.memref_squeeze %dma_wait3A_165 : memref<1x10000x64xf32, #tpu.memory_space<hbm>> -> memref<10000x64xf32, #tpu.memory_space<hbm>>
    %dma_wait3A_167 = arith.constant 0 : i32
    %dma_wait3A_168 = arith.constant 0 : i32
    %dma_wait3A_169 = tpu.memref_slice %dma_wait3A_166[%dma_wait3A_167, %dma_wait3A_168] : memref<10000x64xf32, #tpu.memory_space<hbm>> -> memref<125x64xf32, #tpu.memory_space<hbm>>
    %dma_wait3A_170 = arith.constant 0 : i32
    %dma_wait3A_171 = arith.constant 0 : i32
    %dma_wait3A_172 = tpu.memref_slice %arg8[%dma_wait3A_158, %dma_wait3A_170, %dma_wait3A_171] : memref<4x125x64xf32, #tpu.memory_space<vmem>> -> memref<1x125x64xf32, #tpu.memory_space<vmem>>
    %dma_wait3A_173 = tpu.memref_squeeze %dma_wait3A_172 : memref<1x125x64xf32, #tpu.memory_space<vmem>> -> memref<125x64xf32, #tpu.memory_space<vmem>>
    %dma_wait3A_174 = arith.constant 0 : i32
    %dma_wait3A_175 = arith.constant 0 : i32
    %dma_wait3A_176 = tpu.memref_slice %arg2[%arg0, %dma_wait3A_174, %dma_wait3A_175] : memref<2x10000x64xf32, #tpu.memory_space<hbm>> -> memref<1x10000x64xf32, #tpu.memory_space<hbm>>
    %dma_wait3A_177 = tpu.memref_squeeze %dma_wait3A_176 : memref<1x10000x64xf32, #tpu.memory_space<hbm>> -> memref<10000x64xf32, #tpu.memory_space<hbm>>
    %dma_wait3A_178 = arith.constant 0 : i32
    %dma_wait3A_179 = arith.constant 0 : i32
    %dma_wait3A_180 = tpu.memref_slice %dma_wait3A_177[%dma_wait3A_178, %dma_wait3A_179] : memref<10000x64xf32, #tpu.memory_space<hbm>> -> memref<125x64xf32, #tpu.memory_space<hbm>>
    tpu.wait_dma2 semaphore(%arg13 : memref<!tpu.dma_semaphore, #tpu.memory_space<semaphore_mem>>) src(%dma_wait3A_180 : memref<125x64xf32, #tpu.memory_space<hbm>>) dst(%dma_wait3A_173 : memref<125x64xf32, #tpu.memory_space<vmem>>)
    %dma_wait3A_181 = arith.constant 3 : i32
    %dma_wait3A_182 = arith.constant 0 : i32
    %dma_wait3A_183 = arith.constant 0 : i32
    %dma_wait3A_184 = tpu.memref_slice %arg8[%dma_wait3A_181, %dma_wait3A_182, %dma_wait3A_183] : memref<4x125x64xf32, #tpu.memory_space<vmem>> -> memref<1x125x64xf32, #tpu.memory_space<vmem>>
    %dma_wait3A_185 = tpu.memref_squeeze %dma_wait3A_184 : memref<1x125x64xf32, #tpu.memory_space<vmem>> -> memref<125x64xf32, #tpu.memory_space<vmem>>
    %dma_wait3A_186 = arith.constant 0 : i32
    %dma_wait3A_187 = arith.constant 0 : i32
    %dma_wait3A_188 = tpu.memref_slice %arg2[%arg0, %dma_wait3A_186, %dma_wait3A_187] : memref<2x10000x64xf32, #tpu.memory_space<hbm>> -> memref<1x10000x64xf32, #tpu.memory_space<hbm>>
    %dma_wait3A_189 = tpu.memref_squeeze %dma_wait3A_188 : memref<1x10000x64xf32, #tpu.memory_space<hbm>> -> memref<10000x64xf32, #tpu.memory_space<hbm>>
    %dma_wait3A_190 = arith.constant 0 : i32
    %dma_wait3A_191 = arith.constant 0 : i32
    %dma_wait3A_192 = tpu.memref_slice %dma_wait3A_189[%dma_wait3A_190, %dma_wait3A_191] : memref<10000x64xf32, #tpu.memory_space<hbm>> -> memref<125x64xf32, #tpu.memory_space<hbm>>
    %dma_wait3A_193 = arith.constant 0 : i32
    %dma_wait3A_194 = arith.constant 0 : i32
    %dma_wait3A_195 = tpu.memref_slice %arg8[%dma_wait3A_181, %dma_wait3A_193, %dma_wait3A_194] : memref<4x125x64xf32, #tpu.memory_space<vmem>> -> memref<1x125x64xf32, #tpu.memory_space<vmem>>
    %dma_wait3A_196 = tpu.memref_squeeze %dma_wait3A_195 : memref<1x125x64xf32, #tpu.memory_space<vmem>> -> memref<125x64xf32, #tpu.memory_space<vmem>>
    %dma_wait3A_197 = arith.constant 0 : i32
    %dma_wait3A_198 = arith.constant 0 : i32
    %dma_wait3A_199 = tpu.memref_slice %arg2[%arg0, %dma_wait3A_197, %dma_wait3A_198] : memref<2x10000x64xf32, #tpu.memory_space<hbm>> -> memref<1x10000x64xf32, #tpu.memory_space<hbm>>
    %dma_wait3A_200 = tpu.memref_squeeze %dma_wait3A_199 : memref<1x10000x64xf32, #tpu.memory_space<hbm>> -> memref<10000x64xf32, #tpu.memory_space<hbm>>
    %dma_wait3A_201 = arith.constant 0 : i32
    %dma_wait3A_202 = arith.constant 0 : i32
    %dma_wait3A_203 = tpu.memref_slice %dma_wait3A_200[%dma_wait3A_201, %dma_wait3A_202] : memref<10000x64xf32, #tpu.memory_space<hbm>> -> memref<125x64xf32, #tpu.memory_space<hbm>>
    tpu.wait_dma2 semaphore(%arg14 : memref<!tpu.dma_semaphore, #tpu.memory_space<semaphore_mem>>) src(%dma_wait3A_203 : memref<125x64xf32, #tpu.memory_space<hbm>>) dst(%dma_wait3A_196 : memref<125x64xf32, #tpu.memory_space<vmem>>)
    %barrier3A_204 = arith.constant 0 : index
    tpu.barrier barrier_id(%barrier3A_204)
    %mul3A_205 = arith.constant 640 : i32
    %mul3A_206 = arith.muli %arg1, %mul3A_205 : i32
    %mul3A_207 = arith.constant 640 : i32
    %mul3A_208 = arith.muli %arg1, %mul3A_207 : i32
    "tpu.region"() ({
      %run_scoped3A = tpu.sem_alloc : memref<!tpu.dma_semaphore, #tpu.memory_space<semaphore_mem>>
      %dma_start3A_209 = arith.constant 0 : i32
      %dma_start3A_210 = tpu.memref_slice %arg5[%arg0, %mul3A_208, %dma_start3A_209] : memref<2x10240x64xf32, #tpu.memory_space<hbm>> -> memref<1x640x64xf32, #tpu.memory_space<hbm>>
      %dma_start3A_211 = tpu.memref_squeeze %dma_start3A_210 : memref<1x640x64xf32, #tpu.memory_space<hbm>> -> memref<640x64xf32, #tpu.memory_space<hbm>>
      %dma_start3A_212 = arith.constant 0 : i32
      %dma_start3A_213 = tpu.memref_slice %arg10[%mul3A_206, %dma_start3A_212] : memref<10240x64xf32, #tpu.memory_space<vmem_shared>> -> memref<640x64xf32, #tpu.memory_space<vmem_shared>>
      tpu.enqueue_dma source(%dma_start3A_213 : memref<640x64xf32, #tpu.memory_space<vmem_shared>>) target(%dma_start3A_211 : memref<640x64xf32, #tpu.memory_space<hbm>>) target_semaphore(%run_scoped3A : memref<!tpu.dma_semaphore, #tpu.memory_space<semaphore_mem>>)
      %dma_wait3A_214 = arith.constant 0 : i32
      %dma_wait3A_215 = tpu.memref_slice %arg5[%arg0, %mul3A_208, %dma_wait3A_214] : memref<2x10240x64xf32, #tpu.memory_space<hbm>> -> memref<1x640x64xf32, #tpu.memory_space<hbm>>
      %dma_wait3A_216 = tpu.memref_squeeze %dma_wait3A_215 : memref<1x640x64xf32, #tpu.memory_space<hbm>> -> memref<640x64xf32, #tpu.memory_space<hbm>>
      %dma_wait3A_217 = arith.constant 0 : i32
      %dma_wait3A_218 = tpu.memref_slice %arg10[%mul3A_206, %dma_wait3A_217] : memref<10240x64xf32, #tpu.memory_space<vmem_shared>> -> memref<640x64xf32, #tpu.memory_space<vmem_shared>>
      tpu.wait_dma2 semaphore(%run_scoped3A : memref<!tpu.dma_semaphore, #tpu.memory_space<semaphore_mem>>) src(%dma_wait3A_218 : memref<640x64xf32, #tpu.memory_space<vmem_shared>>) dst(%dma_wait3A_216 : memref<640x64xf32, #tpu.memory_space<hbm>>)
      tpu.yield
    }) : () -> ()
    return
  }
}

#map = affine_map<(d0, d1) -> (0, 0)>
#map1 = affine_map<(d0, d1) -> (0, 0, 0)>
module attributes {stable_mosaic.version = 14 : i64} {
  func.func @scat(%arg0: i32, %arg1: i32, %arg2: memref<10000x16xf32, #tpu.memory_space<hbm>>, %arg3: memref<32x80x125xi32, #tpu.memory_space<hbm>>, %arg4: memref<32x80x125xi32, #tpu.memory_space<hbm>>, %arg5: memref<2x10240x16xf32, #tpu.memory_space<hbm>>, %arg6: memref<80x125xi32, #tpu.memory_space<vmem>>, %arg7: memref<80x125xi32, #tpu.memory_space<vmem>>, %arg8: memref<8x125x16xf32, #tpu.memory_space<vmem>>, %arg9: memref<128x16xf32, #tpu.memory_space<vmem>>, %arg10: memref<10240x16xf32, #tpu.memory_space<vmem_shared>>, %arg11: memref<!tpu.dma_semaphore, #tpu.memory_space<semaphore_mem>>, %arg12: memref<!tpu.dma_semaphore, #tpu.memory_space<semaphore_mem>>, %arg13: memref<!tpu.dma_semaphore, #tpu.memory_space<semaphore_mem>>, %arg14: memref<!tpu.dma_semaphore, #tpu.memory_space<semaphore_mem>>, %arg15: memref<!tpu.dma_semaphore, #tpu.memory_space<semaphore_mem>>, %arg16: memref<!tpu.dma_semaphore, #tpu.memory_space<semaphore_mem>>, %arg17: memref<!tpu.dma_semaphore, #tpu.memory_space<semaphore_mem>>, %arg18: memref<!tpu.dma_semaphore, #tpu.memory_space<semaphore_mem>>) attributes {dimension_semantics = [#tpu.dimension_semantics<core_parallel>, #tpu.dimension_semantics<subcore_parallel>], iteration_bounds = array<i64: 2, 16>, scalar_prefetch = 0 : i64, scratch_operands = 13 : i64, tpu.core_type = #tpu.core_type<sc_vector_subcore>, window_params = [{transform_indices = #map}, {transform_indices = #map1}, {transform_indices = #map1}, {transform_indices = #map1}]} {
    %mul3A = arith.constant 2 : i32
    %mul3A_0 = arith.muli %arg1, %mul3A : i32
    %add3A = arith.addi %mul3A_0, %arg0 : i32
    "tpu.region"() ({
      %run_scoped3A = tpu.sem_alloc : memref<!tpu.dma_semaphore, #tpu.memory_space<semaphore_mem>>
      %dma_start3A_262 = arith.constant 0 : i32
      %dma_start3A_263 = arith.constant 0 : i32
      %dma_start3A_264 = tpu.memref_slice %arg3[%add3A, %dma_start3A_262, %dma_start3A_263] : memref<32x80x125xi32, #tpu.memory_space<hbm>> -> memref<1x80x125xi32, #tpu.memory_space<hbm>>
      %dma_start3A_265 = tpu.memref_squeeze %dma_start3A_264 : memref<1x80x125xi32, #tpu.memory_space<hbm>> -> memref<80x125xi32, #tpu.memory_space<hbm>>
      %dma_start3A_266 = arith.constant 0 : i32
      %dma_start3A_267 = arith.constant 0 : i32
      %dma_start3A_268 = tpu.memref_slice %arg3[%add3A, %dma_start3A_266, %dma_start3A_267] : memref<32x80x125xi32, #tpu.memory_space<hbm>> -> memref<1x80x125xi32, #tpu.memory_space<hbm>>
      %dma_start3A_269 = tpu.memref_squeeze %dma_start3A_268 : memref<1x80x125xi32, #tpu.memory_space<hbm>> -> memref<80x125xi32, #tpu.memory_space<hbm>>
      tpu.enqueue_dma source(%dma_start3A_269 : memref<80x125xi32, #tpu.memory_space<hbm>>) target(%arg6 : memref<80x125xi32, #tpu.memory_space<vmem>>) target_semaphore(%run_scoped3A : memref<!tpu.dma_semaphore, #tpu.memory_space<semaphore_mem>>)
      %dma_wait3A_270 = arith.constant 0 : i32
      %dma_wait3A_271 = arith.constant 0 : i32
      %dma_wait3A_272 = tpu.memref_slice %arg3[%add3A, %dma_wait3A_270, %dma_wait3A_271] : memref<32x80x125xi32, #tpu.memory_space<hbm>> -> memref<1x80x125xi32, #tpu.memory_space<hbm>>
      %dma_wait3A_273 = tpu.memref_squeeze %dma_wait3A_272 : memref<1x80x125xi32, #tpu.memory_space<hbm>> -> memref<80x125xi32, #tpu.memory_space<hbm>>
      %dma_wait3A_274 = arith.constant 0 : i32
      %dma_wait3A_275 = arith.constant 0 : i32
      %dma_wait3A_276 = tpu.memref_slice %arg3[%add3A, %dma_wait3A_274, %dma_wait3A_275] : memref<32x80x125xi32, #tpu.memory_space<hbm>> -> memref<1x80x125xi32, #tpu.memory_space<hbm>>
      %dma_wait3A_277 = tpu.memref_squeeze %dma_wait3A_276 : memref<1x80x125xi32, #tpu.memory_space<hbm>> -> memref<80x125xi32, #tpu.memory_space<hbm>>
      tpu.wait_dma2 semaphore(%run_scoped3A : memref<!tpu.dma_semaphore, #tpu.memory_space<semaphore_mem>>) src(%dma_wait3A_277 : memref<80x125xi32, #tpu.memory_space<hbm>>) dst(%arg6 : memref<80x125xi32, #tpu.memory_space<vmem>>)
      tpu.yield
    }) : () -> ()
    "tpu.region"() ({
      %run_scoped3A = tpu.sem_alloc : memref<!tpu.dma_semaphore, #tpu.memory_space<semaphore_mem>>
      %dma_start3A_262 = arith.constant 0 : i32
      %dma_start3A_263 = arith.constant 0 : i32
      %dma_start3A_264 = tpu.memref_slice %arg4[%add3A, %dma_start3A_262, %dma_start3A_263] : memref<32x80x125xi32, #tpu.memory_space<hbm>> -> memref<1x80x125xi32, #tpu.memory_space<hbm>>
      %dma_start3A_265 = tpu.memref_squeeze %dma_start3A_264 : memref<1x80x125xi32, #tpu.memory_space<hbm>> -> memref<80x125xi32, #tpu.memory_space<hbm>>
      %dma_start3A_266 = arith.constant 0 : i32
      %dma_start3A_267 = arith.constant 0 : i32
      %dma_start3A_268 = tpu.memref_slice %arg4[%add3A, %dma_start3A_266, %dma_start3A_267] : memref<32x80x125xi32, #tpu.memory_space<hbm>> -> memref<1x80x125xi32, #tpu.memory_space<hbm>>
      %dma_start3A_269 = tpu.memref_squeeze %dma_start3A_268 : memref<1x80x125xi32, #tpu.memory_space<hbm>> -> memref<80x125xi32, #tpu.memory_space<hbm>>
      tpu.enqueue_dma source(%dma_start3A_269 : memref<80x125xi32, #tpu.memory_space<hbm>>) target(%arg7 : memref<80x125xi32, #tpu.memory_space<vmem>>) target_semaphore(%run_scoped3A : memref<!tpu.dma_semaphore, #tpu.memory_space<semaphore_mem>>)
      %dma_wait3A_270 = arith.constant 0 : i32
      %dma_wait3A_271 = arith.constant 0 : i32
      %dma_wait3A_272 = tpu.memref_slice %arg4[%add3A, %dma_wait3A_270, %dma_wait3A_271] : memref<32x80x125xi32, #tpu.memory_space<hbm>> -> memref<1x80x125xi32, #tpu.memory_space<hbm>>
      %dma_wait3A_273 = tpu.memref_squeeze %dma_wait3A_272 : memref<1x80x125xi32, #tpu.memory_space<hbm>> -> memref<80x125xi32, #tpu.memory_space<hbm>>
      %dma_wait3A_274 = arith.constant 0 : i32
      %dma_wait3A_275 = arith.constant 0 : i32
      %dma_wait3A_276 = tpu.memref_slice %arg4[%add3A, %dma_wait3A_274, %dma_wait3A_275] : memref<32x80x125xi32, #tpu.memory_space<hbm>> -> memref<1x80x125xi32, #tpu.memory_space<hbm>>
      %dma_wait3A_277 = tpu.memref_squeeze %dma_wait3A_276 : memref<1x80x125xi32, #tpu.memory_space<hbm>> -> memref<80x125xi32, #tpu.memory_space<hbm>>
      tpu.wait_dma2 semaphore(%run_scoped3A : memref<!tpu.dma_semaphore, #tpu.memory_space<semaphore_mem>>) src(%dma_wait3A_277 : memref<80x125xi32, #tpu.memory_space<hbm>>) dst(%arg7 : memref<80x125xi32, #tpu.memory_space<vmem>>)
      tpu.yield
    }) : () -> ()
    %broadcast_in_dim3A = arith.constant 0.000000e+00 : f32
    %broadcast_in_dim3A_1 = vector.broadcast %broadcast_in_dim3A : f32 to vector<16xf32>
    %broadcast_in_dim3A_2 = arith.constant 1.000000e+00 : f32
    %broadcast_in_dim3A_3 = vector.broadcast %broadcast_in_dim3A_2 : f32 to vector<16xf32>
    %scan3A = arith.constant 0 : i32
    %scan3A_4 = arith.constant 0 : i32
    %scan3A_5 = arith.constant 128 : i32
    %scan3A_6 = arith.addi %scan3A_4, %scan3A_5 : i32
    %scan3A_7 = arith.constant 1 : i32
    scf.for %scan3A_262 = %scan3A_4 to %scan3A_6 step %scan3A_7  : i32 {
      %swap3A = arith.index_cast %scan3A_262 : i32 to index
      %swap3A_263 = arith.constant 0 : index
      %swap3A_264 = tpu.vector_load %arg9[%swap3A, %swap3A_263] {strides = array<i32>} : memref<128x16xf32, #tpu.memory_space<vmem>>, vector<1x16xf32>,
      %swap3A_265 = vector.shape_cast %swap3A_264 : vector<1x16xf32> to vector<16xf32>
      %swap3A_266 = vector.shape_cast %broadcast_in_dim3A_1 : vector<16xf32> to vector<1x16xf32>
      tpu.vector_store %arg9[%swap3A, %swap3A_263], %swap3A_266 {strides = array<i32>} : memref<128x16xf32, #tpu.memory_space<vmem>>, vector<1x16xf32>,
    }
    %scan3A_8 = arith.constant 128 : i32
    %mul3A_9 = arith.constant 640 : i32
    %mul3A_10 = arith.muli %arg1, %mul3A_9 : i32
    %add3A_11 = arith.constant 0 : i32
    %add3A_12 = arith.addi %mul3A_10, %add3A_11 : i32
    "tpu.region"() ({
      %run_scoped3A = tpu.sem_alloc : memref<!tpu.dma_semaphore, #tpu.memory_space<semaphore_mem>>
      %dma_start3A_262 = arith.constant 0 : i32
      %dma_start3A_263 = tpu.memref_slice %arg10[%add3A_12, %dma_start3A_262] : memref<10240x16xf32, #tpu.memory_space<vmem_shared>> -> memref<128x16xf32, #tpu.memory_space<vmem_shared>>
      %dma_start3A_264 = arith.constant 0 : i32
      %dma_start3A_265 = tpu.memref_slice %arg10[%add3A_12, %dma_start3A_264] : memref<10240x16xf32, #tpu.memory_space<vmem_shared>> -> memref<128x16xf32, #tpu.memory_space<vmem_shared>>
      tpu.enqueue_dma source(%arg9 : memref<128x16xf32, #tpu.memory_space<vmem>>) target(%dma_start3A_265 : memref<128x16xf32, #tpu.memory_space<vmem_shared>>) target_semaphore(%run_scoped3A : memref<!tpu.dma_semaphore, #tpu.memory_space<semaphore_mem>>)
      %dma_wait3A_266 = arith.constant 0 : i32
      %dma_wait3A_267 = tpu.memref_slice %arg10[%add3A_12, %dma_wait3A_266] : memref<10240x16xf32, #tpu.memory_space<vmem_shared>> -> memref<128x16xf32, #tpu.memory_space<vmem_shared>>
      %dma_wait3A_268 = arith.constant 0 : i32
      %dma_wait3A_269 = tpu.memref_slice %arg10[%add3A_12, %dma_wait3A_268] : memref<10240x16xf32, #tpu.memory_space<vmem_shared>> -> memref<128x16xf32, #tpu.memory_space<vmem_shared>>
      tpu.wait_dma2 semaphore(%run_scoped3A : memref<!tpu.dma_semaphore, #tpu.memory_space<semaphore_mem>>) src(%arg9 : memref<128x16xf32, #tpu.memory_space<vmem>>) dst(%dma_wait3A_269 : memref<128x16xf32, #tpu.memory_space<vmem_shared>>)
      tpu.yield
    }) : () -> ()
    %mul3A_13 = arith.constant 640 : i32
    %mul3A_14 = arith.muli %arg1, %mul3A_13 : i32
    %add3A_15 = arith.constant 128 : i32
    %add3A_16 = arith.addi %mul3A_14, %add3A_15 : i32
    "tpu.region"() ({
      %run_scoped3A = tpu.sem_alloc : memref<!tpu.dma_semaphore, #tpu.memory_space<semaphore_mem>>
      %dma_start3A_262 = arith.constant 0 : i32
      %dma_start3A_263 = tpu.memref_slice %arg10[%add3A_16, %dma_start3A_262] : memref<10240x16xf32, #tpu.memory_space<vmem_shared>> -> memref<128x16xf32, #tpu.memory_space<vmem_shared>>
      %dma_start3A_264 = arith.constant 0 : i32
      %dma_start3A_265 = tpu.memref_slice %arg10[%add3A_16, %dma_start3A_264] : memref<10240x16xf32, #tpu.memory_space<vmem_shared>> -> memref<128x16xf32, #tpu.memory_space<vmem_shared>>
      tpu.enqueue_dma source(%arg9 : memref<128x16xf32, #tpu.memory_space<vmem>>) target(%dma_start3A_265 : memref<128x16xf32, #tpu.memory_space<vmem_shared>>) target_semaphore(%run_scoped3A : memref<!tpu.dma_semaphore, #tpu.memory_space<semaphore_mem>>)
      %dma_wait3A_266 = arith.constant 0 : i32
      %dma_wait3A_267 = tpu.memref_slice %arg10[%add3A_16, %dma_wait3A_266] : memref<10240x16xf32, #tpu.memory_space<vmem_shared>> -> memref<128x16xf32, #tpu.memory_space<vmem_shared>>
      %dma_wait3A_268 = arith.constant 0 : i32
      %dma_wait3A_269 = tpu.memref_slice %arg10[%add3A_16, %dma_wait3A_268] : memref<10240x16xf32, #tpu.memory_space<vmem_shared>> -> memref<128x16xf32, #tpu.memory_space<vmem_shared>>
      tpu.wait_dma2 semaphore(%run_scoped3A : memref<!tpu.dma_semaphore, #tpu.memory_space<semaphore_mem>>) src(%arg9 : memref<128x16xf32, #tpu.memory_space<vmem>>) dst(%dma_wait3A_269 : memref<128x16xf32, #tpu.memory_space<vmem_shared>>)
      tpu.yield
    }) : () -> ()
    %mul3A_17 = arith.constant 640 : i32
    %mul3A_18 = arith.muli %arg1, %mul3A_17 : i32
    %add3A_19 = arith.constant 256 : i32
    %add3A_20 = arith.addi %mul3A_18, %add3A_19 : i32
    "tpu.region"() ({
      %run_scoped3A = tpu.sem_alloc : memref<!tpu.dma_semaphore, #tpu.memory_space<semaphore_mem>>
      %dma_start3A_262 = arith.constant 0 : i32
      %dma_start3A_263 = tpu.memref_slice %arg10[%add3A_20, %dma_start3A_262] : memref<10240x16xf32, #tpu.memory_space<vmem_shared>> -> memref<128x16xf32, #tpu.memory_space<vmem_shared>>
      %dma_start3A_264 = arith.constant 0 : i32
      %dma_start3A_265 = tpu.memref_slice %arg10[%add3A_20, %dma_start3A_264] : memref<10240x16xf32, #tpu.memory_space<vmem_shared>> -> memref<128x16xf32, #tpu.memory_space<vmem_shared>>
      tpu.enqueue_dma source(%arg9 : memref<128x16xf32, #tpu.memory_space<vmem>>) target(%dma_start3A_265 : memref<128x16xf32, #tpu.memory_space<vmem_shared>>) target_semaphore(%run_scoped3A : memref<!tpu.dma_semaphore, #tpu.memory_space<semaphore_mem>>)
      %dma_wait3A_266 = arith.constant 0 : i32
      %dma_wait3A_267 = tpu.memref_slice %arg10[%add3A_20, %dma_wait3A_266] : memref<10240x16xf32, #tpu.memory_space<vmem_shared>> -> memref<128x16xf32, #tpu.memory_space<vmem_shared>>
      %dma_wait3A_268 = arith.constant 0 : i32
      %dma_wait3A_269 = tpu.memref_slice %arg10[%add3A_20, %dma_wait3A_268] : memref<10240x16xf32, #tpu.memory_space<vmem_shared>> -> memref<128x16xf32, #tpu.memory_space<vmem_shared>>
      tpu.wait_dma2 semaphore(%run_scoped3A : memref<!tpu.dma_semaphore, #tpu.memory_space<semaphore_mem>>) src(%arg9 : memref<128x16xf32, #tpu.memory_space<vmem>>) dst(%dma_wait3A_269 : memref<128x16xf32, #tpu.memory_space<vmem_shared>>)
      tpu.yield
    }) : () -> ()
    %mul3A_21 = arith.constant 640 : i32
    %mul3A_22 = arith.muli %arg1, %mul3A_21 : i32
    %add3A_23 = arith.constant 384 : i32
    %add3A_24 = arith.addi %mul3A_22, %add3A_23 : i32
    "tpu.region"() ({
      %run_scoped3A = tpu.sem_alloc : memref<!tpu.dma_semaphore, #tpu.memory_space<semaphore_mem>>
      %dma_start3A_262 = arith.constant 0 : i32
      %dma_start3A_263 = tpu.memref_slice %arg10[%add3A_24, %dma_start3A_262] : memref<10240x16xf32, #tpu.memory_space<vmem_shared>> -> memref<128x16xf32, #tpu.memory_space<vmem_shared>>
      %dma_start3A_264 = arith.constant 0 : i32
      %dma_start3A_265 = tpu.memref_slice %arg10[%add3A_24, %dma_start3A_264] : memref<10240x16xf32, #tpu.memory_space<vmem_shared>> -> memref<128x16xf32, #tpu.memory_space<vmem_shared>>
      tpu.enqueue_dma source(%arg9 : memref<128x16xf32, #tpu.memory_space<vmem>>) target(%dma_start3A_265 : memref<128x16xf32, #tpu.memory_space<vmem_shared>>) target_semaphore(%run_scoped3A : memref<!tpu.dma_semaphore, #tpu.memory_space<semaphore_mem>>)
      %dma_wait3A_266 = arith.constant 0 : i32
      %dma_wait3A_267 = tpu.memref_slice %arg10[%add3A_24, %dma_wait3A_266] : memref<10240x16xf32, #tpu.memory_space<vmem_shared>> -> memref<128x16xf32, #tpu.memory_space<vmem_shared>>
      %dma_wait3A_268 = arith.constant 0 : i32
      %dma_wait3A_269 = tpu.memref_slice %arg10[%add3A_24, %dma_wait3A_268] : memref<10240x16xf32, #tpu.memory_space<vmem_shared>> -> memref<128x16xf32, #tpu.memory_space<vmem_shared>>
      tpu.wait_dma2 semaphore(%run_scoped3A : memref<!tpu.dma_semaphore, #tpu.memory_space<semaphore_mem>>) src(%arg9 : memref<128x16xf32, #tpu.memory_space<vmem>>) dst(%dma_wait3A_269 : memref<128x16xf32, #tpu.memory_space<vmem_shared>>)
      tpu.yield
    }) : () -> ()
    %mul3A_25 = arith.constant 640 : i32
    %mul3A_26 = arith.muli %arg1, %mul3A_25 : i32
    %add3A_27 = arith.constant 512 : i32
    %add3A_28 = arith.addi %mul3A_26, %add3A_27 : i32
    "tpu.region"() ({
      %run_scoped3A = tpu.sem_alloc : memref<!tpu.dma_semaphore, #tpu.memory_space<semaphore_mem>>
      %dma_start3A_262 = arith.constant 0 : i32
      %dma_start3A_263 = tpu.memref_slice %arg10[%add3A_28, %dma_start3A_262] : memref<10240x16xf32, #tpu.memory_space<vmem_shared>> -> memref<128x16xf32, #tpu.memory_space<vmem_shared>>
      %dma_start3A_264 = arith.constant 0 : i32
      %dma_start3A_265 = tpu.memref_slice %arg10[%add3A_28, %dma_start3A_264] : memref<10240x16xf32, #tpu.memory_space<vmem_shared>> -> memref<128x16xf32, #tpu.memory_space<vmem_shared>>
      tpu.enqueue_dma source(%arg9 : memref<128x16xf32, #tpu.memory_space<vmem>>) target(%dma_start3A_265 : memref<128x16xf32, #tpu.memory_space<vmem_shared>>) target_semaphore(%run_scoped3A : memref<!tpu.dma_semaphore, #tpu.memory_space<semaphore_mem>>)
      %dma_wait3A_266 = arith.constant 0 : i32
      %dma_wait3A_267 = tpu.memref_slice %arg10[%add3A_28, %dma_wait3A_266] : memref<10240x16xf32, #tpu.memory_space<vmem_shared>> -> memref<128x16xf32, #tpu.memory_space<vmem_shared>>
      %dma_wait3A_268 = arith.constant 0 : i32
      %dma_wait3A_269 = tpu.memref_slice %arg10[%add3A_28, %dma_wait3A_268] : memref<10240x16xf32, #tpu.memory_space<vmem_shared>> -> memref<128x16xf32, #tpu.memory_space<vmem_shared>>
      tpu.wait_dma2 semaphore(%run_scoped3A : memref<!tpu.dma_semaphore, #tpu.memory_space<semaphore_mem>>) src(%arg9 : memref<128x16xf32, #tpu.memory_space<vmem>>) dst(%dma_wait3A_269 : memref<128x16xf32, #tpu.memory_space<vmem_shared>>)
      tpu.yield
    }) : () -> ()
    %barrier3A = arith.constant 0 : index
    tpu.barrier barrier_id(%barrier3A)
    %dma_start3A = arith.constant 0 : i32
    %dma_start3A_29 = arith.constant 0 : i32
    %dma_start3A_30 = arith.constant 0 : i32
    %dma_start3A_31 = arith.constant 0 : i32
    %dma_start3A_32 = tpu.memref_slice %arg8[%dma_start3A_29, %dma_start3A_30, %dma_start3A_31] : memref<8x125x16xf32, #tpu.memory_space<vmem>> -> memref<1x125x16xf32, #tpu.memory_space<vmem>>
    %dma_start3A_33 = tpu.memref_squeeze %dma_start3A_32 : memref<1x125x16xf32, #tpu.memory_space<vmem>> -> memref<125x16xf32, #tpu.memory_space<vmem>>
    %dma_start3A_34 = arith.constant 0 : i32
    %dma_start3A_35 = tpu.memref_slice %arg6[%dma_start3A, %dma_start3A_34] : memref<80x125xi32, #tpu.memory_space<vmem>> -> memref<1x125xi32, #tpu.memory_space<vmem>>
    %dma_start3A_36 = tpu.memref_squeeze %dma_start3A_35 : memref<1x125xi32, #tpu.memory_space<vmem>> -> memref<125xi32, #tpu.memory_space<vmem>>
    %dma_start3A_37 = arith.constant 0 : i32
    %dma_start3A_38 = arith.constant 0 : i32
    %dma_start3A_39 = tpu.memref_slice %arg2[%dma_start3A_37, %dma_start3A_38] : memref<10000x16xf32, #tpu.memory_space<hbm>> -> memref<10000x16xf32, #tpu.memory_space<hbm>>
    tpu.enqueue_indirect_dma source(%dma_start3A_39 : memref<10000x16xf32, #tpu.memory_space<hbm>>) target(%dma_start3A_33 : memref<125x16xf32, #tpu.memory_space<vmem>>) offsets(%dma_start3A_36 : memref<125xi32, #tpu.memory_space<vmem>>) semaphore(%arg11 : memref<!tpu.dma_semaphore, #tpu.memory_space<semaphore_mem>>)
    %dma_start3A_40 = arith.constant 1 : i32
    %dma_start3A_41 = arith.constant 1 : i32
    %dma_start3A_42 = arith.constant 0 : i32
    %dma_start3A_43 = arith.constant 0 : i32
    %dma_start3A_44 = tpu.memref_slice %arg8[%dma_start3A_41, %dma_start3A_42, %dma_start3A_43] : memref<8x125x16xf32, #tpu.memory_space<vmem>> -> memref<1x125x16xf32, #tpu.memory_space<vmem>>
    %dma_start3A_45 = tpu.memref_squeeze %dma_start3A_44 : memref<1x125x16xf32, #tpu.memory_space<vmem>> -> memref<125x16xf32, #tpu.memory_space<vmem>>
    %dma_start3A_46 = arith.constant 0 : i32
    %dma_start3A_47 = tpu.memref_slice %arg6[%dma_start3A_40, %dma_start3A_46] : memref<80x125xi32, #tpu.memory_space<vmem>> -> memref<1x125xi32, #tpu.memory_space<vmem>>
    %dma_start3A_48 = tpu.memref_squeeze %dma_start3A_47 : memref<1x125xi32, #tpu.memory_space<vmem>> -> memref<125xi32, #tpu.memory_space<vmem>>
    %dma_start3A_49 = arith.constant 0 : i32
    %dma_start3A_50 = arith.constant 0 : i32
    %dma_start3A_51 = tpu.memref_slice %arg2[%dma_start3A_49, %dma_start3A_50] : memref<10000x16xf32, #tpu.memory_space<hbm>> -> memref<10000x16xf32, #tpu.memory_space<hbm>>
    tpu.enqueue_indirect_dma source(%dma_start3A_51 : memref<10000x16xf32, #tpu.memory_space<hbm>>) target(%dma_start3A_45 : memref<125x16xf32, #tpu.memory_space<vmem>>) offsets(%dma_start3A_48 : memref<125xi32, #tpu.memory_space<vmem>>) semaphore(%arg12 : memref<!tpu.dma_semaphore, #tpu.memory_space<semaphore_mem>>)
    %dma_start3A_52 = arith.constant 2 : i32
    %dma_start3A_53 = arith.constant 2 : i32
    %dma_start3A_54 = arith.constant 0 : i32
    %dma_start3A_55 = arith.constant 0 : i32
    %dma_start3A_56 = tpu.memref_slice %arg8[%dma_start3A_53, %dma_start3A_54, %dma_start3A_55] : memref<8x125x16xf32, #tpu.memory_space<vmem>> -> memref<1x125x16xf32, #tpu.memory_space<vmem>>
    %dma_start3A_57 = tpu.memref_squeeze %dma_start3A_56 : memref<1x125x16xf32, #tpu.memory_space<vmem>> -> memref<125x16xf32, #tpu.memory_space<vmem>>
    %dma_start3A_58 = arith.constant 0 : i32
    %dma_start3A_59 = tpu.memref_slice %arg6[%dma_start3A_52, %dma_start3A_58] : memref<80x125xi32, #tpu.memory_space<vmem>> -> memref<1x125xi32, #tpu.memory_space<vmem>>
    %dma_start3A_60 = tpu.memref_squeeze %dma_start3A_59 : memref<1x125xi32, #tpu.memory_space<vmem>> -> memref<125xi32, #tpu.memory_space<vmem>>
    %dma_start3A_61 = arith.constant 0 : i32
    %dma_start3A_62 = arith.constant 0 : i32
    %dma_start3A_63 = tpu.memref_slice %arg2[%dma_start3A_61, %dma_start3A_62] : memref<10000x16xf32, #tpu.memory_space<hbm>> -> memref<10000x16xf32, #tpu.memory_space<hbm>>
    tpu.enqueue_indirect_dma source(%dma_start3A_63 : memref<10000x16xf32, #tpu.memory_space<hbm>>) target(%dma_start3A_57 : memref<125x16xf32, #tpu.memory_space<vmem>>) offsets(%dma_start3A_60 : memref<125xi32, #tpu.memory_space<vmem>>) semaphore(%arg13 : memref<!tpu.dma_semaphore, #tpu.memory_space<semaphore_mem>>)
    %dma_start3A_64 = arith.constant 3 : i32
    %dma_start3A_65 = arith.constant 3 : i32
    %dma_start3A_66 = arith.constant 0 : i32
    %dma_start3A_67 = arith.constant 0 : i32
    %dma_start3A_68 = tpu.memref_slice %arg8[%dma_start3A_65, %dma_start3A_66, %dma_start3A_67] : memref<8x125x16xf32, #tpu.memory_space<vmem>> -> memref<1x125x16xf32, #tpu.memory_space<vmem>>
    %dma_start3A_69 = tpu.memref_squeeze %dma_start3A_68 : memref<1x125x16xf32, #tpu.memory_space<vmem>> -> memref<125x16xf32, #tpu.memory_space<vmem>>
    %dma_start3A_70 = arith.constant 0 : i32
    %dma_start3A_71 = tpu.memref_slice %arg6[%dma_start3A_64, %dma_start3A_70] : memref<80x125xi32, #tpu.memory_space<vmem>> -> memref<1x125xi32, #tpu.memory_space<vmem>>
    %dma_start3A_72 = tpu.memref_squeeze %dma_start3A_71 : memref<1x125xi32, #tpu.memory_space<vmem>> -> memref<125xi32, #tpu.memory_space<vmem>>
    %dma_start3A_73 = arith.constant 0 : i32
    %dma_start3A_74 = arith.constant 0 : i32
    %dma_start3A_75 = tpu.memref_slice %arg2[%dma_start3A_73, %dma_start3A_74] : memref<10000x16xf32, #tpu.memory_space<hbm>> -> memref<10000x16xf32, #tpu.memory_space<hbm>>
    tpu.enqueue_indirect_dma source(%dma_start3A_75 : memref<10000x16xf32, #tpu.memory_space<hbm>>) target(%dma_start3A_69 : memref<125x16xf32, #tpu.memory_space<vmem>>) offsets(%dma_start3A_72 : memref<125xi32, #tpu.memory_space<vmem>>) semaphore(%arg14 : memref<!tpu.dma_semaphore, #tpu.memory_space<semaphore_mem>>)
    %dma_start3A_76 = arith.constant 4 : i32
    %dma_start3A_77 = arith.constant 4 : i32
    %dma_start3A_78 = arith.constant 0 : i32
    %dma_start3A_79 = arith.constant 0 : i32
    %dma_start3A_80 = tpu.memref_slice %arg8[%dma_start3A_77, %dma_start3A_78, %dma_start3A_79] : memref<8x125x16xf32, #tpu.memory_space<vmem>> -> memref<1x125x16xf32, #tpu.memory_space<vmem>>
    %dma_start3A_81 = tpu.memref_squeeze %dma_start3A_80 : memref<1x125x16xf32, #tpu.memory_space<vmem>> -> memref<125x16xf32, #tpu.memory_space<vmem>>
    %dma_start3A_82 = arith.constant 0 : i32
    %dma_start3A_83 = tpu.memref_slice %arg6[%dma_start3A_76, %dma_start3A_82] : memref<80x125xi32, #tpu.memory_space<vmem>> -> memref<1x125xi32, #tpu.memory_space<vmem>>
    %dma_start3A_84 = tpu.memref_squeeze %dma_start3A_83 : memref<1x125xi32, #tpu.memory_space<vmem>> -> memref<125xi32, #tpu.memory_space<vmem>>
    %dma_start3A_85 = arith.constant 0 : i32
    %dma_start3A_86 = arith.constant 0 : i32
    %dma_start3A_87 = tpu.memref_slice %arg2[%dma_start3A_85, %dma_start3A_86] : memref<10000x16xf32, #tpu.memory_space<hbm>> -> memref<10000x16xf32, #tpu.memory_space<hbm>>
    tpu.enqueue_indirect_dma source(%dma_start3A_87 : memref<10000x16xf32, #tpu.memory_space<hbm>>) target(%dma_start3A_81 : memref<125x16xf32, #tpu.memory_space<vmem>>) offsets(%dma_start3A_84 : memref<125xi32, #tpu.memory_space<vmem>>) semaphore(%arg15 : memref<!tpu.dma_semaphore, #tpu.memory_space<semaphore_mem>>)
    %dma_start3A_88 = arith.constant 5 : i32
    %dma_start3A_89 = arith.constant 5 : i32
    %dma_start3A_90 = arith.constant 0 : i32
    %dma_start3A_91 = arith.constant 0 : i32
    %dma_start3A_92 = tpu.memref_slice %arg8[%dma_start3A_89, %dma_start3A_90, %dma_start3A_91] : memref<8x125x16xf32, #tpu.memory_space<vmem>> -> memref<1x125x16xf32, #tpu.memory_space<vmem>>
    %dma_start3A_93 = tpu.memref_squeeze %dma_start3A_92 : memref<1x125x16xf32, #tpu.memory_space<vmem>> -> memref<125x16xf32, #tpu.memory_space<vmem>>
    %dma_start3A_94 = arith.constant 0 : i32
    %dma_start3A_95 = tpu.memref_slice %arg6[%dma_start3A_88, %dma_start3A_94] : memref<80x125xi32, #tpu.memory_space<vmem>> -> memref<1x125xi32, #tpu.memory_space<vmem>>
    %dma_start3A_96 = tpu.memref_squeeze %dma_start3A_95 : memref<1x125xi32, #tpu.memory_space<vmem>> -> memref<125xi32, #tpu.memory_space<vmem>>
    %dma_start3A_97 = arith.constant 0 : i32
    %dma_start3A_98 = arith.constant 0 : i32
    %dma_start3A_99 = tpu.memref_slice %arg2[%dma_start3A_97, %dma_start3A_98] : memref<10000x16xf32, #tpu.memory_space<hbm>> -> memref<10000x16xf32, #tpu.memory_space<hbm>>
    tpu.enqueue_indirect_dma source(%dma_start3A_99 : memref<10000x16xf32, #tpu.memory_space<hbm>>) target(%dma_start3A_93 : memref<125x16xf32, #tpu.memory_space<vmem>>) offsets(%dma_start3A_96 : memref<125xi32, #tpu.memory_space<vmem>>) semaphore(%arg16 : memref<!tpu.dma_semaphore, #tpu.memory_space<semaphore_mem>>)
    %dma_start3A_100 = arith.constant 6 : i32
    %dma_start3A_101 = arith.constant 6 : i32
    %dma_start3A_102 = arith.constant 0 : i32
    %dma_start3A_103 = arith.constant 0 : i32
    %dma_start3A_104 = tpu.memref_slice %arg8[%dma_start3A_101, %dma_start3A_102, %dma_start3A_103] : memref<8x125x16xf32, #tpu.memory_space<vmem>> -> memref<1x125x16xf32, #tpu.memory_space<vmem>>
    %dma_start3A_105 = tpu.memref_squeeze %dma_start3A_104 : memref<1x125x16xf32, #tpu.memory_space<vmem>> -> memref<125x16xf32, #tpu.memory_space<vmem>>
    %dma_start3A_106 = arith.constant 0 : i32
    %dma_start3A_107 = tpu.memref_slice %arg6[%dma_start3A_100, %dma_start3A_106] : memref<80x125xi32, #tpu.memory_space<vmem>> -> memref<1x125xi32, #tpu.memory_space<vmem>>
    %dma_start3A_108 = tpu.memref_squeeze %dma_start3A_107 : memref<1x125xi32, #tpu.memory_space<vmem>> -> memref<125xi32, #tpu.memory_space<vmem>>
    %dma_start3A_109 = arith.constant 0 : i32
    %dma_start3A_110 = arith.constant 0 : i32
    %dma_start3A_111 = tpu.memref_slice %arg2[%dma_start3A_109, %dma_start3A_110] : memref<10000x16xf32, #tpu.memory_space<hbm>> -> memref<10000x16xf32, #tpu.memory_space<hbm>>
    tpu.enqueue_indirect_dma source(%dma_start3A_111 : memref<10000x16xf32, #tpu.memory_space<hbm>>) target(%dma_start3A_105 : memref<125x16xf32, #tpu.memory_space<vmem>>) offsets(%dma_start3A_108 : memref<125xi32, #tpu.memory_space<vmem>>) semaphore(%arg17 : memref<!tpu.dma_semaphore, #tpu.memory_space<semaphore_mem>>)
    %dma_start3A_112 = arith.constant 7 : i32
    %dma_start3A_113 = arith.constant 7 : i32
    %dma_start3A_114 = arith.constant 0 : i32
    %dma_start3A_115 = arith.constant 0 : i32
    %dma_start3A_116 = tpu.memref_slice %arg8[%dma_start3A_113, %dma_start3A_114, %dma_start3A_115] : memref<8x125x16xf32, #tpu.memory_space<vmem>> -> memref<1x125x16xf32, #tpu.memory_space<vmem>>
    %dma_start3A_117 = tpu.memref_squeeze %dma_start3A_116 : memref<1x125x16xf32, #tpu.memory_space<vmem>> -> memref<125x16xf32, #tpu.memory_space<vmem>>
    %dma_start3A_118 = arith.constant 0 : i32
    %dma_start3A_119 = tpu.memref_slice %arg6[%dma_start3A_112, %dma_start3A_118] : memref<80x125xi32, #tpu.memory_space<vmem>> -> memref<1x125xi32, #tpu.memory_space<vmem>>
    %dma_start3A_120 = tpu.memref_squeeze %dma_start3A_119 : memref<1x125xi32, #tpu.memory_space<vmem>> -> memref<125xi32, #tpu.memory_space<vmem>>
    %dma_start3A_121 = arith.constant 0 : i32
    %dma_start3A_122 = arith.constant 0 : i32
    %dma_start3A_123 = tpu.memref_slice %arg2[%dma_start3A_121, %dma_start3A_122] : memref<10000x16xf32, #tpu.memory_space<hbm>> -> memref<10000x16xf32, #tpu.memory_space<hbm>>
    tpu.enqueue_indirect_dma source(%dma_start3A_123 : memref<10000x16xf32, #tpu.memory_space<hbm>>) target(%dma_start3A_117 : memref<125x16xf32, #tpu.memory_space<vmem>>) offsets(%dma_start3A_120 : memref<125xi32, #tpu.memory_space<vmem>>) semaphore(%arg18 : memref<!tpu.dma_semaphore, #tpu.memory_space<semaphore_mem>>)
    %scan3A_124 = arith.constant 0 : i32
    %scan3A_125 = arith.constant 0 : i32
    %scan3A_126 = arith.constant 1 : i32
    %scan3A_127 = arith.constant 2 : i32
    %scan3A_128 = arith.constant 3 : i32
    %scan3A_129 = arith.constant 4 : i32
    %scan3A_130 = arith.constant 5 : i32
    %scan3A_131 = arith.constant 6 : i32
    %scan3A_132 = arith.constant 7 : i32
    %scan3A_133 = arith.constant 0 : i32
    %scan3A_134 = arith.constant 10 : i32
    %scan3A_135 = arith.addi %scan3A_133, %scan3A_134 : i32
    %scan3A_136 = arith.constant 1 : i32
    scf.for %scan3A_262 = %scan3A_133 to %scan3A_135 step %scan3A_136  : i32 {
      %dma_wait3A_263 = arith.constant 0 : i32
      %dma_wait3A_264 = arith.constant 0 : i32
      %dma_wait3A_265 = tpu.memref_slice %arg8[%scan3A_125, %dma_wait3A_263, %dma_wait3A_264] : memref<8x125x16xf32, #tpu.memory_space<vmem>> -> memref<1x125x16xf32, #tpu.memory_space<vmem>>
      %dma_wait3A_266 = tpu.memref_squeeze %dma_wait3A_265 : memref<1x125x16xf32, #tpu.memory_space<vmem>> -> memref<125x16xf32, #tpu.memory_space<vmem>>
      %dma_wait3A_267 = arith.constant 0 : i32
      %dma_wait3A_268 = arith.constant 0 : i32
      %dma_wait3A_269 = tpu.memref_slice %arg2[%dma_wait3A_267, %dma_wait3A_268] : memref<10000x16xf32, #tpu.memory_space<hbm>> -> memref<125x16xf32, #tpu.memory_space<hbm>>
      %dma_wait3A_270 = arith.constant 0 : i32
      %dma_wait3A_271 = arith.constant 0 : i32
      %dma_wait3A_272 = tpu.memref_slice %arg8[%scan3A_125, %dma_wait3A_270, %dma_wait3A_271] : memref<8x125x16xf32, #tpu.memory_space<vmem>> -> memref<1x125x16xf32, #tpu.memory_space<vmem>>
      %dma_wait3A_273 = tpu.memref_squeeze %dma_wait3A_272 : memref<1x125x16xf32, #tpu.memory_space<vmem>> -> memref<125x16xf32, #tpu.memory_space<vmem>>
      %dma_wait3A_274 = arith.constant 0 : i32
      %dma_wait3A_275 = arith.constant 0 : i32
      %dma_wait3A_276 = tpu.memref_slice %arg2[%dma_wait3A_274, %dma_wait3A_275] : memref<10000x16xf32, #tpu.memory_space<hbm>> -> memref<125x16xf32, #tpu.memory_space<hbm>>
      tpu.wait_dma2 semaphore(%arg11 : memref<!tpu.dma_semaphore, #tpu.memory_space<semaphore_mem>>) src(%dma_wait3A_276 : memref<125x16xf32, #tpu.memory_space<hbm>>) dst(%dma_wait3A_273 : memref<125x16xf32, #tpu.memory_space<vmem>>)
      %mul3A_277 = arith.constant 8 : i32
      %mul3A_278 = arith.muli %mul3A_277, %scan3A_262 : i32
      %add3A_279 = arith.constant 0 : i32
      %add3A_280 = arith.addi %mul3A_278, %add3A_279 : i32
      %dma_start3A_281 = arith.constant 0 : i32
      %dma_start3A_282 = arith.constant 0 : i32
      %dma_start3A_283 = tpu.memref_slice %arg8[%scan3A_125, %dma_start3A_281, %dma_start3A_282] : memref<8x125x16xf32, #tpu.memory_space<vmem>> -> memref<1x125x16xf32, #tpu.memory_space<vmem>>
      %dma_start3A_284 = tpu.memref_squeeze %dma_start3A_283 : memref<1x125x16xf32, #tpu.memory_space<vmem>> -> memref<125x16xf32, #tpu.memory_space<vmem>>
      %dma_start3A_285 = arith.constant 0 : i32
      %dma_start3A_286 = tpu.memref_slice %arg7[%add3A_280, %dma_start3A_285] : memref<80x125xi32, #tpu.memory_space<vmem>> -> memref<1x125xi32, #tpu.memory_space<vmem>>
      %dma_start3A_287 = tpu.memref_squeeze %dma_start3A_286 : memref<1x125xi32, #tpu.memory_space<vmem>> -> memref<125xi32, #tpu.memory_space<vmem>>
      %dma_start3A_288 = arith.constant 0 : i32
      %dma_start3A_289 = arith.constant 0 : i32
      %dma_start3A_290 = tpu.memref_slice %arg10[%dma_start3A_288, %dma_start3A_289] : memref<10240x16xf32, #tpu.memory_space<vmem_shared>> -> memref<10240x16xf32, #tpu.memory_space<vmem_shared>>
      tpu.enqueue_indirect_dma source(%dma_start3A_284 : memref<125x16xf32, #tpu.memory_space<vmem>>) target(%dma_start3A_290 : memref<10240x16xf32, #tpu.memory_space<vmem_shared>>) offsets(%dma_start3A_287 : memref<125xi32, #tpu.memory_space<vmem>>) semaphore(%arg11 : memref<!tpu.dma_semaphore, #tpu.memory_space<semaphore_mem>>) {add = true}
      %dma_wait3A_291 = arith.constant 0 : i32
      %dma_wait3A_292 = arith.constant 0 : i32
      %dma_wait3A_293 = tpu.memref_slice %arg8[%scan3A_126, %dma_wait3A_291, %dma_wait3A_292] : memref<8x125x16xf32, #tpu.memory_space<vmem>> -> memref<1x125x16xf32, #tpu.memory_space<vmem>>
      %dma_wait3A_294 = tpu.memref_squeeze %dma_wait3A_293 : memref<1x125x16xf32, #tpu.memory_space<vmem>> -> memref<125x16xf32, #tpu.memory_space<vmem>>
      %dma_wait3A_295 = arith.constant 0 : i32
      %dma_wait3A_296 = arith.constant 0 : i32
      %dma_wait3A_297 = tpu.memref_slice %arg2[%dma_wait3A_295, %dma_wait3A_296] : memref<10000x16xf32, #tpu.memory_space<hbm>> -> memref<125x16xf32, #tpu.memory_space<hbm>>
      %dma_wait3A_298 = arith.constant 0 : i32
      %dma_wait3A_299 = arith.constant 0 : i32
      %dma_wait3A_300 = tpu.memref_slice %arg8[%scan3A_126, %dma_wait3A_298, %dma_wait3A_299] : memref<8x125x16xf32, #tpu.memory_space<vmem>> -> memref<1x125x16xf32, #tpu.memory_space<vmem>>
      %dma_wait3A_301 = tpu.memref_squeeze %dma_wait3A_300 : memref<1x125x16xf32, #tpu.memory_space<vmem>> -> memref<125x16xf32, #tpu.memory_space<vmem>>
      %dma_wait3A_302 = arith.constant 0 : i32
      %dma_wait3A_303 = arith.constant 0 : i32
      %dma_wait3A_304 = tpu.memref_slice %arg2[%dma_wait3A_302, %dma_wait3A_303] : memref<10000x16xf32, #tpu.memory_space<hbm>> -> memref<125x16xf32, #tpu.memory_space<hbm>>
      tpu.wait_dma2 semaphore(%arg12 : memref<!tpu.dma_semaphore, #tpu.memory_space<semaphore_mem>>) src(%dma_wait3A_304 : memref<125x16xf32, #tpu.memory_space<hbm>>) dst(%dma_wait3A_301 : memref<125x16xf32, #tpu.memory_space<vmem>>)
      %mul3A_305 = arith.constant 8 : i32
      %mul3A_306 = arith.muli %mul3A_305, %scan3A_262 : i32
      %add3A_307 = arith.constant 1 : i32
      %add3A_308 = arith.addi %mul3A_306, %add3A_307 : i32
      %dma_start3A_309 = arith.constant 0 : i32
      %dma_start3A_310 = arith.constant 0 : i32
      %dma_start3A_311 = tpu.memref_slice %arg8[%scan3A_126, %dma_start3A_309, %dma_start3A_310] : memref<8x125x16xf32, #tpu.memory_space<vmem>> -> memref<1x125x16xf32, #tpu.memory_space<vmem>>
      %dma_start3A_312 = tpu.memref_squeeze %dma_start3A_311 : memref<1x125x16xf32, #tpu.memory_space<vmem>> -> memref<125x16xf32, #tpu.memory_space<vmem>>
      %dma_start3A_313 = arith.constant 0 : i32
      %dma_start3A_314 = tpu.memref_slice %arg7[%add3A_308, %dma_start3A_313] : memref<80x125xi32, #tpu.memory_space<vmem>> -> memref<1x125xi32, #tpu.memory_space<vmem>>
      %dma_start3A_315 = tpu.memref_squeeze %dma_start3A_314 : memref<1x125xi32, #tpu.memory_space<vmem>> -> memref<125xi32, #tpu.memory_space<vmem>>
      %dma_start3A_316 = arith.constant 0 : i32
      %dma_start3A_317 = arith.constant 0 : i32
      %dma_start3A_318 = tpu.memref_slice %arg10[%dma_start3A_316, %dma_start3A_317] : memref<10240x16xf32, #tpu.memory_space<vmem_shared>> -> memref<10240x16xf32, #tpu.memory_space<vmem_shared>>
      tpu.enqueue_indirect_dma source(%dma_start3A_312 : memref<125x16xf32, #tpu.memory_space<vmem>>) target(%dma_start3A_318 : memref<10240x16xf32, #tpu.memory_space<vmem_shared>>) offsets(%dma_start3A_315 : memref<125xi32, #tpu.memory_space<vmem>>) semaphore(%arg12 : memref<!tpu.dma_semaphore, #tpu.memory_space<semaphore_mem>>) {add = true}
      %dma_wait3A_319 = arith.constant 0 : i32
      %dma_wait3A_320 = arith.constant 0 : i32
      %dma_wait3A_321 = tpu.memref_slice %arg8[%scan3A_127, %dma_wait3A_319, %dma_wait3A_320] : memref<8x125x16xf32, #tpu.memory_space<vmem>> -> memref<1x125x16xf32, #tpu.memory_space<vmem>>
      %dma_wait3A_322 = tpu.memref_squeeze %dma_wait3A_321 : memref<1x125x16xf32, #tpu.memory_space<vmem>> -> memref<125x16xf32, #tpu.memory_space<vmem>>
      %dma_wait3A_323 = arith.constant 0 : i32
      %dma_wait3A_324 = arith.constant 0 : i32
      %dma_wait3A_325 = tpu.memref_slice %arg2[%dma_wait3A_323, %dma_wait3A_324] : memref<10000x16xf32, #tpu.memory_space<hbm>> -> memref<125x16xf32, #tpu.memory_space<hbm>>
      %dma_wait3A_326 = arith.constant 0 : i32
      %dma_wait3A_327 = arith.constant 0 : i32
      %dma_wait3A_328 = tpu.memref_slice %arg8[%scan3A_127, %dma_wait3A_326, %dma_wait3A_327] : memref<8x125x16xf32, #tpu.memory_space<vmem>> -> memref<1x125x16xf32, #tpu.memory_space<vmem>>
      %dma_wait3A_329 = tpu.memref_squeeze %dma_wait3A_328 : memref<1x125x16xf32, #tpu.memory_space<vmem>> -> memref<125x16xf32, #tpu.memory_space<vmem>>
      %dma_wait3A_330 = arith.constant 0 : i32
      %dma_wait3A_331 = arith.constant 0 : i32
      %dma_wait3A_332 = tpu.memref_slice %arg2[%dma_wait3A_330, %dma_wait3A_331] : memref<10000x16xf32, #tpu.memory_space<hbm>> -> memref<125x16xf32, #tpu.memory_space<hbm>>
      tpu.wait_dma2 semaphore(%arg13 : memref<!tpu.dma_semaphore, #tpu.memory_space<semaphore_mem>>) src(%dma_wait3A_332 : memref<125x16xf32, #tpu.memory_space<hbm>>) dst(%dma_wait3A_329 : memref<125x16xf32, #tpu.memory_space<vmem>>)
      %mul3A_333 = arith.constant 8 : i32
      %mul3A_334 = arith.muli %mul3A_333, %scan3A_262 : i32
      %add3A_335 = arith.constant 2 : i32
      %add3A_336 = arith.addi %mul3A_334, %add3A_335 : i32
      %dma_start3A_337 = arith.constant 0 : i32
      %dma_start3A_338 = arith.constant 0 : i32
      %dma_start3A_339 = tpu.memref_slice %arg8[%scan3A_127, %dma_start3A_337, %dma_start3A_338] : memref<8x125x16xf32, #tpu.memory_space<vmem>> -> memref<1x125x16xf32, #tpu.memory_space<vmem>>
      %dma_start3A_340 = tpu.memref_squeeze %dma_start3A_339 : memref<1x125x16xf32, #tpu.memory_space<vmem>> -> memref<125x16xf32, #tpu.memory_space<vmem>>
      %dma_start3A_341 = arith.constant 0 : i32
      %dma_start3A_342 = tpu.memref_slice %arg7[%add3A_336, %dma_start3A_341] : memref<80x125xi32, #tpu.memory_space<vmem>> -> memref<1x125xi32, #tpu.memory_space<vmem>>
      %dma_start3A_343 = tpu.memref_squeeze %dma_start3A_342 : memref<1x125xi32, #tpu.memory_space<vmem>> -> memref<125xi32, #tpu.memory_space<vmem>>
      %dma_start3A_344 = arith.constant 0 : i32
      %dma_start3A_345 = arith.constant 0 : i32
      %dma_start3A_346 = tpu.memref_slice %arg10[%dma_start3A_344, %dma_start3A_345] : memref<10240x16xf32, #tpu.memory_space<vmem_shared>> -> memref<10240x16xf32, #tpu.memory_space<vmem_shared>>
      tpu.enqueue_indirect_dma source(%dma_start3A_340 : memref<125x16xf32, #tpu.memory_space<vmem>>) target(%dma_start3A_346 : memref<10240x16xf32, #tpu.memory_space<vmem_shared>>) offsets(%dma_start3A_343 : memref<125xi32, #tpu.memory_space<vmem>>) semaphore(%arg13 : memref<!tpu.dma_semaphore, #tpu.memory_space<semaphore_mem>>) {add = true}
      %dma_wait3A_347 = arith.constant 0 : i32
      %dma_wait3A_348 = arith.constant 0 : i32
      %dma_wait3A_349 = tpu.memref_slice %arg8[%scan3A_128, %dma_wait3A_347, %dma_wait3A_348] : memref<8x125x16xf32, #tpu.memory_space<vmem>> -> memref<1x125x16xf32, #tpu.memory_space<vmem>>
      %dma_wait3A_350 = tpu.memref_squeeze %dma_wait3A_349 : memref<1x125x16xf32, #tpu.memory_space<vmem>> -> memref<125x16xf32, #tpu.memory_space<vmem>>
      %dma_wait3A_351 = arith.constant 0 : i32
      %dma_wait3A_352 = arith.constant 0 : i32
      %dma_wait3A_353 = tpu.memref_slice %arg2[%dma_wait3A_351, %dma_wait3A_352] : memref<10000x16xf32, #tpu.memory_space<hbm>> -> memref<125x16xf32, #tpu.memory_space<hbm>>
      %dma_wait3A_354 = arith.constant 0 : i32
      %dma_wait3A_355 = arith.constant 0 : i32
      %dma_wait3A_356 = tpu.memref_slice %arg8[%scan3A_128, %dma_wait3A_354, %dma_wait3A_355] : memref<8x125x16xf32, #tpu.memory_space<vmem>> -> memref<1x125x16xf32, #tpu.memory_space<vmem>>
      %dma_wait3A_357 = tpu.memref_squeeze %dma_wait3A_356 : memref<1x125x16xf32, #tpu.memory_space<vmem>> -> memref<125x16xf32, #tpu.memory_space<vmem>>
      %dma_wait3A_358 = arith.constant 0 : i32
      %dma_wait3A_359 = arith.constant 0 : i32
      %dma_wait3A_360 = tpu.memref_slice %arg2[%dma_wait3A_358, %dma_wait3A_359] : memref<10000x16xf32, #tpu.memory_space<hbm>> -> memref<125x16xf32, #tpu.memory_space<hbm>>
      tpu.wait_dma2 semaphore(%arg14 : memref<!tpu.dma_semaphore, #tpu.memory_space<semaphore_mem>>) src(%dma_wait3A_360 : memref<125x16xf32, #tpu.memory_space<hbm>>) dst(%dma_wait3A_357 : memref<125x16xf32, #tpu.memory_space<vmem>>)
      %mul3A_361 = arith.constant 8 : i32
      %mul3A_362 = arith.muli %mul3A_361, %scan3A_262 : i32
      %add3A_363 = arith.constant 3 : i32
      %add3A_364 = arith.addi %mul3A_362, %add3A_363 : i32
      %dma_start3A_365 = arith.constant 0 : i32
      %dma_start3A_366 = arith.constant 0 : i32
      %dma_start3A_367 = tpu.memref_slice %arg8[%scan3A_128, %dma_start3A_365, %dma_start3A_366] : memref<8x125x16xf32, #tpu.memory_space<vmem>> -> memref<1x125x16xf32, #tpu.memory_space<vmem>>
      %dma_start3A_368 = tpu.memref_squeeze %dma_start3A_367 : memref<1x125x16xf32, #tpu.memory_space<vmem>> -> memref<125x16xf32, #tpu.memory_space<vmem>>
      %dma_start3A_369 = arith.constant 0 : i32
      %dma_start3A_370 = tpu.memref_slice %arg7[%add3A_364, %dma_start3A_369] : memref<80x125xi32, #tpu.memory_space<vmem>> -> memref<1x125xi32, #tpu.memory_space<vmem>>
      %dma_start3A_371 = tpu.memref_squeeze %dma_start3A_370 : memref<1x125xi32, #tpu.memory_space<vmem>> -> memref<125xi32, #tpu.memory_space<vmem>>
      %dma_start3A_372 = arith.constant 0 : i32
      %dma_start3A_373 = arith.constant 0 : i32
      %dma_start3A_374 = tpu.memref_slice %arg10[%dma_start3A_372, %dma_start3A_373] : memref<10240x16xf32, #tpu.memory_space<vmem_shared>> -> memref<10240x16xf32, #tpu.memory_space<vmem_shared>>
      tpu.enqueue_indirect_dma source(%dma_start3A_368 : memref<125x16xf32, #tpu.memory_space<vmem>>) target(%dma_start3A_374 : memref<10240x16xf32, #tpu.memory_space<vmem_shared>>) offsets(%dma_start3A_371 : memref<125xi32, #tpu.memory_space<vmem>>) semaphore(%arg14 : memref<!tpu.dma_semaphore, #tpu.memory_space<semaphore_mem>>) {add = true}
      %dma_wait3A_375 = arith.constant 0 : i32
      %dma_wait3A_376 = arith.constant 0 : i32
      %dma_wait3A_377 = tpu.memref_slice %arg8[%scan3A_129, %dma_wait3A_375, %dma_wait3A_376] : memref<8x125x16xf32, #tpu.memory_space<vmem>> -> memref<1x125x16xf32, #tpu.memory_space<vmem>>
      %dma_wait3A_378 = tpu.memref_squeeze %dma_wait3A_377 : memref<1x125x16xf32, #tpu.memory_space<vmem>> -> memref<125x16xf32, #tpu.memory_space<vmem>>
      %dma_wait3A_379 = arith.constant 0 : i32
      %dma_wait3A_380 = arith.constant 0 : i32
      %dma_wait3A_381 = tpu.memref_slice %arg2[%dma_wait3A_379, %dma_wait3A_380] : memref<10000x16xf32, #tpu.memory_space<hbm>> -> memref<125x16xf32, #tpu.memory_space<hbm>>
      %dma_wait3A_382 = arith.constant 0 : i32
      %dma_wait3A_383 = arith.constant 0 : i32
      %dma_wait3A_384 = tpu.memref_slice %arg8[%scan3A_129, %dma_wait3A_382, %dma_wait3A_383] : memref<8x125x16xf32, #tpu.memory_space<vmem>> -> memref<1x125x16xf32, #tpu.memory_space<vmem>>
      %dma_wait3A_385 = tpu.memref_squeeze %dma_wait3A_384 : memref<1x125x16xf32, #tpu.memory_space<vmem>> -> memref<125x16xf32, #tpu.memory_space<vmem>>
      %dma_wait3A_386 = arith.constant 0 : i32
      %dma_wait3A_387 = arith.constant 0 : i32
      %dma_wait3A_388 = tpu.memref_slice %arg2[%dma_wait3A_386, %dma_wait3A_387] : memref<10000x16xf32, #tpu.memory_space<hbm>> -> memref<125x16xf32, #tpu.memory_space<hbm>>
      tpu.wait_dma2 semaphore(%arg15 : memref<!tpu.dma_semaphore, #tpu.memory_space<semaphore_mem>>) src(%dma_wait3A_388 : memref<125x16xf32, #tpu.memory_space<hbm>>) dst(%dma_wait3A_385 : memref<125x16xf32, #tpu.memory_space<vmem>>)
      %mul3A_389 = arith.constant 8 : i32
      %mul3A_390 = arith.muli %mul3A_389, %scan3A_262 : i32
      %add3A_391 = arith.constant 4 : i32
      %add3A_392 = arith.addi %mul3A_390, %add3A_391 : i32
      %dma_start3A_393 = arith.constant 0 : i32
      %dma_start3A_394 = arith.constant 0 : i32
      %dma_start3A_395 = tpu.memref_slice %arg8[%scan3A_129, %dma_start3A_393, %dma_start3A_394] : memref<8x125x16xf32, #tpu.memory_space<vmem>> -> memref<1x125x16xf32, #tpu.memory_space<vmem>>
      %dma_start3A_396 = tpu.memref_squeeze %dma_start3A_395 : memref<1x125x16xf32, #tpu.memory_space<vmem>> -> memref<125x16xf32, #tpu.memory_space<vmem>>
      %dma_start3A_397 = arith.constant 0 : i32
      %dma_start3A_398 = tpu.memref_slice %arg7[%add3A_392, %dma_start3A_397] : memref<80x125xi32, #tpu.memory_space<vmem>> -> memref<1x125xi32, #tpu.memory_space<vmem>>
      %dma_start3A_399 = tpu.memref_squeeze %dma_start3A_398 : memref<1x125xi32, #tpu.memory_space<vmem>> -> memref<125xi32, #tpu.memory_space<vmem>>
      %dma_start3A_400 = arith.constant 0 : i32
      %dma_start3A_401 = arith.constant 0 : i32
      %dma_start3A_402 = tpu.memref_slice %arg10[%dma_start3A_400, %dma_start3A_401] : memref<10240x16xf32, #tpu.memory_space<vmem_shared>> -> memref<10240x16xf32, #tpu.memory_space<vmem_shared>>
      tpu.enqueue_indirect_dma source(%dma_start3A_396 : memref<125x16xf32, #tpu.memory_space<vmem>>) target(%dma_start3A_402 : memref<10240x16xf32, #tpu.memory_space<vmem_shared>>) offsets(%dma_start3A_399 : memref<125xi32, #tpu.memory_space<vmem>>) semaphore(%arg15 : memref<!tpu.dma_semaphore, #tpu.memory_space<semaphore_mem>>) {add = true}
      %dma_wait3A_403 = arith.constant 0 : i32
      %dma_wait3A_404 = arith.constant 0 : i32
      %dma_wait3A_405 = tpu.memref_slice %arg8[%scan3A_130, %dma_wait3A_403, %dma_wait3A_404] : memref<8x125x16xf32, #tpu.memory_space<vmem>> -> memref<1x125x16xf32, #tpu.memory_space<vmem>>
      %dma_wait3A_406 = tpu.memref_squeeze %dma_wait3A_405 : memref<1x125x16xf32, #tpu.memory_space<vmem>> -> memref<125x16xf32, #tpu.memory_space<vmem>>
      %dma_wait3A_407 = arith.constant 0 : i32
      %dma_wait3A_408 = arith.constant 0 : i32
      %dma_wait3A_409 = tpu.memref_slice %arg2[%dma_wait3A_407, %dma_wait3A_408] : memref<10000x16xf32, #tpu.memory_space<hbm>> -> memref<125x16xf32, #tpu.memory_space<hbm>>
      %dma_wait3A_410 = arith.constant 0 : i32
      %dma_wait3A_411 = arith.constant 0 : i32
      %dma_wait3A_412 = tpu.memref_slice %arg8[%scan3A_130, %dma_wait3A_410, %dma_wait3A_411] : memref<8x125x16xf32, #tpu.memory_space<vmem>> -> memref<1x125x16xf32, #tpu.memory_space<vmem>>
      %dma_wait3A_413 = tpu.memref_squeeze %dma_wait3A_412 : memref<1x125x16xf32, #tpu.memory_space<vmem>> -> memref<125x16xf32, #tpu.memory_space<vmem>>
      %dma_wait3A_414 = arith.constant 0 : i32
      %dma_wait3A_415 = arith.constant 0 : i32
      %dma_wait3A_416 = tpu.memref_slice %arg2[%dma_wait3A_414, %dma_wait3A_415] : memref<10000x16xf32, #tpu.memory_space<hbm>> -> memref<125x16xf32, #tpu.memory_space<hbm>>
      tpu.wait_dma2 semaphore(%arg16 : memref<!tpu.dma_semaphore, #tpu.memory_space<semaphore_mem>>) src(%dma_wait3A_416 : memref<125x16xf32, #tpu.memory_space<hbm>>) dst(%dma_wait3A_413 : memref<125x16xf32, #tpu.memory_space<vmem>>)
      %mul3A_417 = arith.constant 8 : i32
      %mul3A_418 = arith.muli %mul3A_417, %scan3A_262 : i32
      %add3A_419 = arith.constant 5 : i32
      %add3A_420 = arith.addi %mul3A_418, %add3A_419 : i32
      %dma_start3A_421 = arith.constant 0 : i32
      %dma_start3A_422 = arith.constant 0 : i32
      %dma_start3A_423 = tpu.memref_slice %arg8[%scan3A_130, %dma_start3A_421, %dma_start3A_422] : memref<8x125x16xf32, #tpu.memory_space<vmem>> -> memref<1x125x16xf32, #tpu.memory_space<vmem>>
      %dma_start3A_424 = tpu.memref_squeeze %dma_start3A_423 : memref<1x125x16xf32, #tpu.memory_space<vmem>> -> memref<125x16xf32, #tpu.memory_space<vmem>>
      %dma_start3A_425 = arith.constant 0 : i32
      %dma_start3A_426 = tpu.memref_slice %arg7[%add3A_420, %dma_start3A_425] : memref<80x125xi32, #tpu.memory_space<vmem>> -> memref<1x125xi32, #tpu.memory_space<vmem>>
      %dma_start3A_427 = tpu.memref_squeeze %dma_start3A_426 : memref<1x125xi32, #tpu.memory_space<vmem>> -> memref<125xi32, #tpu.memory_space<vmem>>
      %dma_start3A_428 = arith.constant 0 : i32
      %dma_start3A_429 = arith.constant 0 : i32
      %dma_start3A_430 = tpu.memref_slice %arg10[%dma_start3A_428, %dma_start3A_429] : memref<10240x16xf32, #tpu.memory_space<vmem_shared>> -> memref<10240x16xf32, #tpu.memory_space<vmem_shared>>
      tpu.enqueue_indirect_dma source(%dma_start3A_424 : memref<125x16xf32, #tpu.memory_space<vmem>>) target(%dma_start3A_430 : memref<10240x16xf32, #tpu.memory_space<vmem_shared>>) offsets(%dma_start3A_427 : memref<125xi32, #tpu.memory_space<vmem>>) semaphore(%arg16 : memref<!tpu.dma_semaphore, #tpu.memory_space<semaphore_mem>>) {add = true}
      %dma_wait3A_431 = arith.constant 0 : i32
      %dma_wait3A_432 = arith.constant 0 : i32
      %dma_wait3A_433 = tpu.memref_slice %arg8[%scan3A_131, %dma_wait3A_431, %dma_wait3A_432] : memref<8x125x16xf32, #tpu.memory_space<vmem>> -> memref<1x125x16xf32, #tpu.memory_space<vmem>>
      %dma_wait3A_434 = tpu.memref_squeeze %dma_wait3A_433 : memref<1x125x16xf32, #tpu.memory_space<vmem>> -> memref<125x16xf32, #tpu.memory_space<vmem>>
      %dma_wait3A_435 = arith.constant 0 : i32
      %dma_wait3A_436 = arith.constant 0 : i32
      %dma_wait3A_437 = tpu.memref_slice %arg2[%dma_wait3A_435, %dma_wait3A_436] : memref<10000x16xf32, #tpu.memory_space<hbm>> -> memref<125x16xf32, #tpu.memory_space<hbm>>
      %dma_wait3A_438 = arith.constant 0 : i32
      %dma_wait3A_439 = arith.constant 0 : i32
      %dma_wait3A_440 = tpu.memref_slice %arg8[%scan3A_131, %dma_wait3A_438, %dma_wait3A_439] : memref<8x125x16xf32, #tpu.memory_space<vmem>> -> memref<1x125x16xf32, #tpu.memory_space<vmem>>
      %dma_wait3A_441 = tpu.memref_squeeze %dma_wait3A_440 : memref<1x125x16xf32, #tpu.memory_space<vmem>> -> memref<125x16xf32, #tpu.memory_space<vmem>>
      %dma_wait3A_442 = arith.constant 0 : i32
      %dma_wait3A_443 = arith.constant 0 : i32
      %dma_wait3A_444 = tpu.memref_slice %arg2[%dma_wait3A_442, %dma_wait3A_443] : memref<10000x16xf32, #tpu.memory_space<hbm>> -> memref<125x16xf32, #tpu.memory_space<hbm>>
      tpu.wait_dma2 semaphore(%arg17 : memref<!tpu.dma_semaphore, #tpu.memory_space<semaphore_mem>>) src(%dma_wait3A_444 : memref<125x16xf32, #tpu.memory_space<hbm>>) dst(%dma_wait3A_441 : memref<125x16xf32, #tpu.memory_space<vmem>>)
      %mul3A_445 = arith.constant 8 : i32
      %mul3A_446 = arith.muli %mul3A_445, %scan3A_262 : i32
      %add3A_447 = arith.constant 6 : i32
      %add3A_448 = arith.addi %mul3A_446, %add3A_447 : i32
      %dma_start3A_449 = arith.constant 0 : i32
      %dma_start3A_450 = arith.constant 0 : i32
      %dma_start3A_451 = tpu.memref_slice %arg8[%scan3A_131, %dma_start3A_449, %dma_start3A_450] : memref<8x125x16xf32, #tpu.memory_space<vmem>> -> memref<1x125x16xf32, #tpu.memory_space<vmem>>
      %dma_start3A_452 = tpu.memref_squeeze %dma_start3A_451 : memref<1x125x16xf32, #tpu.memory_space<vmem>> -> memref<125x16xf32, #tpu.memory_space<vmem>>
      %dma_start3A_453 = arith.constant 0 : i32
      %dma_start3A_454 = tpu.memref_slice %arg7[%add3A_448, %dma_start3A_453] : memref<80x125xi32, #tpu.memory_space<vmem>> -> memref<1x125xi32, #tpu.memory_space<vmem>>
      %dma_start3A_455 = tpu.memref_squeeze %dma_start3A_454 : memref<1x125xi32, #tpu.memory_space<vmem>> -> memref<125xi32, #tpu.memory_space<vmem>>
      %dma_start3A_456 = arith.constant 0 : i32
      %dma_start3A_457 = arith.constant 0 : i32
      %dma_start3A_458 = tpu.memref_slice %arg10[%dma_start3A_456, %dma_start3A_457] : memref<10240x16xf32, #tpu.memory_space<vmem_shared>> -> memref<10240x16xf32, #tpu.memory_space<vmem_shared>>
      tpu.enqueue_indirect_dma source(%dma_start3A_452 : memref<125x16xf32, #tpu.memory_space<vmem>>) target(%dma_start3A_458 : memref<10240x16xf32, #tpu.memory_space<vmem_shared>>) offsets(%dma_start3A_455 : memref<125xi32, #tpu.memory_space<vmem>>) semaphore(%arg17 : memref<!tpu.dma_semaphore, #tpu.memory_space<semaphore_mem>>) {add = true}
      %dma_wait3A_459 = arith.constant 0 : i32
      %dma_wait3A_460 = arith.constant 0 : i32
      %dma_wait3A_461 = tpu.memref_slice %arg8[%scan3A_132, %dma_wait3A_459, %dma_wait3A_460] : memref<8x125x16xf32, #tpu.memory_space<vmem>> -> memref<1x125x16xf32, #tpu.memory_space<vmem>>
      %dma_wait3A_462 = tpu.memref_squeeze %dma_wait3A_461 : memref<1x125x16xf32, #tpu.memory_space<vmem>> -> memref<125x16xf32, #tpu.memory_space<vmem>>
      %dma_wait3A_463 = arith.constant 0 : i32
      %dma_wait3A_464 = arith.constant 0 : i32
      %dma_wait3A_465 = tpu.memref_slice %arg2[%dma_wait3A_463, %dma_wait3A_464] : memref<10000x16xf32, #tpu.memory_space<hbm>> -> memref<125x16xf32, #tpu.memory_space<hbm>>
      %dma_wait3A_466 = arith.constant 0 : i32
      %dma_wait3A_467 = arith.constant 0 : i32
      %dma_wait3A_468 = tpu.memref_slice %arg8[%scan3A_132, %dma_wait3A_466, %dma_wait3A_467] : memref<8x125x16xf32, #tpu.memory_space<vmem>> -> memref<1x125x16xf32, #tpu.memory_space<vmem>>
      %dma_wait3A_469 = tpu.memref_squeeze %dma_wait3A_468 : memref<1x125x16xf32, #tpu.memory_space<vmem>> -> memref<125x16xf32, #tpu.memory_space<vmem>>
      %dma_wait3A_470 = arith.constant 0 : i32
      %dma_wait3A_471 = arith.constant 0 : i32
      %dma_wait3A_472 = tpu.memref_slice %arg2[%dma_wait3A_470, %dma_wait3A_471] : memref<10000x16xf32, #tpu.memory_space<hbm>> -> memref<125x16xf32, #tpu.memory_space<hbm>>
      tpu.wait_dma2 semaphore(%arg18 : memref<!tpu.dma_semaphore, #tpu.memory_space<semaphore_mem>>) src(%dma_wait3A_472 : memref<125x16xf32, #tpu.memory_space<hbm>>) dst(%dma_wait3A_469 : memref<125x16xf32, #tpu.memory_space<vmem>>)
      %mul3A_473 = arith.constant 8 : i32
      %mul3A_474 = arith.muli %mul3A_473, %scan3A_262 : i32
      %add3A_475 = arith.constant 7 : i32
      %add3A_476 = arith.addi %mul3A_474, %add3A_475 : i32
      %dma_start3A_477 = arith.constant 0 : i32
      %dma_start3A_478 = arith.constant 0 : i32
      %dma_start3A_479 = tpu.memref_slice %arg8[%scan3A_132, %dma_start3A_477, %dma_start3A_478] : memref<8x125x16xf32, #tpu.memory_space<vmem>> -> memref<1x125x16xf32, #tpu.memory_space<vmem>>
      %dma_start3A_480 = tpu.memref_squeeze %dma_start3A_479 : memref<1x125x16xf32, #tpu.memory_space<vmem>> -> memref<125x16xf32, #tpu.memory_space<vmem>>
      %dma_start3A_481 = arith.constant 0 : i32
      %dma_start3A_482 = tpu.memref_slice %arg7[%add3A_476, %dma_start3A_481] : memref<80x125xi32, #tpu.memory_space<vmem>> -> memref<1x125xi32, #tpu.memory_space<vmem>>
      %dma_start3A_483 = tpu.memref_squeeze %dma_start3A_482 : memref<1x125xi32, #tpu.memory_space<vmem>> -> memref<125xi32, #tpu.memory_space<vmem>>
      %dma_start3A_484 = arith.constant 0 : i32
      %dma_start3A_485 = arith.constant 0 : i32
      %dma_start3A_486 = tpu.memref_slice %arg10[%dma_start3A_484, %dma_start3A_485] : memref<10240x16xf32, #tpu.memory_space<vmem_shared>> -> memref<10240x16xf32, #tpu.memory_space<vmem_shared>>
      tpu.enqueue_indirect_dma source(%dma_start3A_480 : memref<125x16xf32, #tpu.memory_space<vmem>>) target(%dma_start3A_486 : memref<10240x16xf32, #tpu.memory_space<vmem_shared>>) offsets(%dma_start3A_483 : memref<125xi32, #tpu.memory_space<vmem>>) semaphore(%arg18 : memref<!tpu.dma_semaphore, #tpu.memory_space<semaphore_mem>>) {add = true}
      %lt3A = arith.constant 9 : i32
      %lt3A_487 = arith.cmpi slt, %scan3A_262, %lt3A : i32
      %convert_element_type3A = arith.extui %lt3A_487 : i1 to i32
      %cond3A = arith.constant 0 : i32
      %cond3A_488 = arith.cmpi ne, %convert_element_type3A, %cond3A : i32
      scf.if %cond3A_488 {
        %dma_wait3A_489 = arith.constant 0 : i32
        %dma_wait3A_490 = arith.constant 0 : i32
        %dma_wait3A_491 = tpu.memref_slice %arg8[%scan3A_125, %dma_wait3A_489, %dma_wait3A_490] : memref<8x125x16xf32, #tpu.memory_space<vmem>> -> memref<1x125x16xf32, #tpu.memory_space<vmem>>
        %dma_wait3A_492 = tpu.memref_squeeze %dma_wait3A_491 : memref<1x125x16xf32, #tpu.memory_space<vmem>> -> memref<125x16xf32, #tpu.memory_space<vmem>>
        %dma_wait3A_493 = arith.constant 0 : i32
        %dma_wait3A_494 = arith.constant 0 : i32
        %dma_wait3A_495 = tpu.memref_slice %arg2[%dma_wait3A_493, %dma_wait3A_494] : memref<10000x16xf32, #tpu.memory_space<hbm>> -> memref<125x16xf32, #tpu.memory_space<hbm>>
        %dma_wait3A_496 = arith.constant 0 : i32
        %dma_wait3A_497 = arith.constant 0 : i32
        %dma_wait3A_498 = tpu.memref_slice %arg8[%scan3A_125, %dma_wait3A_496, %dma_wait3A_497] : memref<8x125x16xf32, #tpu.memory_space<vmem>> -> memref<1x125x16xf32, #tpu.memory_space<vmem>>
        %dma_wait3A_499 = tpu.memref_squeeze %dma_wait3A_498 : memref<1x125x16xf32, #tpu.memory_space<vmem>> -> memref<125x16xf32, #tpu.memory_space<vmem>>
        %dma_wait3A_500 = arith.constant 0 : i32
        %dma_wait3A_501 = arith.constant 0 : i32
        %dma_wait3A_502 = tpu.memref_slice %arg2[%dma_wait3A_500, %dma_wait3A_501] : memref<10000x16xf32, #tpu.memory_space<hbm>> -> memref<125x16xf32, #tpu.memory_space<hbm>>
        tpu.wait_dma2 semaphore(%arg11 : memref<!tpu.dma_semaphore, #tpu.memory_space<semaphore_mem>>) src(%dma_wait3A_502 : memref<125x16xf32, #tpu.memory_space<hbm>>) dst(%dma_wait3A_499 : memref<125x16xf32, #tpu.memory_space<vmem>>)
        %mul3A_503 = arith.constant 8 : i32
        %mul3A_504 = arith.muli %mul3A_503, %scan3A_262 : i32
        %add3A_505 = arith.constant 0 : i32
        %add3A_506 = arith.addi %mul3A_504, %add3A_505 : i32
        %add3A_507 = arith.constant 8 : i32
        %add3A_508 = arith.addi %add3A_506, %add3A_507 : i32
        %dma_start3A_509 = arith.constant 0 : i32
        %dma_start3A_510 = arith.constant 0 : i32
        %dma_start3A_511 = tpu.memref_slice %arg8[%scan3A_125, %dma_start3A_509, %dma_start3A_510] : memref<8x125x16xf32, #tpu.memory_space<vmem>> -> memref<1x125x16xf32, #tpu.memory_space<vmem>>
        %dma_start3A_512 = tpu.memref_squeeze %dma_start3A_511 : memref<1x125x16xf32, #tpu.memory_space<vmem>> -> memref<125x16xf32, #tpu.memory_space<vmem>>
        %dma_start3A_513 = arith.constant 0 : i32
        %dma_start3A_514 = tpu.memref_slice %arg6[%add3A_508, %dma_start3A_513] : memref<80x125xi32, #tpu.memory_space<vmem>> -> memref<1x125xi32, #tpu.memory_space<vmem>>
        %dma_start3A_515 = tpu.memref_squeeze %dma_start3A_514 : memref<1x125xi32, #tpu.memory_space<vmem>> -> memref<125xi32, #tpu.memory_space<vmem>>
        %dma_start3A_516 = arith.constant 0 : i32
        %dma_start3A_517 = arith.constant 0 : i32
        %dma_start3A_518 = tpu.memref_slice %arg2[%dma_start3A_516, %dma_start3A_517] : memref<10000x16xf32, #tpu.memory_space<hbm>> -> memref<10000x16xf32, #tpu.memory_space<hbm>>
        tpu.enqueue_indirect_dma source(%dma_start3A_518 : memref<10000x16xf32, #tpu.memory_space<hbm>>) target(%dma_start3A_512 : memref<125x16xf32, #tpu.memory_space<vmem>>) offsets(%dma_start3A_515 : memref<125xi32, #tpu.memory_space<vmem>>) semaphore(%arg11 : memref<!tpu.dma_semaphore, #tpu.memory_space<semaphore_mem>>)
        %dma_wait3A_519 = arith.constant 0 : i32
        %dma_wait3A_520 = arith.constant 0 : i32
        %dma_wait3A_521 = tpu.memref_slice %arg8[%scan3A_126, %dma_wait3A_519, %dma_wait3A_520] : memref<8x125x16xf32, #tpu.memory_space<vmem>> -> memref<1x125x16xf32, #tpu.memory_space<vmem>>
        %dma_wait3A_522 = tpu.memref_squeeze %dma_wait3A_521 : memref<1x125x16xf32, #tpu.memory_space<vmem>> -> memref<125x16xf32, #tpu.memory_space<vmem>>
        %dma_wait3A_523 = arith.constant 0 : i32
        %dma_wait3A_524 = arith.constant 0 : i32
        %dma_wait3A_525 = tpu.memref_slice %arg2[%dma_wait3A_523, %dma_wait3A_524] : memref<10000x16xf32, #tpu.memory_space<hbm>> -> memref<125x16xf32, #tpu.memory_space<hbm>>
        %dma_wait3A_526 = arith.constant 0 : i32
        %dma_wait3A_527 = arith.constant 0 : i32
        %dma_wait3A_528 = tpu.memref_slice %arg8[%scan3A_126, %dma_wait3A_526, %dma_wait3A_527] : memref<8x125x16xf32, #tpu.memory_space<vmem>> -> memref<1x125x16xf32, #tpu.memory_space<vmem>>
        %dma_wait3A_529 = tpu.memref_squeeze %dma_wait3A_528 : memref<1x125x16xf32, #tpu.memory_space<vmem>> -> memref<125x16xf32, #tpu.memory_space<vmem>>
        %dma_wait3A_530 = arith.constant 0 : i32
        %dma_wait3A_531 = arith.constant 0 : i32
        %dma_wait3A_532 = tpu.memref_slice %arg2[%dma_wait3A_530, %dma_wait3A_531] : memref<10000x16xf32, #tpu.memory_space<hbm>> -> memref<125x16xf32, #tpu.memory_space<hbm>>
        tpu.wait_dma2 semaphore(%arg12 : memref<!tpu.dma_semaphore, #tpu.memory_space<semaphore_mem>>) src(%dma_wait3A_532 : memref<125x16xf32, #tpu.memory_space<hbm>>) dst(%dma_wait3A_529 : memref<125x16xf32, #tpu.memory_space<vmem>>)
        %mul3A_533 = arith.constant 8 : i32
        %mul3A_534 = arith.muli %mul3A_533, %scan3A_262 : i32
        %add3A_535 = arith.constant 1 : i32
        %add3A_536 = arith.addi %mul3A_534, %add3A_535 : i32
        %add3A_537 = arith.constant 8 : i32
        %add3A_538 = arith.addi %add3A_536, %add3A_537 : i32
        %dma_start3A_539 = arith.constant 0 : i32
        %dma_start3A_540 = arith.constant 0 : i32
        %dma_start3A_541 = tpu.memref_slice %arg8[%scan3A_126, %dma_start3A_539, %dma_start3A_540] : memref<8x125x16xf32, #tpu.memory_space<vmem>> -> memref<1x125x16xf32, #tpu.memory_space<vmem>>
        %dma_start3A_542 = tpu.memref_squeeze %dma_start3A_541 : memref<1x125x16xf32, #tpu.memory_space<vmem>> -> memref<125x16xf32, #tpu.memory_space<vmem>>
        %dma_start3A_543 = arith.constant 0 : i32
        %dma_start3A_544 = tpu.memref_slice %arg6[%add3A_538, %dma_start3A_543] : memref<80x125xi32, #tpu.memory_space<vmem>> -> memref<1x125xi32, #tpu.memory_space<vmem>>
        %dma_start3A_545 = tpu.memref_squeeze %dma_start3A_544 : memref<1x125xi32, #tpu.memory_space<vmem>> -> memref<125xi32, #tpu.memory_space<vmem>>
        %dma_start3A_546 = arith.constant 0 : i32
        %dma_start3A_547 = arith.constant 0 : i32
        %dma_start3A_548 = tpu.memref_slice %arg2[%dma_start3A_546, %dma_start3A_547] : memref<10000x16xf32, #tpu.memory_space<hbm>> -> memref<10000x16xf32, #tpu.memory_space<hbm>>
        tpu.enqueue_indirect_dma source(%dma_start3A_548 : memref<10000x16xf32, #tpu.memory_space<hbm>>) target(%dma_start3A_542 : memref<125x16xf32, #tpu.memory_space<vmem>>) offsets(%dma_start3A_545 : memref<125xi32, #tpu.memory_space<vmem>>) semaphore(%arg12 : memref<!tpu.dma_semaphore, #tpu.memory_space<semaphore_mem>>)
        %dma_wait3A_549 = arith.constant 0 : i32
        %dma_wait3A_550 = arith.constant 0 : i32
        %dma_wait3A_551 = tpu.memref_slice %arg8[%scan3A_127, %dma_wait3A_549, %dma_wait3A_550] : memref<8x125x16xf32, #tpu.memory_space<vmem>> -> memref<1x125x16xf32, #tpu.memory_space<vmem>>
        %dma_wait3A_552 = tpu.memref_squeeze %dma_wait3A_551 : memref<1x125x16xf32, #tpu.memory_space<vmem>> -> memref<125x16xf32, #tpu.memory_space<vmem>>
        %dma_wait3A_553 = arith.constant 0 : i32
        %dma_wait3A_554 = arith.constant 0 : i32
        %dma_wait3A_555 = tpu.memref_slice %arg2[%dma_wait3A_553, %dma_wait3A_554] : memref<10000x16xf32, #tpu.memory_space<hbm>> -> memref<125x16xf32, #tpu.memory_space<hbm>>
        %dma_wait3A_556 = arith.constant 0 : i32
        %dma_wait3A_557 = arith.constant 0 : i32
        %dma_wait3A_558 = tpu.memref_slice %arg8[%scan3A_127, %dma_wait3A_556, %dma_wait3A_557] : memref<8x125x16xf32, #tpu.memory_space<vmem>> -> memref<1x125x16xf32, #tpu.memory_space<vmem>>
        %dma_wait3A_559 = tpu.memref_squeeze %dma_wait3A_558 : memref<1x125x16xf32, #tpu.memory_space<vmem>> -> memref<125x16xf32, #tpu.memory_space<vmem>>
        %dma_wait3A_560 = arith.constant 0 : i32
        %dma_wait3A_561 = arith.constant 0 : i32
        %dma_wait3A_562 = tpu.memref_slice %arg2[%dma_wait3A_560, %dma_wait3A_561] : memref<10000x16xf32, #tpu.memory_space<hbm>> -> memref<125x16xf32, #tpu.memory_space<hbm>>
        tpu.wait_dma2 semaphore(%arg13 : memref<!tpu.dma_semaphore, #tpu.memory_space<semaphore_mem>>) src(%dma_wait3A_562 : memref<125x16xf32, #tpu.memory_space<hbm>>) dst(%dma_wait3A_559 : memref<125x16xf32, #tpu.memory_space<vmem>>)
        %mul3A_563 = arith.constant 8 : i32
        %mul3A_564 = arith.muli %mul3A_563, %scan3A_262 : i32
        %add3A_565 = arith.constant 2 : i32
        %add3A_566 = arith.addi %mul3A_564, %add3A_565 : i32
        %add3A_567 = arith.constant 8 : i32
        %add3A_568 = arith.addi %add3A_566, %add3A_567 : i32
        %dma_start3A_569 = arith.constant 0 : i32
        %dma_start3A_570 = arith.constant 0 : i32
        %dma_start3A_571 = tpu.memref_slice %arg8[%scan3A_127, %dma_start3A_569, %dma_start3A_570] : memref<8x125x16xf32, #tpu.memory_space<vmem>> -> memref<1x125x16xf32, #tpu.memory_space<vmem>>
        %dma_start3A_572 = tpu.memref_squeeze %dma_start3A_571 : memref<1x125x16xf32, #tpu.memory_space<vmem>> -> memref<125x16xf32, #tpu.memory_space<vmem>>
        %dma_start3A_573 = arith.constant 0 : i32
        %dma_start3A_574 = tpu.memref_slice %arg6[%add3A_568, %dma_start3A_573] : memref<80x125xi32, #tpu.memory_space<vmem>> -> memref<1x125xi32, #tpu.memory_space<vmem>>
        %dma_start3A_575 = tpu.memref_squeeze %dma_start3A_574 : memref<1x125xi32, #tpu.memory_space<vmem>> -> memref<125xi32, #tpu.memory_space<vmem>>
        %dma_start3A_576 = arith.constant 0 : i32
        %dma_start3A_577 = arith.constant 0 : i32
        %dma_start3A_578 = tpu.memref_slice %arg2[%dma_start3A_576, %dma_start3A_577] : memref<10000x16xf32, #tpu.memory_space<hbm>> -> memref<10000x16xf32, #tpu.memory_space<hbm>>
        tpu.enqueue_indirect_dma source(%dma_start3A_578 : memref<10000x16xf32, #tpu.memory_space<hbm>>) target(%dma_start3A_572 : memref<125x16xf32, #tpu.memory_space<vmem>>) offsets(%dma_start3A_575 : memref<125xi32, #tpu.memory_space<vmem>>) semaphore(%arg13 : memref<!tpu.dma_semaphore, #tpu.memory_space<semaphore_mem>>)
        %dma_wait3A_579 = arith.constant 0 : i32
        %dma_wait3A_580 = arith.constant 0 : i32
        %dma_wait3A_581 = tpu.memref_slice %arg8[%scan3A_128, %dma_wait3A_579, %dma_wait3A_580] : memref<8x125x16xf32, #tpu.memory_space<vmem>> -> memref<1x125x16xf32, #tpu.memory_space<vmem>>
        %dma_wait3A_582 = tpu.memref_squeeze %dma_wait3A_581 : memref<1x125x16xf32, #tpu.memory_space<vmem>> -> memref<125x16xf32, #tpu.memory_space<vmem>>
        %dma_wait3A_583 = arith.constant 0 : i32
        %dma_wait3A_584 = arith.constant 0 : i32
        %dma_wait3A_585 = tpu.memref_slice %arg2[%dma_wait3A_583, %dma_wait3A_584] : memref<10000x16xf32, #tpu.memory_space<hbm>> -> memref<125x16xf32, #tpu.memory_space<hbm>>
        %dma_wait3A_586 = arith.constant 0 : i32
        %dma_wait3A_587 = arith.constant 0 : i32
        %dma_wait3A_588 = tpu.memref_slice %arg8[%scan3A_128, %dma_wait3A_586, %dma_wait3A_587] : memref<8x125x16xf32, #tpu.memory_space<vmem>> -> memref<1x125x16xf32, #tpu.memory_space<vmem>>
        %dma_wait3A_589 = tpu.memref_squeeze %dma_wait3A_588 : memref<1x125x16xf32, #tpu.memory_space<vmem>> -> memref<125x16xf32, #tpu.memory_space<vmem>>
        %dma_wait3A_590 = arith.constant 0 : i32
        %dma_wait3A_591 = arith.constant 0 : i32
        %dma_wait3A_592 = tpu.memref_slice %arg2[%dma_wait3A_590, %dma_wait3A_591] : memref<10000x16xf32, #tpu.memory_space<hbm>> -> memref<125x16xf32, #tpu.memory_space<hbm>>
        tpu.wait_dma2 semaphore(%arg14 : memref<!tpu.dma_semaphore, #tpu.memory_space<semaphore_mem>>) src(%dma_wait3A_592 : memref<125x16xf32, #tpu.memory_space<hbm>>) dst(%dma_wait3A_589 : memref<125x16xf32, #tpu.memory_space<vmem>>)
        %mul3A_593 = arith.constant 8 : i32
        %mul3A_594 = arith.muli %mul3A_593, %scan3A_262 : i32
        %add3A_595 = arith.constant 3 : i32
        %add3A_596 = arith.addi %mul3A_594, %add3A_595 : i32
        %add3A_597 = arith.constant 8 : i32
        %add3A_598 = arith.addi %add3A_596, %add3A_597 : i32
        %dma_start3A_599 = arith.constant 0 : i32
        %dma_start3A_600 = arith.constant 0 : i32
        %dma_start3A_601 = tpu.memref_slice %arg8[%scan3A_128, %dma_start3A_599, %dma_start3A_600] : memref<8x125x16xf32, #tpu.memory_space<vmem>> -> memref<1x125x16xf32, #tpu.memory_space<vmem>>
        %dma_start3A_602 = tpu.memref_squeeze %dma_start3A_601 : memref<1x125x16xf32, #tpu.memory_space<vmem>> -> memref<125x16xf32, #tpu.memory_space<vmem>>
        %dma_start3A_603 = arith.constant 0 : i32
        %dma_start3A_604 = tpu.memref_slice %arg6[%add3A_598, %dma_start3A_603] : memref<80x125xi32, #tpu.memory_space<vmem>> -> memref<1x125xi32, #tpu.memory_space<vmem>>
        %dma_start3A_605 = tpu.memref_squeeze %dma_start3A_604 : memref<1x125xi32, #tpu.memory_space<vmem>> -> memref<125xi32, #tpu.memory_space<vmem>>
        %dma_start3A_606 = arith.constant 0 : i32
        %dma_start3A_607 = arith.constant 0 : i32
        %dma_start3A_608 = tpu.memref_slice %arg2[%dma_start3A_606, %dma_start3A_607] : memref<10000x16xf32, #tpu.memory_space<hbm>> -> memref<10000x16xf32, #tpu.memory_space<hbm>>
        tpu.enqueue_indirect_dma source(%dma_start3A_608 : memref<10000x16xf32, #tpu.memory_space<hbm>>) target(%dma_start3A_602 : memref<125x16xf32, #tpu.memory_space<vmem>>) offsets(%dma_start3A_605 : memref<125xi32, #tpu.memory_space<vmem>>) semaphore(%arg14 : memref<!tpu.dma_semaphore, #tpu.memory_space<semaphore_mem>>)
        %dma_wait3A_609 = arith.constant 0 : i32
        %dma_wait3A_610 = arith.constant 0 : i32
        %dma_wait3A_611 = tpu.memref_slice %arg8[%scan3A_129, %dma_wait3A_609, %dma_wait3A_610] : memref<8x125x16xf32, #tpu.memory_space<vmem>> -> memref<1x125x16xf32, #tpu.memory_space<vmem>>
        %dma_wait3A_612 = tpu.memref_squeeze %dma_wait3A_611 : memref<1x125x16xf32, #tpu.memory_space<vmem>> -> memref<125x16xf32, #tpu.memory_space<vmem>>
        %dma_wait3A_613 = arith.constant 0 : i32
        %dma_wait3A_614 = arith.constant 0 : i32
        %dma_wait3A_615 = tpu.memref_slice %arg2[%dma_wait3A_613, %dma_wait3A_614] : memref<10000x16xf32, #tpu.memory_space<hbm>> -> memref<125x16xf32, #tpu.memory_space<hbm>>
        %dma_wait3A_616 = arith.constant 0 : i32
        %dma_wait3A_617 = arith.constant 0 : i32
        %dma_wait3A_618 = tpu.memref_slice %arg8[%scan3A_129, %dma_wait3A_616, %dma_wait3A_617] : memref<8x125x16xf32, #tpu.memory_space<vmem>> -> memref<1x125x16xf32, #tpu.memory_space<vmem>>
        %dma_wait3A_619 = tpu.memref_squeeze %dma_wait3A_618 : memref<1x125x16xf32, #tpu.memory_space<vmem>> -> memref<125x16xf32, #tpu.memory_space<vmem>>
        %dma_wait3A_620 = arith.constant 0 : i32
        %dma_wait3A_621 = arith.constant 0 : i32
        %dma_wait3A_622 = tpu.memref_slice %arg2[%dma_wait3A_620, %dma_wait3A_621] : memref<10000x16xf32, #tpu.memory_space<hbm>> -> memref<125x16xf32, #tpu.memory_space<hbm>>
        tpu.wait_dma2 semaphore(%arg15 : memref<!tpu.dma_semaphore, #tpu.memory_space<semaphore_mem>>) src(%dma_wait3A_622 : memref<125x16xf32, #tpu.memory_space<hbm>>) dst(%dma_wait3A_619 : memref<125x16xf32, #tpu.memory_space<vmem>>)
        %mul3A_623 = arith.constant 8 : i32
        %mul3A_624 = arith.muli %mul3A_623, %scan3A_262 : i32
        %add3A_625 = arith.constant 4 : i32
        %add3A_626 = arith.addi %mul3A_624, %add3A_625 : i32
        %add3A_627 = arith.constant 8 : i32
        %add3A_628 = arith.addi %add3A_626, %add3A_627 : i32
        %dma_start3A_629 = arith.constant 0 : i32
        %dma_start3A_630 = arith.constant 0 : i32
        %dma_start3A_631 = tpu.memref_slice %arg8[%scan3A_129, %dma_start3A_629, %dma_start3A_630] : memref<8x125x16xf32, #tpu.memory_space<vmem>> -> memref<1x125x16xf32, #tpu.memory_space<vmem>>
        %dma_start3A_632 = tpu.memref_squeeze %dma_start3A_631 : memref<1x125x16xf32, #tpu.memory_space<vmem>> -> memref<125x16xf32, #tpu.memory_space<vmem>>
        %dma_start3A_633 = arith.constant 0 : i32
        %dma_start3A_634 = tpu.memref_slice %arg6[%add3A_628, %dma_start3A_633] : memref<80x125xi32, #tpu.memory_space<vmem>> -> memref<1x125xi32, #tpu.memory_space<vmem>>
        %dma_start3A_635 = tpu.memref_squeeze %dma_start3A_634 : memref<1x125xi32, #tpu.memory_space<vmem>> -> memref<125xi32, #tpu.memory_space<vmem>>
        %dma_start3A_636 = arith.constant 0 : i32
        %dma_start3A_637 = arith.constant 0 : i32
        %dma_start3A_638 = tpu.memref_slice %arg2[%dma_start3A_636, %dma_start3A_637] : memref<10000x16xf32, #tpu.memory_space<hbm>> -> memref<10000x16xf32, #tpu.memory_space<hbm>>
        tpu.enqueue_indirect_dma source(%dma_start3A_638 : memref<10000x16xf32, #tpu.memory_space<hbm>>) target(%dma_start3A_632 : memref<125x16xf32, #tpu.memory_space<vmem>>) offsets(%dma_start3A_635 : memref<125xi32, #tpu.memory_space<vmem>>) semaphore(%arg15 : memref<!tpu.dma_semaphore, #tpu.memory_space<semaphore_mem>>)
        %dma_wait3A_639 = arith.constant 0 : i32
        %dma_wait3A_640 = arith.constant 0 : i32
        %dma_wait3A_641 = tpu.memref_slice %arg8[%scan3A_130, %dma_wait3A_639, %dma_wait3A_640] : memref<8x125x16xf32, #tpu.memory_space<vmem>> -> memref<1x125x16xf32, #tpu.memory_space<vmem>>
        %dma_wait3A_642 = tpu.memref_squeeze %dma_wait3A_641 : memref<1x125x16xf32, #tpu.memory_space<vmem>> -> memref<125x16xf32, #tpu.memory_space<vmem>>
        %dma_wait3A_643 = arith.constant 0 : i32
        %dma_wait3A_644 = arith.constant 0 : i32
        %dma_wait3A_645 = tpu.memref_slice %arg2[%dma_wait3A_643, %dma_wait3A_644] : memref<10000x16xf32, #tpu.memory_space<hbm>> -> memref<125x16xf32, #tpu.memory_space<hbm>>
        %dma_wait3A_646 = arith.constant 0 : i32
        %dma_wait3A_647 = arith.constant 0 : i32
        %dma_wait3A_648 = tpu.memref_slice %arg8[%scan3A_130, %dma_wait3A_646, %dma_wait3A_647] : memref<8x125x16xf32, #tpu.memory_space<vmem>> -> memref<1x125x16xf32, #tpu.memory_space<vmem>>
        %dma_wait3A_649 = tpu.memref_squeeze %dma_wait3A_648 : memref<1x125x16xf32, #tpu.memory_space<vmem>> -> memref<125x16xf32, #tpu.memory_space<vmem>>
        %dma_wait3A_650 = arith.constant 0 : i32
        %dma_wait3A_651 = arith.constant 0 : i32
        %dma_wait3A_652 = tpu.memref_slice %arg2[%dma_wait3A_650, %dma_wait3A_651] : memref<10000x16xf32, #tpu.memory_space<hbm>> -> memref<125x16xf32, #tpu.memory_space<hbm>>
        tpu.wait_dma2 semaphore(%arg16 : memref<!tpu.dma_semaphore, #tpu.memory_space<semaphore_mem>>) src(%dma_wait3A_652 : memref<125x16xf32, #tpu.memory_space<hbm>>) dst(%dma_wait3A_649 : memref<125x16xf32, #tpu.memory_space<vmem>>)
        %mul3A_653 = arith.constant 8 : i32
        %mul3A_654 = arith.muli %mul3A_653, %scan3A_262 : i32
        %add3A_655 = arith.constant 5 : i32
        %add3A_656 = arith.addi %mul3A_654, %add3A_655 : i32
        %add3A_657 = arith.constant 8 : i32
        %add3A_658 = arith.addi %add3A_656, %add3A_657 : i32
        %dma_start3A_659 = arith.constant 0 : i32
        %dma_start3A_660 = arith.constant 0 : i32
        %dma_start3A_661 = tpu.memref_slice %arg8[%scan3A_130, %dma_start3A_659, %dma_start3A_660] : memref<8x125x16xf32, #tpu.memory_space<vmem>> -> memref<1x125x16xf32, #tpu.memory_space<vmem>>
        %dma_start3A_662 = tpu.memref_squeeze %dma_start3A_661 : memref<1x125x16xf32, #tpu.memory_space<vmem>> -> memref<125x16xf32, #tpu.memory_space<vmem>>
        %dma_start3A_663 = arith.constant 0 : i32
        %dma_start3A_664 = tpu.memref_slice %arg6[%add3A_658, %dma_start3A_663] : memref<80x125xi32, #tpu.memory_space<vmem>> -> memref<1x125xi32, #tpu.memory_space<vmem>>
        %dma_start3A_665 = tpu.memref_squeeze %dma_start3A_664 : memref<1x125xi32, #tpu.memory_space<vmem>> -> memref<125xi32, #tpu.memory_space<vmem>>
        %dma_start3A_666 = arith.constant 0 : i32
        %dma_start3A_667 = arith.constant 0 : i32
        %dma_start3A_668 = tpu.memref_slice %arg2[%dma_start3A_666, %dma_start3A_667] : memref<10000x16xf32, #tpu.memory_space<hbm>> -> memref<10000x16xf32, #tpu.memory_space<hbm>>
        tpu.enqueue_indirect_dma source(%dma_start3A_668 : memref<10000x16xf32, #tpu.memory_space<hbm>>) target(%dma_start3A_662 : memref<125x16xf32, #tpu.memory_space<vmem>>) offsets(%dma_start3A_665 : memref<125xi32, #tpu.memory_space<vmem>>) semaphore(%arg16 : memref<!tpu.dma_semaphore, #tpu.memory_space<semaphore_mem>>)
        %dma_wait3A_669 = arith.constant 0 : i32
        %dma_wait3A_670 = arith.constant 0 : i32
        %dma_wait3A_671 = tpu.memref_slice %arg8[%scan3A_131, %dma_wait3A_669, %dma_wait3A_670] : memref<8x125x16xf32, #tpu.memory_space<vmem>> -> memref<1x125x16xf32, #tpu.memory_space<vmem>>
        %dma_wait3A_672 = tpu.memref_squeeze %dma_wait3A_671 : memref<1x125x16xf32, #tpu.memory_space<vmem>> -> memref<125x16xf32, #tpu.memory_space<vmem>>
        %dma_wait3A_673 = arith.constant 0 : i32
        %dma_wait3A_674 = arith.constant 0 : i32
        %dma_wait3A_675 = tpu.memref_slice %arg2[%dma_wait3A_673, %dma_wait3A_674] : memref<10000x16xf32, #tpu.memory_space<hbm>> -> memref<125x16xf32, #tpu.memory_space<hbm>>
        %dma_wait3A_676 = arith.constant 0 : i32
        %dma_wait3A_677 = arith.constant 0 : i32
        %dma_wait3A_678 = tpu.memref_slice %arg8[%scan3A_131, %dma_wait3A_676, %dma_wait3A_677] : memref<8x125x16xf32, #tpu.memory_space<vmem>> -> memref<1x125x16xf32, #tpu.memory_space<vmem>>
        %dma_wait3A_679 = tpu.memref_squeeze %dma_wait3A_678 : memref<1x125x16xf32, #tpu.memory_space<vmem>> -> memref<125x16xf32, #tpu.memory_space<vmem>>
        %dma_wait3A_680 = arith.constant 0 : i32
        %dma_wait3A_681 = arith.constant 0 : i32
        %dma_wait3A_682 = tpu.memref_slice %arg2[%dma_wait3A_680, %dma_wait3A_681] : memref<10000x16xf32, #tpu.memory_space<hbm>> -> memref<125x16xf32, #tpu.memory_space<hbm>>
        tpu.wait_dma2 semaphore(%arg17 : memref<!tpu.dma_semaphore, #tpu.memory_space<semaphore_mem>>) src(%dma_wait3A_682 : memref<125x16xf32, #tpu.memory_space<hbm>>) dst(%dma_wait3A_679 : memref<125x16xf32, #tpu.memory_space<vmem>>)
        %mul3A_683 = arith.constant 8 : i32
        %mul3A_684 = arith.muli %mul3A_683, %scan3A_262 : i32
        %add3A_685 = arith.constant 6 : i32
        %add3A_686 = arith.addi %mul3A_684, %add3A_685 : i32
        %add3A_687 = arith.constant 8 : i32
        %add3A_688 = arith.addi %add3A_686, %add3A_687 : i32
        %dma_start3A_689 = arith.constant 0 : i32
        %dma_start3A_690 = arith.constant 0 : i32
        %dma_start3A_691 = tpu.memref_slice %arg8[%scan3A_131, %dma_start3A_689, %dma_start3A_690] : memref<8x125x16xf32, #tpu.memory_space<vmem>> -> memref<1x125x16xf32, #tpu.memory_space<vmem>>
        %dma_start3A_692 = tpu.memref_squeeze %dma_start3A_691 : memref<1x125x16xf32, #tpu.memory_space<vmem>> -> memref<125x16xf32, #tpu.memory_space<vmem>>
        %dma_start3A_693 = arith.constant 0 : i32
        %dma_start3A_694 = tpu.memref_slice %arg6[%add3A_688, %dma_start3A_693] : memref<80x125xi32, #tpu.memory_space<vmem>> -> memref<1x125xi32, #tpu.memory_space<vmem>>
        %dma_start3A_695 = tpu.memref_squeeze %dma_start3A_694 : memref<1x125xi32, #tpu.memory_space<vmem>> -> memref<125xi32, #tpu.memory_space<vmem>>
        %dma_start3A_696 = arith.constant 0 : i32
        %dma_start3A_697 = arith.constant 0 : i32
        %dma_start3A_698 = tpu.memref_slice %arg2[%dma_start3A_696, %dma_start3A_697] : memref<10000x16xf32, #tpu.memory_space<hbm>> -> memref<10000x16xf32, #tpu.memory_space<hbm>>
        tpu.enqueue_indirect_dma source(%dma_start3A_698 : memref<10000x16xf32, #tpu.memory_space<hbm>>) target(%dma_start3A_692 : memref<125x16xf32, #tpu.memory_space<vmem>>) offsets(%dma_start3A_695 : memref<125xi32, #tpu.memory_space<vmem>>) semaphore(%arg17 : memref<!tpu.dma_semaphore, #tpu.memory_space<semaphore_mem>>)
        %dma_wait3A_699 = arith.constant 0 : i32
        %dma_wait3A_700 = arith.constant 0 : i32
        %dma_wait3A_701 = tpu.memref_slice %arg8[%scan3A_132, %dma_wait3A_699, %dma_wait3A_700] : memref<8x125x16xf32, #tpu.memory_space<vmem>> -> memref<1x125x16xf32, #tpu.memory_space<vmem>>
        %dma_wait3A_702 = tpu.memref_squeeze %dma_wait3A_701 : memref<1x125x16xf32, #tpu.memory_space<vmem>> -> memref<125x16xf32, #tpu.memory_space<vmem>>
        %dma_wait3A_703 = arith.constant 0 : i32
        %dma_wait3A_704 = arith.constant 0 : i32
        %dma_wait3A_705 = tpu.memref_slice %arg2[%dma_wait3A_703, %dma_wait3A_704] : memref<10000x16xf32, #tpu.memory_space<hbm>> -> memref<125x16xf32, #tpu.memory_space<hbm>>
        %dma_wait3A_706 = arith.constant 0 : i32
        %dma_wait3A_707 = arith.constant 0 : i32
        %dma_wait3A_708 = tpu.memref_slice %arg8[%scan3A_132, %dma_wait3A_706, %dma_wait3A_707] : memref<8x125x16xf32, #tpu.memory_space<vmem>> -> memref<1x125x16xf32, #tpu.memory_space<vmem>>
        %dma_wait3A_709 = tpu.memref_squeeze %dma_wait3A_708 : memref<1x125x16xf32, #tpu.memory_space<vmem>> -> memref<125x16xf32, #tpu.memory_space<vmem>>
        %dma_wait3A_710 = arith.constant 0 : i32
        %dma_wait3A_711 = arith.constant 0 : i32
        %dma_wait3A_712 = tpu.memref_slice %arg2[%dma_wait3A_710, %dma_wait3A_711] : memref<10000x16xf32, #tpu.memory_space<hbm>> -> memref<125x16xf32, #tpu.memory_space<hbm>>
        tpu.wait_dma2 semaphore(%arg18 : memref<!tpu.dma_semaphore, #tpu.memory_space<semaphore_mem>>) src(%dma_wait3A_712 : memref<125x16xf32, #tpu.memory_space<hbm>>) dst(%dma_wait3A_709 : memref<125x16xf32, #tpu.memory_space<vmem>>)
        %mul3A_713 = arith.constant 8 : i32
        %mul3A_714 = arith.muli %mul3A_713, %scan3A_262 : i32
        %add3A_715 = arith.constant 7 : i32
        %add3A_716 = arith.addi %mul3A_714, %add3A_715 : i32
        %add3A_717 = arith.constant 8 : i32
        %add3A_718 = arith.addi %add3A_716, %add3A_717 : i32
        %dma_start3A_719 = arith.constant 0 : i32
        %dma_start3A_720 = arith.constant 0 : i32
        %dma_start3A_721 = tpu.memref_slice %arg8[%scan3A_132, %dma_start3A_719, %dma_start3A_720] : memref<8x125x16xf32, #tpu.memory_space<vmem>> -> memref<1x125x16xf32, #tpu.memory_space<vmem>>
        %dma_start3A_722 = tpu.memref_squeeze %dma_start3A_721 : memref<1x125x16xf32, #tpu.memory_space<vmem>> -> memref<125x16xf32, #tpu.memory_space<vmem>>
        %dma_start3A_723 = arith.constant 0 : i32
        %dma_start3A_724 = tpu.memref_slice %arg6[%add3A_718, %dma_start3A_723] : memref<80x125xi32, #tpu.memory_space<vmem>> -> memref<1x125xi32, #tpu.memory_space<vmem>>
        %dma_start3A_725 = tpu.memref_squeeze %dma_start3A_724 : memref<1x125xi32, #tpu.memory_space<vmem>> -> memref<125xi32, #tpu.memory_space<vmem>>
        %dma_start3A_726 = arith.constant 0 : i32
        %dma_start3A_727 = arith.constant 0 : i32
        %dma_start3A_728 = tpu.memref_slice %arg2[%dma_start3A_726, %dma_start3A_727] : memref<10000x16xf32, #tpu.memory_space<hbm>> -> memref<10000x16xf32, #tpu.memory_space<hbm>>
        tpu.enqueue_indirect_dma source(%dma_start3A_728 : memref<10000x16xf32, #tpu.memory_space<hbm>>) target(%dma_start3A_722 : memref<125x16xf32, #tpu.memory_space<vmem>>) offsets(%dma_start3A_725 : memref<125xi32, #tpu.memory_space<vmem>>) semaphore(%arg18 : memref<!tpu.dma_semaphore, #tpu.memory_space<semaphore_mem>>)
      } else {
      }
    }
    %scan3A_137 = arith.constant 10 : i32
    %dma_wait3A = arith.constant 0 : i32
    %dma_wait3A_138 = arith.constant 0 : i32
    %dma_wait3A_139 = arith.constant 0 : i32
    %dma_wait3A_140 = tpu.memref_slice %arg8[%dma_wait3A, %dma_wait3A_138, %dma_wait3A_139] : memref<8x125x16xf32, #tpu.memory_space<vmem>> -> memref<1x125x16xf32, #tpu.memory_space<vmem>>
    %dma_wait3A_141 = tpu.memref_squeeze %dma_wait3A_140 : memref<1x125x16xf32, #tpu.memory_space<vmem>> -> memref<125x16xf32, #tpu.memory_space<vmem>>
    %dma_wait3A_142 = arith.constant 0 : i32
    %dma_wait3A_143 = arith.constant 0 : i32
    %dma_wait3A_144 = tpu.memref_slice %arg2[%dma_wait3A_142, %dma_wait3A_143] : memref<10000x16xf32, #tpu.memory_space<hbm>> -> memref<125x16xf32, #tpu.memory_space<hbm>>
    %dma_wait3A_145 = arith.constant 0 : i32
    %dma_wait3A_146 = arith.constant 0 : i32
    %dma_wait3A_147 = tpu.memref_slice %arg8[%dma_wait3A, %dma_wait3A_145, %dma_wait3A_146] : memref<8x125x16xf32, #tpu.memory_space<vmem>> -> memref<1x125x16xf32, #tpu.memory_space<vmem>>
    %dma_wait3A_148 = tpu.memref_squeeze %dma_wait3A_147 : memref<1x125x16xf32, #tpu.memory_space<vmem>> -> memref<125x16xf32, #tpu.memory_space<vmem>>
    %dma_wait3A_149 = arith.constant 0 : i32
    %dma_wait3A_150 = arith.constant 0 : i32
    %dma_wait3A_151 = tpu.memref_slice %arg2[%dma_wait3A_149, %dma_wait3A_150] : memref<10000x16xf32, #tpu.memory_space<hbm>> -> memref<125x16xf32, #tpu.memory_space<hbm>>
    tpu.wait_dma2 semaphore(%arg11 : memref<!tpu.dma_semaphore, #tpu.memory_space<semaphore_mem>>) src(%dma_wait3A_151 : memref<125x16xf32, #tpu.memory_space<hbm>>) dst(%dma_wait3A_148 : memref<125x16xf32, #tpu.memory_space<vmem>>)
    %dma_wait3A_152 = arith.constant 1 : i32
    %dma_wait3A_153 = arith.constant 0 : i32
    %dma_wait3A_154 = arith.constant 0 : i32
    %dma_wait3A_155 = tpu.memref_slice %arg8[%dma_wait3A_152, %dma_wait3A_153, %dma_wait3A_154] : memref<8x125x16xf32, #tpu.memory_space<vmem>> -> memref<1x125x16xf32, #tpu.memory_space<vmem>>
    %dma_wait3A_156 = tpu.memref_squeeze %dma_wait3A_155 : memref<1x125x16xf32, #tpu.memory_space<vmem>> -> memref<125x16xf32, #tpu.memory_space<vmem>>
    %dma_wait3A_157 = arith.constant 0 : i32
    %dma_wait3A_158 = arith.constant 0 : i32
    %dma_wait3A_159 = tpu.memref_slice %arg2[%dma_wait3A_157, %dma_wait3A_158] : memref<10000x16xf32, #tpu.memory_space<hbm>> -> memref<125x16xf32, #tpu.memory_space<hbm>>
    %dma_wait3A_160 = arith.constant 0 : i32
    %dma_wait3A_161 = arith.constant 0 : i32
    %dma_wait3A_162 = tpu.memref_slice %arg8[%dma_wait3A_152, %dma_wait3A_160, %dma_wait3A_161] : memref<8x125x16xf32, #tpu.memory_space<vmem>> -> memref<1x125x16xf32, #tpu.memory_space<vmem>>
    %dma_wait3A_163 = tpu.memref_squeeze %dma_wait3A_162 : memref<1x125x16xf32, #tpu.memory_space<vmem>> -> memref<125x16xf32, #tpu.memory_space<vmem>>
    %dma_wait3A_164 = arith.constant 0 : i32
    %dma_wait3A_165 = arith.constant 0 : i32
    %dma_wait3A_166 = tpu.memref_slice %arg2[%dma_wait3A_164, %dma_wait3A_165] : memref<10000x16xf32, #tpu.memory_space<hbm>> -> memref<125x16xf32, #tpu.memory_space<hbm>>
    tpu.wait_dma2 semaphore(%arg12 : memref<!tpu.dma_semaphore, #tpu.memory_space<semaphore_mem>>) src(%dma_wait3A_166 : memref<125x16xf32, #tpu.memory_space<hbm>>) dst(%dma_wait3A_163 : memref<125x16xf32, #tpu.memory_space<vmem>>)
    %dma_wait3A_167 = arith.constant 2 : i32
    %dma_wait3A_168 = arith.constant 0 : i32
    %dma_wait3A_169 = arith.constant 0 : i32
    %dma_wait3A_170 = tpu.memref_slice %arg8[%dma_wait3A_167, %dma_wait3A_168, %dma_wait3A_169] : memref<8x125x16xf32, #tpu.memory_space<vmem>> -> memref<1x125x16xf32, #tpu.memory_space<vmem>>
    %dma_wait3A_171 = tpu.memref_squeeze %dma_wait3A_170 : memref<1x125x16xf32, #tpu.memory_space<vmem>> -> memref<125x16xf32, #tpu.memory_space<vmem>>
    %dma_wait3A_172 = arith.constant 0 : i32
    %dma_wait3A_173 = arith.constant 0 : i32
    %dma_wait3A_174 = tpu.memref_slice %arg2[%dma_wait3A_172, %dma_wait3A_173] : memref<10000x16xf32, #tpu.memory_space<hbm>> -> memref<125x16xf32, #tpu.memory_space<hbm>>
    %dma_wait3A_175 = arith.constant 0 : i32
    %dma_wait3A_176 = arith.constant 0 : i32
    %dma_wait3A_177 = tpu.memref_slice %arg8[%dma_wait3A_167, %dma_wait3A_175, %dma_wait3A_176] : memref<8x125x16xf32, #tpu.memory_space<vmem>> -> memref<1x125x16xf32, #tpu.memory_space<vmem>>
    %dma_wait3A_178 = tpu.memref_squeeze %dma_wait3A_177 : memref<1x125x16xf32, #tpu.memory_space<vmem>> -> memref<125x16xf32, #tpu.memory_space<vmem>>
    %dma_wait3A_179 = arith.constant 0 : i32
    %dma_wait3A_180 = arith.constant 0 : i32
    %dma_wait3A_181 = tpu.memref_slice %arg2[%dma_wait3A_179, %dma_wait3A_180] : memref<10000x16xf32, #tpu.memory_space<hbm>> -> memref<125x16xf32, #tpu.memory_space<hbm>>
    tpu.wait_dma2 semaphore(%arg13 : memref<!tpu.dma_semaphore, #tpu.memory_space<semaphore_mem>>) src(%dma_wait3A_181 : memref<125x16xf32, #tpu.memory_space<hbm>>) dst(%dma_wait3A_178 : memref<125x16xf32, #tpu.memory_space<vmem>>)
    %dma_wait3A_182 = arith.constant 3 : i32
    %dma_wait3A_183 = arith.constant 0 : i32
    %dma_wait3A_184 = arith.constant 0 : i32
    %dma_wait3A_185 = tpu.memref_slice %arg8[%dma_wait3A_182, %dma_wait3A_183, %dma_wait3A_184] : memref<8x125x16xf32, #tpu.memory_space<vmem>> -> memref<1x125x16xf32, #tpu.memory_space<vmem>>
    %dma_wait3A_186 = tpu.memref_squeeze %dma_wait3A_185 : memref<1x125x16xf32, #tpu.memory_space<vmem>> -> memref<125x16xf32, #tpu.memory_space<vmem>>
    %dma_wait3A_187 = arith.constant 0 : i32
    %dma_wait3A_188 = arith.constant 0 : i32
    %dma_wait3A_189 = tpu.memref_slice %arg2[%dma_wait3A_187, %dma_wait3A_188] : memref<10000x16xf32, #tpu.memory_space<hbm>> -> memref<125x16xf32, #tpu.memory_space<hbm>>
    %dma_wait3A_190 = arith.constant 0 : i32
    %dma_wait3A_191 = arith.constant 0 : i32
    %dma_wait3A_192 = tpu.memref_slice %arg8[%dma_wait3A_182, %dma_wait3A_190, %dma_wait3A_191] : memref<8x125x16xf32, #tpu.memory_space<vmem>> -> memref<1x125x16xf32, #tpu.memory_space<vmem>>
    %dma_wait3A_193 = tpu.memref_squeeze %dma_wait3A_192 : memref<1x125x16xf32, #tpu.memory_space<vmem>> -> memref<125x16xf32, #tpu.memory_space<vmem>>
    %dma_wait3A_194 = arith.constant 0 : i32
    %dma_wait3A_195 = arith.constant 0 : i32
    %dma_wait3A_196 = tpu.memref_slice %arg2[%dma_wait3A_194, %dma_wait3A_195] : memref<10000x16xf32, #tpu.memory_space<hbm>> -> memref<125x16xf32, #tpu.memory_space<hbm>>
    tpu.wait_dma2 semaphore(%arg14 : memref<!tpu.dma_semaphore, #tpu.memory_space<semaphore_mem>>) src(%dma_wait3A_196 : memref<125x16xf32, #tpu.memory_space<hbm>>) dst(%dma_wait3A_193 : memref<125x16xf32, #tpu.memory_space<vmem>>)
    %dma_wait3A_197 = arith.constant 4 : i32
    %dma_wait3A_198 = arith.constant 0 : i32
    %dma_wait3A_199 = arith.constant 0 : i32
    %dma_wait3A_200 = tpu.memref_slice %arg8[%dma_wait3A_197, %dma_wait3A_198, %dma_wait3A_199] : memref<8x125x16xf32, #tpu.memory_space<vmem>> -> memref<1x125x16xf32, #tpu.memory_space<vmem>>
    %dma_wait3A_201 = tpu.memref_squeeze %dma_wait3A_200 : memref<1x125x16xf32, #tpu.memory_space<vmem>> -> memref<125x16xf32, #tpu.memory_space<vmem>>
    %dma_wait3A_202 = arith.constant 0 : i32
    %dma_wait3A_203 = arith.constant 0 : i32
    %dma_wait3A_204 = tpu.memref_slice %arg2[%dma_wait3A_202, %dma_wait3A_203] : memref<10000x16xf32, #tpu.memory_space<hbm>> -> memref<125x16xf32, #tpu.memory_space<hbm>>
    %dma_wait3A_205 = arith.constant 0 : i32
    %dma_wait3A_206 = arith.constant 0 : i32
    %dma_wait3A_207 = tpu.memref_slice %arg8[%dma_wait3A_197, %dma_wait3A_205, %dma_wait3A_206] : memref<8x125x16xf32, #tpu.memory_space<vmem>> -> memref<1x125x16xf32, #tpu.memory_space<vmem>>
    %dma_wait3A_208 = tpu.memref_squeeze %dma_wait3A_207 : memref<1x125x16xf32, #tpu.memory_space<vmem>> -> memref<125x16xf32, #tpu.memory_space<vmem>>
    %dma_wait3A_209 = arith.constant 0 : i32
    %dma_wait3A_210 = arith.constant 0 : i32
    %dma_wait3A_211 = tpu.memref_slice %arg2[%dma_wait3A_209, %dma_wait3A_210] : memref<10000x16xf32, #tpu.memory_space<hbm>> -> memref<125x16xf32, #tpu.memory_space<hbm>>
    tpu.wait_dma2 semaphore(%arg15 : memref<!tpu.dma_semaphore, #tpu.memory_space<semaphore_mem>>) src(%dma_wait3A_211 : memref<125x16xf32, #tpu.memory_space<hbm>>) dst(%dma_wait3A_208 : memref<125x16xf32, #tpu.memory_space<vmem>>)
    %dma_wait3A_212 = arith.constant 5 : i32
    %dma_wait3A_213 = arith.constant 0 : i32
    %dma_wait3A_214 = arith.constant 0 : i32
    %dma_wait3A_215 = tpu.memref_slice %arg8[%dma_wait3A_212, %dma_wait3A_213, %dma_wait3A_214] : memref<8x125x16xf32, #tpu.memory_space<vmem>> -> memref<1x125x16xf32, #tpu.memory_space<vmem>>
    %dma_wait3A_216 = tpu.memref_squeeze %dma_wait3A_215 : memref<1x125x16xf32, #tpu.memory_space<vmem>> -> memref<125x16xf32, #tpu.memory_space<vmem>>
    %dma_wait3A_217 = arith.constant 0 : i32
    %dma_wait3A_218 = arith.constant 0 : i32
    %dma_wait3A_219 = tpu.memref_slice %arg2[%dma_wait3A_217, %dma_wait3A_218] : memref<10000x16xf32, #tpu.memory_space<hbm>> -> memref<125x16xf32, #tpu.memory_space<hbm>>
    %dma_wait3A_220 = arith.constant 0 : i32
    %dma_wait3A_221 = arith.constant 0 : i32
    %dma_wait3A_222 = tpu.memref_slice %arg8[%dma_wait3A_212, %dma_wait3A_220, %dma_wait3A_221] : memref<8x125x16xf32, #tpu.memory_space<vmem>> -> memref<1x125x16xf32, #tpu.memory_space<vmem>>
    %dma_wait3A_223 = tpu.memref_squeeze %dma_wait3A_222 : memref<1x125x16xf32, #tpu.memory_space<vmem>> -> memref<125x16xf32, #tpu.memory_space<vmem>>
    %dma_wait3A_224 = arith.constant 0 : i32
    %dma_wait3A_225 = arith.constant 0 : i32
    %dma_wait3A_226 = tpu.memref_slice %arg2[%dma_wait3A_224, %dma_wait3A_225] : memref<10000x16xf32, #tpu.memory_space<hbm>> -> memref<125x16xf32, #tpu.memory_space<hbm>>
    tpu.wait_dma2 semaphore(%arg16 : memref<!tpu.dma_semaphore, #tpu.memory_space<semaphore_mem>>) src(%dma_wait3A_226 : memref<125x16xf32, #tpu.memory_space<hbm>>) dst(%dma_wait3A_223 : memref<125x16xf32, #tpu.memory_space<vmem>>)
    %dma_wait3A_227 = arith.constant 6 : i32
    %dma_wait3A_228 = arith.constant 0 : i32
    %dma_wait3A_229 = arith.constant 0 : i32
    %dma_wait3A_230 = tpu.memref_slice %arg8[%dma_wait3A_227, %dma_wait3A_228, %dma_wait3A_229] : memref<8x125x16xf32, #tpu.memory_space<vmem>> -> memref<1x125x16xf32, #tpu.memory_space<vmem>>
    %dma_wait3A_231 = tpu.memref_squeeze %dma_wait3A_230 : memref<1x125x16xf32, #tpu.memory_space<vmem>> -> memref<125x16xf32, #tpu.memory_space<vmem>>
    %dma_wait3A_232 = arith.constant 0 : i32
    %dma_wait3A_233 = arith.constant 0 : i32
    %dma_wait3A_234 = tpu.memref_slice %arg2[%dma_wait3A_232, %dma_wait3A_233] : memref<10000x16xf32, #tpu.memory_space<hbm>> -> memref<125x16xf32, #tpu.memory_space<hbm>>
    %dma_wait3A_235 = arith.constant 0 : i32
    %dma_wait3A_236 = arith.constant 0 : i32
    %dma_wait3A_237 = tpu.memref_slice %arg8[%dma_wait3A_227, %dma_wait3A_235, %dma_wait3A_236] : memref<8x125x16xf32, #tpu.memory_space<vmem>> -> memref<1x125x16xf32, #tpu.memory_space<vmem>>
    %dma_wait3A_238 = tpu.memref_squeeze %dma_wait3A_237 : memref<1x125x16xf32, #tpu.memory_space<vmem>> -> memref<125x16xf32, #tpu.memory_space<vmem>>
    %dma_wait3A_239 = arith.constant 0 : i32
    %dma_wait3A_240 = arith.constant 0 : i32
    %dma_wait3A_241 = tpu.memref_slice %arg2[%dma_wait3A_239, %dma_wait3A_240] : memref<10000x16xf32, #tpu.memory_space<hbm>> -> memref<125x16xf32, #tpu.memory_space<hbm>>
    tpu.wait_dma2 semaphore(%arg17 : memref<!tpu.dma_semaphore, #tpu.memory_space<semaphore_mem>>) src(%dma_wait3A_241 : memref<125x16xf32, #tpu.memory_space<hbm>>) dst(%dma_wait3A_238 : memref<125x16xf32, #tpu.memory_space<vmem>>)
    %dma_wait3A_242 = arith.constant 7 : i32
    %dma_wait3A_243 = arith.constant 0 : i32
    %dma_wait3A_244 = arith.constant 0 : i32
    %dma_wait3A_245 = tpu.memref_slice %arg8[%dma_wait3A_242, %dma_wait3A_243, %dma_wait3A_244] : memref<8x125x16xf32, #tpu.memory_space<vmem>> -> memref<1x125x16xf32, #tpu.memory_space<vmem>>
    %dma_wait3A_246 = tpu.memref_squeeze %dma_wait3A_245 : memref<1x125x16xf32, #tpu.memory_space<vmem>> -> memref<125x16xf32, #tpu.memory_space<vmem>>
    %dma_wait3A_247 = arith.constant 0 : i32
    %dma_wait3A_248 = arith.constant 0 : i32
    %dma_wait3A_249 = tpu.memref_slice %arg2[%dma_wait3A_247, %dma_wait3A_248] : memref<10000x16xf32, #tpu.memory_space<hbm>> -> memref<125x16xf32, #tpu.memory_space<hbm>>
    %dma_wait3A_250 = arith.constant 0 : i32
    %dma_wait3A_251 = arith.constant 0 : i32
    %dma_wait3A_252 = tpu.memref_slice %arg8[%dma_wait3A_242, %dma_wait3A_250, %dma_wait3A_251] : memref<8x125x16xf32, #tpu.memory_space<vmem>> -> memref<1x125x16xf32, #tpu.memory_space<vmem>>
    %dma_wait3A_253 = tpu.memref_squeeze %dma_wait3A_252 : memref<1x125x16xf32, #tpu.memory_space<vmem>> -> memref<125x16xf32, #tpu.memory_space<vmem>>
    %dma_wait3A_254 = arith.constant 0 : i32
    %dma_wait3A_255 = arith.constant 0 : i32
    %dma_wait3A_256 = tpu.memref_slice %arg2[%dma_wait3A_254, %dma_wait3A_255] : memref<10000x16xf32, #tpu.memory_space<hbm>> -> memref<125x16xf32, #tpu.memory_space<hbm>>
    tpu.wait_dma2 semaphore(%arg18 : memref<!tpu.dma_semaphore, #tpu.memory_space<semaphore_mem>>) src(%dma_wait3A_256 : memref<125x16xf32, #tpu.memory_space<hbm>>) dst(%dma_wait3A_253 : memref<125x16xf32, #tpu.memory_space<vmem>>)
    %barrier3A_257 = arith.constant 0 : index
    tpu.barrier barrier_id(%barrier3A_257)
    %mul3A_258 = arith.constant 640 : i32
    %mul3A_259 = arith.muli %arg1, %mul3A_258 : i32
    %mul3A_260 = arith.constant 640 : i32
    %mul3A_261 = arith.muli %arg1, %mul3A_260 : i32
    "tpu.region"() ({
      %run_scoped3A = tpu.sem_alloc : memref<!tpu.dma_semaphore, #tpu.memory_space<semaphore_mem>>
      %dma_start3A_262 = arith.constant 0 : i32
      %dma_start3A_263 = tpu.memref_slice %arg5[%arg0, %mul3A_261, %dma_start3A_262] : memref<2x10240x16xf32, #tpu.memory_space<hbm>> -> memref<1x640x16xf32, #tpu.memory_space<hbm>>
      %dma_start3A_264 = tpu.memref_squeeze %dma_start3A_263 : memref<1x640x16xf32, #tpu.memory_space<hbm>> -> memref<640x16xf32, #tpu.memory_space<hbm>>
      %dma_start3A_265 = arith.constant 0 : i32
      %dma_start3A_266 = tpu.memref_slice %arg10[%mul3A_259, %dma_start3A_265] : memref<10240x16xf32, #tpu.memory_space<vmem_shared>> -> memref<640x16xf32, #tpu.memory_space<vmem_shared>>
      tpu.enqueue_dma source(%dma_start3A_266 : memref<640x16xf32, #tpu.memory_space<vmem_shared>>) target(%dma_start3A_264 : memref<640x16xf32, #tpu.memory_space<hbm>>) target_semaphore(%run_scoped3A : memref<!tpu.dma_semaphore, #tpu.memory_space<semaphore_mem>>)
      %dma_wait3A_267 = arith.constant 0 : i32
      %dma_wait3A_268 = tpu.memref_slice %arg5[%arg0, %mul3A_261, %dma_wait3A_267] : memref<2x10240x16xf32, #tpu.memory_space<hbm>> -> memref<1x640x16xf32, #tpu.memory_space<hbm>>
      %dma_wait3A_269 = tpu.memref_squeeze %dma_wait3A_268 : memref<1x640x16xf32, #tpu.memory_space<hbm>> -> memref<640x16xf32, #tpu.memory_space<hbm>>
      %dma_wait3A_270 = arith.constant 0 : i32
      %dma_wait3A_271 = tpu.memref_slice %arg10[%mul3A_259, %dma_wait3A_270] : memref<10240x16xf32, #tpu.memory_space<vmem_shared>> -> memref<640x16xf32, #tpu.memory_space<vmem_shared>>
      tpu.wait_dma2 semaphore(%run_scoped3A : memref<!tpu.dma_semaphore, #tpu.memory_space<semaphore_mem>>) src(%dma_wait3A_271 : memref<640x16xf32, #tpu.memory_space<vmem_shared>>) dst(%dma_wait3A_269 : memref<640x16xf32, #tpu.memory_space<hbm>>)
      tpu.yield
    }) : () -> ()
    return
  }
}

module attributes {stable_mosaic.version = 14 : i64} {
  func.func @_tc_a(%arg0: memref<10000x128xf32, #tpu.memory_space<vmem>>, %arg1: memref<128x128xf32, #tpu.memory_space<vmem>>, %arg2: memref<2x10240x16xf32, #tpu.memory_space<vmem>>, %arg3: memref<2x10000x64xf32, #tpu.memory_space<vmem>>, %arg4: memref<10000x16xf32, #tpu.memory_space<vmem>>) attributes {dimension_semantics = [], scalar_prefetch = 0 : i64, scratch_operands = 0 : i64, tpu.core_type = #tpu.core_type<tc>} {
    %get3A = arith.constant 0 : index
    %get3A_0 = arith.constant 0 : index
    %get3A_1 = arith.constant 0 : index
    %get3A_2 = vector.load %arg2[%get3A, %get3A_0, %get3A_1] : memref<2x10240x16xf32, #tpu.memory_space<vmem>>, vector<1x10000x1xf32>
    %get3A_3 = vector.shape_cast %get3A_2 : vector<1x10000x1xf32> to vector<10000x1xf32>
    %get3A_4 = arith.constant 1 : index
    %get3A_5 = arith.constant 0 : index
    %get3A_6 = arith.constant 0 : index
    %get3A_7 = vector.load %arg2[%get3A_4, %get3A_5, %get3A_6] : memref<2x10240x16xf32, #tpu.memory_space<vmem>>, vector<1x10000x1xf32>
    %get3A_8 = vector.shape_cast %get3A_7 : vector<1x10000x1xf32> to vector<10000x1xf32>
    %add3A = arith.addf %get3A_3, %get3A_8 : vector<10000x1xf32>
    %add3A_9 = arith.constant 1.000000e+00 : f32
    %add3A_10 = vector.broadcast %add3A_9 : f32 to vector<10000x1xf32>
    %add3A_11 = arith.addf %add3A, %add3A_10 : vector<10000x1xf32>
    %rsqrt3A = math.rsqrt %add3A_11 : vector<10000x1xf32>
    %get3A_12 = arith.constant 0 : index
    %get3A_13 = arith.constant 0 : index
    %get3A_14 = vector.load %arg0[%get3A_12, %get3A_13] : memref<10000x128xf32, #tpu.memory_space<vmem>>, vector<10000x128xf32>
    %get3A_15 = arith.constant 0 : index
    %get3A_16 = arith.constant 0 : index
    %get3A_17 = vector.load %arg1[%get3A_15, %get3A_16] : memref<128x128xf32, #tpu.memory_space<vmem>>, vector<128x128xf32>
    %dot_general3A = arith.constant dense<0.000000e+00> : vector<10000x128xf32>
    %dot_general3A_18 = tpu.matmul %get3A_14, %get3A_17, %dot_general3A {dimension_numbers = #tpu.dot_dimension_numbers<[1], [0], [0], [1], [0, 0, 1, 1], [], []>, transpose_lhs_hint = false} : vector<10000x128xf32>, vector<128x128xf32>, vector<10000x128xf32> -> vector<10000x128xf32>
    %mul3A = vector.broadcast %rsqrt3A : vector<10000x1xf32> to vector<10000x128xf32>
    %mul3A_19 = arith.mulf %dot_general3A_18, %mul3A : vector<10000x128xf32>
    %slice3A = vector.extract_strided_slice %mul3A_19 {offsets = [0, 0], sizes = [10000, 64], strides = [1, 1]} : vector<10000x128xf32> to vector<10000x64xf32>
    %swap3A = arith.constant 0 : index
    %swap3A_20 = arith.constant 0 : index
    %swap3A_21 = arith.constant 0 : index
    %swap3A_22 = vector.load %arg3[%swap3A, %swap3A_20, %swap3A_21] : memref<2x10000x64xf32, #tpu.memory_space<vmem>>, vector<1x10000x64xf32>
    %swap3A_23 = vector.shape_cast %swap3A_22 : vector<1x10000x64xf32> to vector<10000x64xf32>
    %swap3A_24 = vector.shape_cast %slice3A : vector<10000x64xf32> to vector<1x10000x64xf32>
    tpu.vector_store %arg3[%swap3A, %swap3A_20, %swap3A_21], %swap3A_24 {strides = array<i32>} : memref<2x10000x64xf32, #tpu.memory_space<vmem>>, vector<1x10000x64xf32>,
    %slice3A_25 = vector.extract_strided_slice %mul3A_19 {offsets = [0, 64], sizes = [10000, 64], strides = [1, 1]} : vector<10000x128xf32> to vector<10000x64xf32>
    %swap3A_26 = arith.constant 1 : index
    %swap3A_27 = arith.constant 0 : index
    %swap3A_28 = arith.constant 0 : index
    %swap3A_29 = vector.load %arg3[%swap3A_26, %swap3A_27, %swap3A_28] : memref<2x10000x64xf32, #tpu.memory_space<vmem>>, vector<1x10000x64xf32>
    %swap3A_30 = vector.shape_cast %swap3A_29 : vector<1x10000x64xf32> to vector<10000x64xf32>
    %swap3A_31 = vector.shape_cast %slice3A_25 : vector<10000x64xf32> to vector<1x10000x64xf32>
    tpu.vector_store %arg3[%swap3A_26, %swap3A_27, %swap3A_28], %swap3A_31 {strides = array<i32>} : memref<2x10000x64xf32, #tpu.memory_space<vmem>>, vector<1x10000x64xf32>,
    %broadcast_in_dim3A = vector.shape_cast %rsqrt3A : vector<10000x1xf32> to vector<10000x1xf32>
    %broadcast_in_dim3A_32 = vector.broadcast %broadcast_in_dim3A : vector<10000x1xf32> to vector<10000x16xf32>
    %swap3A_33 = arith.constant 0 : index
    %swap3A_34 = arith.constant 0 : index
    %swap3A_35 = vector.load %arg4[%swap3A_33, %swap3A_34] : memref<10000x16xf32, #tpu.memory_space<vmem>>, vector<10000x16xf32>
    tpu.vector_store %arg4[%swap3A_33, %swap3A_34], %broadcast_in_dim3A_32 {strides = array<i32>} : memref<10000x16xf32, #tpu.memory_space<vmem>>, vector<10000x16xf32>,
    return
  }
}

module attributes {stable_mosaic.version = 14 : i64} {
  func.func @_tc_b(%arg0: memref<2x10240x64xf32, #tpu.memory_space<vmem>>, %arg1: memref<2x10000x64xf32, #tpu.memory_space<vmem>>, %arg2: memref<10000x16xf32, #tpu.memory_space<vmem>>, %arg3: memref<1x128xf32, #tpu.memory_space<vmem>>, %arg4: memref<10000x128xf32, #tpu.memory_space<vmem>>, %arg5: memref<128x16xf32, #tpu.memory_space<vmem>>, %arg6: memref<10000x16xf32, #tpu.memory_space<vmem>>) attributes {dimension_semantics = [], scalar_prefetch = 0 : i64, scratch_operands = 0 : i64, tpu.core_type = #tpu.core_type<tc>} {
    %get3A = arith.constant 0 : index
    %get3A_0 = arith.constant 0 : index
    %get3A_1 = vector.load %arg2[%get3A, %get3A_0] : memref<10000x16xf32, #tpu.memory_space<vmem>>, vector<10000x1xf32>
    %get3A_2 = arith.constant 0 : index
    %get3A_3 = arith.constant 0 : index
    %get3A_4 = arith.constant 0 : index
    %get3A_5 = vector.load %arg1[%get3A_2, %get3A_3, %get3A_4] : memref<2x10000x64xf32, #tpu.memory_space<vmem>>, vector<1x10000x64xf32>
    %get3A_6 = vector.shape_cast %get3A_5 : vector<1x10000x64xf32> to vector<10000x64xf32>
    %get3A_7 = arith.constant 1 : index
    %get3A_8 = arith.constant 0 : index
    %get3A_9 = arith.constant 0 : index
    %get3A_10 = vector.load %arg1[%get3A_7, %get3A_8, %get3A_9] : memref<2x10000x64xf32, #tpu.memory_space<vmem>>, vector<1x10000x64xf32>
    %get3A_11 = vector.shape_cast %get3A_10 : vector<1x10000x64xf32> to vector<10000x64xf32>
    %concatenate3A = tpu.concatenate %get3A_6, %get3A_11 in 1 : vector<10000x64xf32>, vector<10000x64xf32> -> vector<10000x128xf32>
    %get3A_12 = arith.constant 0 : index
    %get3A_13 = arith.constant 0 : index
    %get3A_14 = arith.constant 0 : index
    %get3A_15 = vector.load %arg0[%get3A_12, %get3A_13, %get3A_14] : memref<2x10240x64xf32, #tpu.memory_space<vmem>>, vector<1x10000x64xf32>
    %get3A_16 = vector.shape_cast %get3A_15 : vector<1x10000x64xf32> to vector<10000x64xf32>
    %get3A_17 = arith.constant 1 : index
    %get3A_18 = arith.constant 0 : index
    %get3A_19 = arith.constant 0 : index
    %get3A_20 = vector.load %arg0[%get3A_17, %get3A_18, %get3A_19] : memref<2x10240x64xf32, #tpu.memory_space<vmem>>, vector<1x10000x64xf32>
    %get3A_21 = vector.shape_cast %get3A_20 : vector<1x10000x64xf32> to vector<10000x64xf32>
    %concatenate3A_22 = tpu.concatenate %get3A_16, %get3A_21 in 1 : vector<10000x64xf32>, vector<10000x64xf32> -> vector<10000x128xf32>
    %add3A = arith.addf %concatenate3A_22, %concatenate3A : vector<10000x128xf32>
    %mul3A = vector.broadcast %get3A_1 : vector<10000x1xf32> to vector<10000x128xf32>
    %mul3A_23 = arith.mulf %add3A, %mul3A : vector<10000x128xf32>
    %get3A_24 = arith.constant 0 : index
    %get3A_25 = arith.constant 0 : index
    %get3A_26 = vector.load %arg3[%get3A_24, %get3A_25] : memref<1x128xf32, #tpu.memory_space<vmem>>, vector<1x128xf32>
    %add3A_27 = vector.broadcast %get3A_26 : vector<1x128xf32> to vector<10000x128xf32>
    %add3A_28 = arith.addf %mul3A_23, %add3A_27 : vector<10000x128xf32>
    %max3A = arith.constant 0.000000e+00 : f32
    %max3A_29 = vector.broadcast %max3A : f32 to vector<10000x128xf32>
    %max3A_30 = arith.maximumf %add3A_28, %max3A_29 : vector<10000x128xf32>
    %get3A_31 = arith.constant 0 : index
    %get3A_32 = arith.constant 0 : index
    %get3A_33 = vector.load %arg4[%get3A_31, %get3A_32] : memref<10000x128xf32, #tpu.memory_space<vmem>>, vector<10000x128xf32>
    %mul3A_34 = arith.mulf %max3A_30, %get3A_33 : vector<10000x128xf32>
    %get3A_35 = arith.constant 0 : index
    %get3A_36 = arith.constant 0 : index
    %get3A_37 = vector.load %arg5[%get3A_35, %get3A_36] : memref<128x16xf32, #tpu.memory_space<vmem>>, vector<128x16xf32>
    %dot_general3A = arith.constant dense<0.000000e+00> : vector<10000x16xf32>
    %dot_general3A_38 = tpu.matmul %mul3A_34, %get3A_37, %dot_general3A {dimension_numbers = #tpu.dot_dimension_numbers<[1], [0], [0], [1], [0, 0, 1, 1], [], []>, transpose_lhs_hint = false} : vector<10000x128xf32>, vector<128x16xf32>, vector<10000x16xf32> -> vector<10000x16xf32>
    %mul3A_39 = vector.broadcast %get3A_1 : vector<10000x1xf32> to vector<10000x16xf32>
    %mul3A_40 = arith.mulf %dot_general3A_38, %mul3A_39 : vector<10000x16xf32>
    %swap3A = arith.constant 0 : index
    %swap3A_41 = arith.constant 0 : index
    %swap3A_42 = vector.load %arg6[%swap3A, %swap3A_41] : memref<10000x16xf32, #tpu.memory_space<vmem>>, vector<10000x16xf32>
    tpu.vector_store %arg6[%swap3A, %swap3A_41], %mul3A_40 {strides = array<i32>} : memref<10000x16xf32, #tpu.memory_space<vmem>>, vector<10000x16xf32>,
    return
  }
}

module attributes {stable_mosaic.version = 14 : i64} {
  func.func @_tc_c(%arg0: memref<2x10240x16xf32, #tpu.memory_space<vmem>>, %arg1: memref<10000x16xf32, #tpu.memory_space<vmem>>, %arg2: memref<10000x16xf32, #tpu.memory_space<vmem>>, %arg3: memref<1x16xf32, #tpu.memory_space<vmem>>, %arg4: memref<10000x16xf32, #tpu.memory_space<vmem>>) attributes {dimension_semantics = [], scalar_prefetch = 0 : i64, scratch_operands = 0 : i64, tpu.core_type = #tpu.core_type<tc>} {
    %get3A = arith.constant 0 : index
    %get3A_0 = arith.constant 0 : index
    %get3A_1 = vector.load %arg2[%get3A, %get3A_0] : memref<10000x16xf32, #tpu.memory_space<vmem>>, vector<10000x1xf32>
    %get3A_2 = arith.constant 0 : index
    %get3A_3 = arith.constant 0 : index
    %get3A_4 = arith.constant 0 : index
    %get3A_5 = vector.load %arg0[%get3A_2, %get3A_3, %get3A_4] : memref<2x10240x16xf32, #tpu.memory_space<vmem>>, vector<1x10000x16xf32>
    %get3A_6 = vector.shape_cast %get3A_5 : vector<1x10000x16xf32> to vector<10000x16xf32>
    %get3A_7 = arith.constant 1 : index
    %get3A_8 = arith.constant 0 : index
    %get3A_9 = arith.constant 0 : index
    %get3A_10 = vector.load %arg0[%get3A_7, %get3A_8, %get3A_9] : memref<2x10240x16xf32, #tpu.memory_space<vmem>>, vector<1x10000x16xf32>
    %get3A_11 = vector.shape_cast %get3A_10 : vector<1x10000x16xf32> to vector<10000x16xf32>
    %add3A = arith.addf %get3A_6, %get3A_11 : vector<10000x16xf32>
    %get3A_12 = arith.constant 0 : index
    %get3A_13 = arith.constant 0 : index
    %get3A_14 = vector.load %arg1[%get3A_12, %get3A_13] : memref<10000x16xf32, #tpu.memory_space<vmem>>, vector<10000x16xf32>
    %add3A_15 = arith.addf %add3A, %get3A_14 : vector<10000x16xf32>
    %mul3A = vector.broadcast %get3A_1 : vector<10000x1xf32> to vector<10000x16xf32>
    %mul3A_16 = arith.mulf %add3A_15, %mul3A : vector<10000x16xf32>
    %get3A_17 = arith.constant 0 : index
    %get3A_18 = arith.constant 0 : index
    %get3A_19 = vector.load %arg3[%get3A_17, %get3A_18] : memref<1x16xf32, #tpu.memory_space<vmem>>, vector<1x16xf32>
    %add3A_20 = vector.broadcast %get3A_19 : vector<1x16xf32> to vector<10000x16xf32>
    %add3A_21 = arith.addf %mul3A_16, %add3A_20 : vector<10000x16xf32>
    %swap3A = arith.constant 0 : index
    %swap3A_22 = arith.constant 0 : index
    %swap3A_23 = vector.load %arg4[%swap3A, %swap3A_22] : memref<10000x16xf32, #tpu.memory_space<vmem>>, vector<10000x16xf32>
    tpu.vector_store %arg4[%swap3A, %swap3A_22], %add3A_21 {strides = array<i32>} : memref<10000x16xf32, #tpu.memory_space<vmem>>, vector<10000x16xf32>,
    return
  }
}

</mosaic_0001>

<sc_bundles>
// kernel: kernel.11.cloned.1.call-start
scs
__scs_entry_jumppad:
0x0: {  	(pc) =	sbr.rel $0x88, $3  }
0x1: {  	(tag) =	ssettag $0x0;
	lr =	simm.s32 $0x1  }
0x2: {  	[smem:$0x3F9B] =	sst lr;
	_ =	strace $0xD0000000  }
0x3: {  	_ = 	snop  }
0x4: {  	_ = 	snop  }
0x5: {  	_ = 	snop  }
0x6: {  	_ = 	snop  }
0x7: {  	_ = 	snop  }
__scs_overlays_trampoline_lowered:
0x8: {  	[smem:$0x3FAA] =	sst s0  }
0x9: {  	[smem:$0x3FAB] =	sst s1  }
0xa: {  	[smem:$0x3FAC] =	sst s2  }
0xb: {  	[smem:$0x3FAD] =	sst s3  }
0xc: {  	[smem:$0x3FAE] =	sst s4  }
0xd: {  	[smem:$0x3FAF] =	sst s5  }
0xe: {  	[smem:$0x3FB0] =	sst s6  }
0xf: {  	[smem:$0x3FB1] =	sst s7  }
0x10: {  	[smem:$0x3FB2] =	sst s8  }
0x11: {  	[smem:$0x3FB3] =	sst s9;
	s0 =	simm.s32 @!p0 $0x0  }
0x12: {  	s1 =	sld [smem:$0x3F99];
	s0 =	simm.s32 @p0 $0x1  }
0x13: {  	[smem:$0x3FB4] =	sst s0;
	s0 =	simm.s32 @!p1 $0x0  }
0x14: {  	s2 =	sld [smem:$0x3F98];
	s0 =	simm.s32 @p1 $0x1  }
0x15: {  	[smem:$0x3FB5] =	sst s0;
	s0 =	simm.s32 @!p2 $0x0  }
0x16: {  	s3 =	sld [smem:$0x3FDB];
	s0 =	simm.s32 @p2 $0x1  }
0x17: {  	s4 =	simm.s32 $0x1BF5;
	[smem:$0x3FB7] =	sst s0  }
0x18: {  	s0 =	sld [smem:$0x3F9A];
	_ =	swait.ge [sflag:s4], $0x0  }
0x19: {  	s7 =	sld [smem:$0x3F9B]  }
0x1a: {  	s8 =	sadd.s32 $0xFFFFE003, lr  }
0x1b: {  	s9 =	sadd.s32 $0xFFFFFEF7, lr;
	s5 =	simm.s32 $0xFFFFFFFF;
	p2 =	slt.u32 s8, $0xFFFFF086  }
0x1c: {  	p1 =	slt.u32 s9, $0xF7A;
	s5 =	simm.s32 @!p2 $0x0  }
0x1d: {  	s5 =	simm.s32 @p1 $0x1;
	p0 =	seq.s32 s7, s2  }
0x1e: {  	s7 =	smul.u32 @!p0 $0xF7A, s2;
	p2 =	seq.s32 @!p0 s5, $0x0  }
0x1f: {  	s9 =	smul.u32 $0xF7A, s1;
	s8 =	simm.s32 @!p0 $0x1BF5;
	p2 =	por !p2, p0  }
0x20: {  	[sflag:s8] =	ssyncset.s32 @!p0 $0xFFFFF086;
	s6 =	sadd.s32 @!p0 s3, s7;
	s7 =	simm.s32 @!p0 $0x108  }
0x21: {  	s3 =	sadd.s32 s3, s9;
	s6 =	sadd.s32 @!p0 $0x88, s6;
	s7 =	simm.s32 @p2 $0x1082  }
0x22: {  	[simem:s7], [sflag:s8] =	dma.local @!p0 [hbm:s6], $0xF7A  }
0x23: {  	s9 =	sor.u32 $0xD0000000, s2;
	s6 =	simm.s32 $0x108;
	_ =	swait.ge @!p0 [sflag:s8], $0x0  }
0x24: {  	s3 =	sadd.s32 $0x88, s3;
	s6 =	simm.s32 @!p1 $0x1082;
	[sflag:s4] =	ssyncset.s32 $0xFFFFF086  }
0x25: {  	[simem:s6], [sflag:s4] =	dma.local [hbm:s3], $0xF7A  }
0x26: {  	[smem:$0x3F9B] =	sst s1;
	(tag) =	ssettag s2;
	_ =	strace s9  }
0x27: {  	s1 =	sld [smem:$0x3FAB]  }
0x28: {  	s2 =	sld [smem:$0x3FAC]  }
0x29: {  	s4 =	sld [smem:$0x3FAE]  }
0x2a: {  	p0 =	seq.s32 s5, $0x0;
	s5 =	sld [smem:$0x3FAF]  }
0x2b: {  	s6 =	sld [smem:$0x3FB0]  }
0x2c: {  	s7 =	sld [smem:$0x3FB1]  }
0x2d: {  	s3 =	simm.s32 $0x108;
	s8 =	sld [smem:$0x3FB2]  }
0x2e: {  	s3 =	simm.s32 @!p0 $0x1082;
	s9 =	sld [smem:$0x3FB3]  }
0x2f: {  	lr =	sadd.s32 s0, s3;
	s0 =	sld [smem:$0x3FAA]  }
0x30: {  	s3 =	sld [smem:$0x3FAD]  }
0x31: {  	[smem:$0x3FB6] =	sst s10  }
0x32: {  	s10 =	sld [smem:$0x3FB4];
	_ =	sdelay $0x3  }
0x33: {  	p0 =	seq.s32 s10, $0x1;
	s10 =	sld [smem:$0x3FB6];
	_ =	sdelay $0x3  }
0x34: {  	[smem:$0x3FB6] =	sst s10  }
0x35: {  	s10 =	sld [smem:$0x3FB5];
	_ =	sdelay $0x3  }
0x36: {  	p1 =	seq.s32 s10, $0x1;
	s10 =	sld [smem:$0x3FB6];
	_ =	sdelay $0x3  }
0x37: {  	[smem:$0x3FB6] =	sst s10  }
0x38: {  	s10 =	sld [smem:$0x3FB7]  }
0x39: {  	_ = 	snop;
	(pc) =	sbr.ind lr, $3  }
0x3a: {  	_ = 	snop  }
0x3b: {  	_ = 	snop  }
0x3c: {  	p2 =	seq.s32 s10, $0x1;
	s10 =	sld [smem:$0x3FB6]  }
0x3d: {  	_ =	shalt  }
0x3e: {  	_ =	shalt  }
0x3f: {  	_ =	shalt  }
0x40: {  	_ =	shalt  }
0x41: {  	_ =	shalt  }
0x42: {  	_ =	shalt  }
0x43: {  	_ =	shalt  }
0x44: {  	_ =	shalt  }
0x45: {  	_ =	shalt  }
0x46: {  	_ =	shalt  }
0x47: {  	_ =	shalt  }
0x48: {  	_ =	shalt  }
0x49: {  	_ =	shalt  }
0x4a: {  	_ =	shalt  }
0x4b: {  	_ =	shalt  }
0x4c: {  	_ =	shalt  }
0x4d: {  	_ =	shalt  }
0x4e: {  	_ =	shalt  }
0x4f: {  	_ =	shalt  }
0x50: {  	_ =	shalt  }
0x51: {  	_ =	shalt  }
0x52: {  	_ =	shalt  }
0x53: {  	_ =	shalt  }
0x54: {  	_ =	shalt  }
0x55: {  	_ =	shalt  }
0x56: {  	_ =	shalt  }
0x57: {  	_ =	shalt  }
0x58: {  	_ =	shalt  }
0x59: {  	_ =	shalt  }
0x5a: {  	_ =	shalt  }
0x5b: {  	_ =	shalt  }
0x5c: {  	_ =	shalt  }
0x5d: {  	_ =	shalt  }
0x5e: {  	_ =	shalt  }
0x5f: {  	_ =	shalt  }
0x60: {  	_ =	shalt  }
0x61: {  	_ =	shalt  }
0x62: {  	_ =	shalt  }
0x63: {  	_ =	shalt  }
0x64: {  	_ =	shalt  }
0x65: {  	_ =	shalt  }
0x66: {  	_ =	shalt  }
0x67: {  	_ =	shalt  }
0x68: {  	_ =	shalt  }
0x69: {  	_ =	shalt  }
0x6a: {  	_ =	shalt  }
0x6b: {  	_ =	shalt  }
0x6c: {  	_ =	shalt  }
0x6d: {  	_ =	shalt  }
0x6e: {  	_ =	shalt  }
0x6f: {  	_ =	shalt  }
0x70: {  	_ =	shalt  }
0x71: {  	_ =	shalt  }
0x72: {  	_ =	shalt  }
0x73: {  	_ =	shalt  }
0x74: {  	_ =	shalt  }
0x75: {  	_ =	shalt  }
0x76: {  	_ =	shalt  }
0x77: {  	_ =	shalt  }
0x78: {  	_ =	shalt  }
0x79: {  	_ =	shalt  }
0x7a: {  	_ =	shalt  }
0x7b: {  	_ =	shalt  }
0x7c: {  	_ =	shalt  }
0x7d: {  	_ =	shalt  }
0x7e: {  	_ =	shalt  }
0x7f: {  	_ =	shalt  }
0x80: {  	_ =	shalt  }
0x81: {  	_ =	shalt  }
0x82: {  	_ =	shalt  }
0x83: {  	_ =	shalt  }
0x84: {  	_ =	shalt  }
0x85: {  	_ =	shalt  }
0x86: {  	_ =	shalt  }
0x87: {  	_ =	shalt  }
.Lfunc_end0:
.L_simem_size_0:
called_computation.1_lowered:
.L_overlay_start_0:
0x88: {  	s2 =	sld [smem:$0x3FD9]  }
0x89: {  	s3 =	sld [smem:$0x3FFE];
	_ =	sdelay $0x1  }
0x8a: {  	s1 =	srdreg.scid  }
0x8b: {  	s0 =	sand.u32 $0x1, s1  }
0x8c: {  	s16 =	sshll.u32 s0, $0xA;
	s2 =	sadd.s32 s3, s2  }
0x8d: {  	s2 =	sadd.s32 s2, s16  }
0x8e: {  	[smem:$0x3FC2] =	sst s2  }
0x8f: {  	_ = 	snop  }
0x90: {  	(tm) =	ssettm $0x1  }
0x91: {  	s17 =	sld [smem:$0x3FFB];
	_ =	sdelay $0x3  }
0x92: {  	_ =	strace s17  }
0x93: {  	s2 =	sld [smem:$0x3FFC];
	_ =	sdelay $0x3  }
0x94: {  	_ =	strace s2  }
0x95: {  	s2 =	sld [smem:$0x3FFD];
	_ =	sdelay $0x3  }
0x96: {  	_ =	strace s2  }
0x97: {  	_ =	strace $0x8FFFFFFF  }
0x98: {  	s18 =	sld [smem:$0x3FDB];
	_ =	sdelay $0x1  }
0x99: {  	s19 =	simm.s32 $_scs_section_size  }
0x9a: {  	s4 =	simm.s32 $_size__tile_overlayer_lowered;
	s5 =	simm.s32 $_tile_overlayer_lowered  }
0x9b: {  	s22 =	simm.s32 $0x1BFF;
	s21 =	sshll.u32 s5, $0x1;
	s2 =	sadd.s32 s19, s18  }
0x9c: {  	s6 =	simm.s32 $0x0;
	s20 =	sshll.u32 s4, $0x1;
	s4 =	sadd.s32 s21, s2  }
0x9d: {  	[timem:s6], [sflag:s22] =	dma.local [hbm:s4], s20  }
0x9e: {  	_ =	swait.ge [sflag:s22], s20  }
0x9f: {  	s3 =	ssub.s32 $0x0, s20;
	[sflag:s22] =	ssyncset.done $0x0  }
0xa0: {  	[sflag:s22] =	ssyncadd.s32 s3;
	_ =	sdelay $0x1  }
0xa1: {  	s23 =	simm.s32 $0x1B8B  }
0xa2: {  	_ =	swait.ge [sflag:s23], $0x1  }
0xa3: {  	[sflag:s23] =	ssyncset.done $0x0  }
0xa4: {  	s25 =	simm.s32 $0x1B8E;
	s24 =	sld [smem:$0x3FFE];
	[sflag:s23] =	ssyncadd.s32 $0xFFFFFFFF  }
0xa5: {  	s26 =	simm.s32 $execute0_lowered;
	[smem:$0x3FD2] =	sst s25  }
0xa6: {  	s4 =	sshll.u32 s26, $0x1;
	_ =	strace $0x80000049;
	[dreg:$0x1] =	wrdreg $0xFFFFFFFF  }
0xa7: {  	s28 =	simm.s32 $_size_execute0_lowered;
	s2 =	sadd.s32 s2, s4;
	[dreg:$0x0] =	wrdreg $0x0  }
0xa8: {  	s4 =	sshll.u32 s28, $0x1;
	[dreg:$0x2] =	wrdreg s2  }
0xa9: {  	[dreg:$0x3] =	wrdreg s4  }
0xaa: {  	[dreg:$0x4] =	wrdreg $0xC0  }
0xab: {  	_ =	task [dreg:s6], $0x5FFFF  }
0xac: {  	[dreg:$0x1] =	wrdreg $0xFFFFFFFF  }
0xad: {  	[dreg:$0x0] =	wrdreg $0x60  }
0xae: {  	[dreg:$0x2] =	wrdreg s24  }
0xaf: {  	[dreg:$0x3] =	wrdreg $0x13D000  }
0xb0: {  	[dreg:$0x4] =	wrdreg $0x9  }
0xb1: {  	_ =	task.clear_ibuf [dreg:s6], $0x5FFFF;
	_ =	strace $0x90000049  }
0xb2: {  	s29 =	simm.s32 $0x9;
	_ =	strace $0x8000004B  }
0xb3: {  	_ =	swait.ge [sflag:s29], $0x1  }
0xb4: {  	[sflag:s29] =	ssyncadd.s32 $0xFFFFFFFF  }
0xb5: {  	_ =	strace $0x9000004B  }
0xb6: {  	_ =	sfence  }
0xb7: {  	s30 =	sld [smem:$0x0];
	_ =	sdelay $0x2  }
0xb8: {  	s31 =	sshll.u32 s1, $0xD;
	s1 =	sshrl.u32 s1, $0x2  }
0xb9: {  	s3 =	sand.u32 $0x4000, s31;
	s1 =	sadd.s32 s1, s30  }
0xba: {  	s0 =	sor.u32 s3, s0;
	s1 =	sshll.u32 s1, $0x11  }
0xbb: {  	s0 =	sor.u32 s1, s0  }
0xbc: {  	s0 =	sadd.s32 $0x8F2B, s0  }
0xbd: {  	[sflag:s0] =	ssyncadd.remote.s32 $0x1  }
0xbe: {  	_ =	sfence.sel $0xFFFF  }
0xbf: {  	[dreg:$0x0] =	wrdreg $0xFFFFFFFF;
	(pc) =	sbr.abs _section_cstart, $3  }
0xc0: {  	[dreg:$0x1] =	wrdreg $0xFFFFFFFF  }
0xc1: {  	_ =	task.clear_ibuf [dreg:s6], $0x2FFFF;
	_ =	strace $0x9FFFFFFF  }
0xc2: {  	(tm) =	ssettm $0x7FFFFFFF  }
0xc3: {  	_ =	shalt  }
tec
execute0_lowered:
.L_overlay_start_1:
0x0: {  	(tag) =	ssettag $0x1  }
0x1: {  	s0 =	rddreg [dreg:$0x0];
	s1 =	srdreg.scid  }
0x2: {  	s2 =	rddreg [dreg:$0x1];
	s10 =	stileid.u32;
	s3 =	simm.s32 $0x0  }
0x3: {  	s16 =	simm.s32 $0x5;
	s20 =	simm.s32 $0x11D00;
	s21 =	simm.s32 $0x7D  }
0x4: {  	s22 =	simm.s32 $0xA000;
	s24 =	simm.s32 $0xBF40;
	s8 =	smul.u32 $0xA000, s10  }
0x5: {  	s29 =	simm.s32 $0xFDC0;
	s30 =	simm.s32 $0x1;
	s26 =	smul.u32 $0xA00, s10  }
0x6: {  	s31 =	simm.s32 $0x2;
	s17 =	simm.s32 $0x4;
	s9 =	smul.u32 $0x5000, s10  }
0x7: {  	s19 =	simm.s32 $0x9F00;
	s1 =	sand.u32 $0x1, s1;
	s10 =	smul.u32 $0x28000, s10  }
0x8: {  	s23 =	simm.s32 $0x9F80;
	[smem:$0x7FF] =	sst s3;
	s4 =	smul.u32 $0x13880, s1  }
0x9: {  	s6 =	sadd.s32 $0x16A00, s0;
	s5 =	smul.u32 $0xA0000, s1;
	s1 =	ssub.s32 $0x2, s1  }
0xa: {  	s7 =	sadd.s32 $0x2A00, s0;
	_ =	strace $0x8000004A;
	s28 =	sshrl.u32 s1, $0x1  }
0xb: {  	s9 =	sshrl.u32 s9, $0x3;
	s10 =	sshrl.u32 s10, $0x2;
	s13 =	sadd.s32 s4, s0  }
0xc: {  	s25 =	sadd.s32 s8, s5;
	s1 =	ssub.s32 s1, s28;
	s5 =	sadd.s32 s7, s26  }
0xd: {  	s9 =	sadd.s32 $0x500, s9;
	s12 =	sadd.s32 s10, s2;
	s8 =	sadd.s32 s8, s2  }
0xe: {  	s4 =	sshrl.u32 s25, $0x3;
	s7 =	sadd.s32 s7, s9;
	s10 =	sadd.s32 $0x4000, s12  }
0xf: {  	s11 =	sadd.s32 $0x6000, s12;
	s13 =	sadd.s32 $0x95E00, s13;
	s15 =	smax.u32 s1, $0x1  }
0x10: {  	s25 =	simm.s32 $0x0;
	s0 =	sadd.s32 s4, s0;
	s4 =	sadd.s32 s6, s26  }
0x11: {  	s6 =	sadd.s32 s6, s9;
	s9 =	sadd.s32 $0x2000, s12;
	s12 =	sadd.s32 $0x8000, s12  }
0x12: {  	v0 =	vimm.f32 $0.0e+00;
	s26 =	simm.s32 $0xDE80;
	s14 =	sadd.s32 $0xBD000, s0;
	s0 =	simm.s32 $0x3  }
.LBB2_1:
0x13: {  	[tilespmem:s3], [sflag:$0x5] =	stream.linear.gather [hbm4b:s4+s3], $0x2800, $0x38;
	[tilespmem:$0x1DD00] =	vst v63  }
0x14: {  	_ =	swait.ge [sflag:s16], $0x2800  }
0x15: {  	[sflag:s16] =	ssyncset.done $0x0  }
0x16: {  	s1 =	simm.s32 $0x5000;
	[sflag:s16] =	ssyncadd.s32 $0xFFFFD800  }
0x17: {  	[tilespmem:s1], [sflag:$0x5] =	stream.linear.gather [hbm4b:s5+s3], $0x2800, $0x38;
	[tilespmem:$0x1DD00] =	vst v63  }
0x18: {  	_ =	swait.ge [sflag:s16], $0x2800  }
0x19: {  	[sflag:s16] =	ssyncset.done $0x0  }
0x1a: {  	s18 =	simm.s32 $0x2800;
	[sflag:s16] =	ssyncadd.s32 $0xFFFFD800  }
0x1b: {  	[tilespmem:s18], [sflag:$0x5] =	stream.linear.gather [hbm4b:s6+s3], $0x2800, $0x38;
	[tilespmem:$0x1DD00] =	vst v63  }
0x1c: {  	_ =	swait.ge [sflag:s16], $0x2800  }
0x1d: {  	[sflag:s16] =	ssyncset.done $0x0  }
0x1e: {  	s18 =	simm.s32 $0x7800;
	[sflag:s16] =	ssyncadd.s32 $0xFFFFD800  }
0x1f: {  	[tilespmem:s18], [sflag:$0x5] =	stream.linear.gather [hbm4b:s7+s3], $0x2800, $0x38;
	[tilespmem:$0x1DD00] =	vst v63  }
0x20: {  	_ =	swait.ge [sflag:s16], $0x2800  }
0x21: {  	[sflag:s16] =	ssyncset.done $0x0  }
0x22: {  	s28 =	simm.s32 $0x100;
	s18 =	simm.s32 $0x0;
	[sflag:s16] =	ssyncadd.s32 $0xFFFFD800  }
.LBB2_2:
0x23: {  	p0 =	sne.s32 s28, $0x7F00;
	[tilespmem:s18+$0x11D30] =	vst v0;
	s1 =	smov.u32 s28;
	s28 =	sadd.s32 $0x100, s28  }
.Ltmp0:
0x24: {  	[tilespmem:s18+$0x11D20] =	vst v0;
	(pc) =	sbr.rel @p0 .LBB2_2-.Ltmp0, $3  }
0x25: {  	[tilespmem:s18+$0x11D00] =	vst v0  }
0x26: {  	[tilespmem:s18+$0x11D10] =	vst v0;
	_ =	sdelay $0x1  }
0x27: {  	s18 =	sshra.s32 s1, $0x2  }
0x28: {  	[tilespmem:s18+$0x11D30] =	vst v0  }
0x29: {  	[tilespmem:s18+$0x11D20] =	vst v0  }
0x2a: {  	[tilespmem:s18+$0x11D00] =	vst v0  }
0x2b: {  	[tilespmem:s18+$0x11D10] =	vst v0  }
0x2c: {  	[spmem:s8] =	stream.linear.scatter [tilespmem:s20], [sflag:$0x5], $0x2000, $0x38;
	[tilespmem:$0x1DD00] =	vst v63  }
0x2d: {  	_ =	swait.ge [sflag:s16], $0x2000  }
0x2e: {  	[sflag:s16] =	ssyncset.done $0x0  }
0x2f: {  	[sflag:s16] =	ssyncadd.s32 $0xFFFFE000  }
0x30: {  	[spmem:s9] =	stream.linear.scatter [tilespmem:s20], [sflag:$0x5], $0x2000, $0x38;
	[tilespmem:$0x1DD00] =	vst v63  }
0x31: {  	_ =	swait.ge [sflag:s16], $0x2000  }
0x32: {  	[sflag:s16] =	ssyncset.done $0x0  }
0x33: {  	[sflag:s16] =	ssyncadd.s32 $0xFFFFE000  }
0x34: {  	[spmem:s10] =	stream.linear.scatter [tilespmem:s20], [sflag:$0x5], $0x2000, $0x38;
	[tilespmem:$0x1DD00] =	vst v63  }
0x35: {  	_ =	swait.ge [sflag:s16], $0x2000  }
0x36: {  	[sflag:s16] =	ssyncset.done $0x0  }
0x37: {  	[sflag:s16] =	ssyncadd.s32 $0xFFFFE000  }
0x38: {  	[spmem:s11] =	stream.linear.scatter [tilespmem:s20], [sflag:$0x5], $0x2000, $0x38;
	[tilespmem:$0x1DD00] =	vst v63  }
0x39: {  	_ =	swait.ge [sflag:s16], $0x2000  }
0x3a: {  	[sflag:s16] =	ssyncset.done $0x0  }
0x3b: {  	[sflag:s16] =	ssyncadd.s32 $0xFFFFE000  }
0x3c: {  	[spmem:s12] =	stream.linear.scatter [tilespmem:s20], [sflag:$0x5], $0x2000, $0x38;
	[tilespmem:$0x1DD00] =	vst v63  }
0x3d: {  	_ =	swait.ge [sflag:s16], $0x2000  }
0x3e: {  	[sflag:s16] =	ssyncset.done $0x0  }
0x3f: {  	[sflag:s16] =	ssyncadd.s32 $0xFFFFE000  }
0x40: {  	s1 =	simm.s32 $0x0;
	[bflag:$0x0] =	sbarrier.arrive $0xFFFF  }
0x41: {  	[tilespmem:s22], [sflag:$0x1] =	stream.indirect.gather [hbm4b:s13+s21], $0x40, s1, s21, $0xb8;
	[tilespmem:$0x1DD00] =	vst v63  }
0x42: {  	s18 =	simm.s32 $0x80  }
0x43: {  	[tilespmem:s24], [sflag:$0x2] =	stream.indirect.gather [hbm4b:s13+s21], $0x40, s18, s21, $0xb8;
	[tilespmem:$0x1DD00] =	vst v63  }
0x44: {  	s18 =	simm.s32 $0x100  }
0x45: {  	[tilespmem:s26], [sflag:$0x3] =	stream.indirect.gather [hbm4b:s13+s21], $0x40, s18, s21, $0xb8;
	[tilespmem:$0x1DD00] =	vst v63  }
0x46: {  	s18 =	simm.s32 $0x180  }
0x47: {  	[tilespmem:s29], [sflag:$0x4] =	stream.indirect.gather [hbm4b:s13+s21], $0x40, s18, s21, $0xb8;
	[tilespmem:$0x1DD00] =	vst v63  }
0x48: {  	_ =	swait.ge [sflag:s30], $0x1F40  }
0x49: {  	[sflag:s30] =	ssyncset.done $0x0  }
0x4a: {  	s18 =	simm.s32 $0x5000;
	[sflag:s30] =	ssyncadd.s32 $0xFFFFE0C0  }
0x4b: {  	[spmem:s2] =	stream.indirect.scatter.add.f32 [tilespmem:s22], [sflag:$0x1], $0x40, s18, s21, $0xb8;
	[tilespmem:$0x1DD00] =	vst v63  }
0x4c: {  	_ =	swait.ge [sflag:s31], $0x1F40  }
0x4d: {  	[sflag:s31] =	ssyncset.done $0x0  }
0x4e: {  	s18 =	simm.s32 $0x5080;
	[sflag:s31] =	ssyncadd.s32 $0xFFFFE0C0  }
0x4f: {  	[spmem:s2] =	stream.indirect.scatter.add.f32 [tilespmem:s24], [sflag:$0x2], $0x40, s18, s21, $0xb8;
	[tilespmem:$0x1DD00] =	vst v63  }
0x50: {  	_ =	swait.ge [sflag:s0], $0x1F40  }
0x51: {  	[sflag:s0] =	ssyncset.done $0x0  }
0x52: {  	s18 =	simm.s32 $0x5100;
	[sflag:s0] =	ssyncadd.s32 $0xFFFFE0C0  }
0x53: {  	[spmem:s2] =	stream.indirect.scatter.add.f32 [tilespmem:s26], [sflag:$0x3], $0x40, s18, s21, $0xb8;
	[tilespmem:$0x1DD00] =	vst v63  }
0x54: {  	_ =	swait.ge [sflag:s17], $0x1F40  }
0x55: {  	[sflag:s17] =	ssyncset.done $0x0  }
0x56: {  	s18 =	simm.s32 $0x5180;
	[sflag:s17] =	ssyncadd.s32 $0xFFFFE0C0  }
0x57: {  	[spmem:s2] =	stream.indirect.scatter.add.f32 [tilespmem:s29], [sflag:$0x4], $0x40, s18, s21, $0xb8;
	[tilespmem:$0x1DD00] =	vst v63  }
0x58: {  	_ =	swait.ge [sflag:s30], $0x1F40  }
0x59: {  	[sflag:s30] =	ssyncset.done $0x0  }
0x5a: {  	s18 =	simm.s32 $0x200;
	[sflag:s30] =	ssyncadd.s32 $0xFFFFE0C0  }
0x5b: {  	[tilespmem:s22], [sflag:$0x1] =	stream.indirect.gather [hbm4b:s13+s21], $0x40, s18, s21, $0xb8;
	[tilespmem:$0x1DD00] =	vst v63  }
0x5c: {  	_ =	swait.ge [sflag:s31], $0x1F40  }
0x5d: {  	[sflag:s31] =	ssyncset.done $0x0  }
0x5e: {  	s18 =	simm.s32 $0x280;
	[sflag:s31] =	ssyncadd.s32 $0xFFFFE0C0  }
0x5f: {  	[tilespmem:s24], [sflag:$0x2] =	stream.indirect.gather [hbm4b:s13+s21], $0x40, s18, s21, $0xb8;
	[tilespmem:$0x1DD00] =	vst v63  }
0x60: {  	_ =	swait.ge [sflag:s0], $0x1F40  }
0x61: {  	[sflag:s0] =	ssyncset.done $0x0  }
0x62: {  	s18 =	simm.s32 $0x300;
	[sflag:s0] =	ssyncadd.s32 $0xFFFFE0C0  }
0x63: {  	[tilespmem:s26], [sflag:$0x3] =	stream.indirect.gather [hbm4b:s13+s21], $0x40, s18, s21, $0xb8;
	[tilespmem:$0x1DD00] =	vst v63  }
0x64: {  	_ =	swait.ge [sflag:s17], $0x1F40  }
0x65: {  	[sflag:s17] =	ssyncset.done $0x0  }
0x66: {  	s28 =	simm.s32 $0x800;
	s18 =	simm.s32 $0x380;
	[sflag:s17] =	ssyncadd.s32 $0xFFFFE0C0  }
.LBB2_4:
0x67: {  	[tilespmem:s29], [sflag:$0x4] =	stream.indirect.gather [hbm4b:s13+s21], $0x40, s18, s21, $0xb8;
	[tilespmem:$0x1DD00] =	vst v63  }
0x68: {  	s1 =	smov.u32 s28  }
0x69: {  	p0 =	sne.s32 s28, $0x13000;
	s28 =	sadd.s32 $0x800, s28;
	_ =	swait.ge [sflag:s30], $0x1F40  }
0x6a: {  	s18 =	sshra.s32 s1, $0x2;
	[sflag:s30] =	ssyncset.done $0x0  }
0x6b: {  	s1 =	sadd.s32 $0x5000, s18;
	[sflag:s30] =	ssyncadd.s32 $0xFFFFE0C0  }
0x6c: {  	[spmem:s2] =	stream.indirect.scatter.add.f32 [tilespmem:s22], [sflag:$0x1], $0x40, s1, s21, $0xb8;
	[tilespmem:$0x1DD00] =	vst v63  }
0x6d: {  	_ =	swait.ge [sflag:s31], $0x1F40  }
0x6e: {  	[sflag:s31] =	ssyncset.done $0x0  }
0x6f: {  	s1 =	sadd.s32 $0x5080, s18;
	[sflag:s31] =	ssyncadd.s32 $0xFFFFE0C0  }
0x70: {  	[spmem:s2] =	stream.indirect.scatter.add.f32 [tilespmem:s24], [sflag:$0x2], $0x40, s1, s21, $0xb8;
	[tilespmem:$0x1DD00] =	vst v63  }
0x71: {  	_ =	swait.ge [sflag:s0], $0x1F40  }
0x72: {  	[sflag:s0] =	ssyncset.done $0x0  }
0x73: {  	s1 =	sadd.s32 $0x5100, s18;
	[sflag:s0] =	ssyncadd.s32 $0xFFFFE0C0  }
0x74: {  	[spmem:s2] =	stream.indirect.scatter.add.f32 [tilespmem:s26], [sflag:$0x3], $0x40, s1, s21, $0xb8;
	[tilespmem:$0x1DD00] =	vst v63  }
0x75: {  	_ =	swait.ge [sflag:s17], $0x1F40  }
0x76: {  	[sflag:s17] =	ssyncset.done $0x0  }
0x77: {  	s1 =	sadd.s32 $0x5180, s18;
	[sflag:s17] =	ssyncadd.s32 $0xFFFFE0C0  }
0x78: {  	[spmem:s2] =	stream.indirect.scatter.add.f32 [tilespmem:s29], [sflag:$0x4], $0x40, s1, s21, $0xb8;
	[tilespmem:$0x1DD00] =	vst v63  }
0x79: {  	_ =	swait.ge [sflag:s30], $0x1F40  }
0x7a: {  	[sflag:s30] =	ssyncset.done $0x0  }
0x7b: {  	s1 =	sadd.s32 $0x200, s18;
	[sflag:s30] =	ssyncadd.s32 $0xFFFFE0C0  }
0x7c: {  	[tilespmem:s22], [sflag:$0x1] =	stream.indirect.gather [hbm4b:s13+s21], $0x40, s1, s21, $0xb8;
	[tilespmem:$0x1DD00] =	vst v63  }
0x7d: {  	_ =	swait.ge [sflag:s31], $0x1F40  }
0x7e: {  	[sflag:s31] =	ssyncset.done $0x0  }
0x7f: {  	s1 =	sadd.s32 $0x280, s18;
	[sflag:s31] =	ssyncadd.s32 $0xFFFFE0C0  }
0x80: {  	[tilespmem:s24], [sflag:$0x2] =	stream.indirect.gather [hbm4b:s13+s21], $0x40, s1, s21, $0xb8;
	[tilespmem:$0x1DD00] =	vst v63  }
0x81: {  	_ =	swait.ge [sflag:s0], $0x1F40  }
0x82: {  	[sflag:s0] =	ssyncset.done $0x0  }
.Ltmp1:
0x83: {  	s1 =	sadd.s32 $0x300, s18;
	[sflag:s0] =	ssyncadd.s32 $0xFFFFE0C0;
	(pc) =	sbr.rel @p0 .LBB2_4-.Ltmp1, $4  }
0x84: {  	[tilespmem:s26], [sflag:$0x3] =	stream.indirect.gather [hbm4b:s13+s21], $0x40, s1, s21, $0xb8;
	[tilespmem:$0x1DD00] =	vst v63  }
0x85: {  	_ =	swait.ge [sflag:s17], $0x1F40  }
0x86: {  	[sflag:s17] =	ssyncset.done $0x0  }
0x87: {  	s18 =	sadd.s32 $0x380, s18;
	[sflag:s17] =	ssyncadd.s32 $0xFFFFE0C0  }
0x88: {  	[tilespmem:s29], [sflag:$0x4] =	stream.indirect.gather [hbm4b:s13+s21], $0x40, s18, s21, $0xb8;
	[tilespmem:$0x1DD00] =	vst v63  }
0x89: {  	_ =	swait.ge [sflag:s30], $0x1F40  }
0x8a: {  	[sflag:s30] =	ssyncset.done $0x0  }
0x8b: {  	s1 =	simm.s32 $0x9E00;
	[sflag:s30] =	ssyncadd.s32 $0xFFFFE0C0  }
0x8c: {  	[spmem:s2] =	stream.indirect.scatter.add.f32 [tilespmem:s22], [sflag:$0x1], $0x40, s1, s21, $0xb8;
	[tilespmem:$0x1DD00] =	vst v63  }
0x8d: {  	_ =	swait.ge [sflag:s31], $0x1F40  }
0x8e: {  	[sflag:s31] =	ssyncset.done $0x0  }
0x8f: {  	s28 =	simm.s32 $0x9E80;
	[sflag:s31] =	ssyncadd.s32 $0xFFFFE0C0  }
0x90: {  	[spmem:s2] =	stream.indirect.scatter.add.f32 [tilespmem:s24], [sflag:$0x2], $0x40, s28, s21, $0xb8;
	[tilespmem:$0x1DD00] =	vst v63  }
0x91: {  	_ =	swait.ge [sflag:s0], $0x1F40  }
0x92: {  	[sflag:s0] =	ssyncset.done $0x0  }
0x93: {  	[sflag:s0] =	ssyncadd.s32 $0xFFFFE0C0  }
0x94: {  	[spmem:s2] =	stream.indirect.scatter.add.f32 [tilespmem:s26], [sflag:$0x3], $0x40, s19, s21, $0xb8;
	[tilespmem:$0x1DD00] =	vst v63  }
0x95: {  	_ =	swait.ge [sflag:s17], $0x1F40  }
0x96: {  	[sflag:s17] =	ssyncset.done $0x0  }
0x97: {  	[sflag:s17] =	ssyncadd.s32 $0xFFFFE0C0  }
0x98: {  	[spmem:s2] =	stream.indirect.scatter.add.f32 [tilespmem:s29], [sflag:$0x4], $0x40, s23, s21, $0xb8;
	[tilespmem:$0x1DD00] =	vst v63  }
0x99: {  	_ =	swait.ge [sflag:s30], $0x1F40  }
0x9a: {  	[sflag:s30] =	ssyncset.done $0x0  }
0x9b: {  	[sflag:s30] =	ssyncadd.s32 $0xFFFFE0C0  }
0x9c: {  	_ =	swait.ge [sflag:s31], $0x1F40  }
0x9d: {  	[sflag:s31] =	ssyncset.done $0x0  }
0x9e: {  	[sflag:s31] =	ssyncadd.s32 $0xFFFFE0C0  }
0x9f: {  	_ =	swait.ge [sflag:s0], $0x1F40  }
0xa0: {  	[sflag:s0] =	ssyncset.done $0x0  }
0xa1: {  	[sflag:s0] =	ssyncadd.s32 $0xFFFFE0C0  }
0xa2: {  	s18 =	stileid.u32;
	_ =	swait.ge [sflag:s17], $0x1F40  }
0xa3: {  	s25 =	sadd.s32 $0x1, s25;
	s1 =	sshll.u32 s18, $0x6;
	[sflag:s17] =	ssyncset.done $0x0  }
0xa4: {  	p0 =	sne.s32 s25, s15;
	s1 =	sor.u32 $0x1C05, s1;
	[sflag:s17] =	ssyncadd.s32 $0xFFFFE0C0  }
.Ltmp2:
0xa5: {  	s28 =	sshrl.u32 s8, $0x3;
	[bflag:$0x0] =	sbarrier.arrive $0xFFFF;
	(pc) =	sbr.rel @p0 .LBB2_1-.Ltmp2, $4  }
0xa6: {  	[hbm:s14], [sflag:s1] =	dma.local [spmem:s28], $0x1400  }
0xa7: {  	_ =	swait.ge [sflag:s16], $0x1400  }
0xa8: {  	[sflag:s16] =	ssyncset.done $0x0  }
0xa9: {  	[sflag:s16] =	ssyncadd.s32 $0xFFFFEC00  }
0xaa: {  	_ =	sfence.sel $0x180000  }
0xab: {  	[bflag:$0x0] =	sbarrier.arrive $0xFFFF  }
0xac: {  	_ =	strace $0x9000004A  }
0xad: {  	s0 =	stileid.u32;
	[bflag:$0x2] =	sbarrier.arrive $0xFFFF  }
0xae: {  	p0 =	sne.s32 s0, $0x0;
	s0 =	rddreg [dreg:$0x2]  }
0xaf: {  	s0 =	sadd.s32 @!p0 $0x100000, s0  }
0xb0: {  	[sflag:s0] =	ssyncadd.tile.s32 @!p0 $0x1;
	_ =	shalt  }
.Lfunc_end2:
_tile_overlayer_lowered:
.L_overlay_start_2:
0xb1: {  	(tag) =	ssettag $0x2  }
0xb2: {  	s0 =	rddreg [dreg:$0x0];
	s2 =	stileid.u32  }
0xb3: {  	s1 =	rddreg [dreg:$0x1];
	p0 =	sne.s32 s2, $0x0  }
0xb4: {  	s3 =	rddreg [dreg:$0x2];
	[bflag:$0x3] =	sbarrier.arrive $0xFFFF;
	s2 =	simm.s32 @!p0 $0x1C05  }
0xb5: {  	[timem:s3], [sflag:s2] =	dma.local @!p0 [hbm:s0], s1  }
0xb6: {  	s0 =	simm.s32 @!p0 $0x5  }
0xb7: {  	_ =	swait.ge @!p0 [sflag:s0], s1  }
0xb8: {  	s1 =	ssub.s32 @!p0 $0x0, s1;
	[sflag:s0] =	ssyncset.done @!p0 $0x0  }
0xb9: {  	[sflag:s0] =	ssyncadd.s32 @!p0 s1  }
0xba: {  	[bflag:$0x3] =	sbarrier.arrive $0xFFFF  }
0xbb: {  	_ =	shalt  }

// kernel: kernel.14.cloned.1.call-start
scs
__scs_entry_jumppad:
0x0: {  	(pc) =	sbr.rel $0x88, $3  }
0x1: {  	(tag) =	ssettag $0x0;
	lr =	simm.s32 $0x1  }
0x2: {  	[smem:$0x3F9B] =	sst lr;
	_ =	strace $0xD0000000  }
0x3: {  	_ = 	snop  }
0x4: {  	_ = 	snop  }
0x5: {  	_ = 	snop  }
0x6: {  	_ = 	snop  }
0x7: {  	_ = 	snop  }
__scs_overlays_trampoline_lowered:
0x8: {  	[smem:$0x3FAA] =	sst s0  }
0x9: {  	[smem:$0x3FAB] =	sst s1  }
0xa: {  	[smem:$0x3FAC] =	sst s2  }
0xb: {  	[smem:$0x3FAD] =	sst s3  }
0xc: {  	[smem:$0x3FAE] =	sst s4  }
0xd: {  	[smem:$0x3FAF] =	sst s5  }
0xe: {  	[smem:$0x3FB0] =	sst s6  }
0xf: {  	[smem:$0x3FB1] =	sst s7  }
0x10: {  	[smem:$0x3FB2] =	sst s8  }
0x11: {  	[smem:$0x3FB3] =	sst s9;
	s0 =	simm.s32 @!p0 $0x0  }
0x12: {  	s1 =	sld [smem:$0x3F99];
	s0 =	simm.s32 @p0 $0x1  }
0x13: {  	[smem:$0x3FB4] =	sst s0;
	s0 =	simm.s32 @!p1 $0x0  }
0x14: {  	s2 =	sld [smem:$0x3F98];
	s0 =	simm.s32 @p1 $0x1  }
0x15: {  	[smem:$0x3FB5] =	sst s0;
	s0 =	simm.s32 @!p2 $0x0  }
0x16: {  	s3 =	sld [smem:$0x3FDB];
	s0 =	simm.s32 @p2 $0x1  }
0x17: {  	s4 =	simm.s32 $0x1BF5;
	[smem:$0x3FB7] =	sst s0  }
0x18: {  	s0 =	sld [smem:$0x3F9A];
	_ =	swait.ge [sflag:s4], $0x0  }
0x19: {  	s7 =	sld [smem:$0x3F9B]  }
0x1a: {  	s8 =	sadd.s32 $0xFFFFE003, lr  }
0x1b: {  	s9 =	sadd.s32 $0xFFFFFEF7, lr;
	s5 =	simm.s32 $0xFFFFFFFF;
	p2 =	slt.u32 s8, $0xFFFFF086  }
0x1c: {  	p1 =	slt.u32 s9, $0xF7A;
	s5 =	simm.s32 @!p2 $0x0  }
0x1d: {  	s5 =	simm.s32 @p1 $0x1;
	p0 =	seq.s32 s7, s2  }
0x1e: {  	s7 =	smul.u32 @!p0 $0xF7A, s2;
	p2 =	seq.s32 @!p0 s5, $0x0  }
0x1f: {  	s9 =	smul.u32 $0xF7A, s1;
	s8 =	simm.s32 @!p0 $0x1BF5;
	p2 =	por !p2, p0  }
0x20: {  	[sflag:s8] =	ssyncset.s32 @!p0 $0xFFFFF086;
	s6 =	sadd.s32 @!p0 s3, s7;
	s7 =	simm.s32 @!p0 $0x108  }
0x21: {  	s3 =	sadd.s32 s3, s9;
	s6 =	sadd.s32 @!p0 $0x88, s6;
	s7 =	simm.s32 @p2 $0x1082  }
0x22: {  	[simem:s7], [sflag:s8] =	dma.local @!p0 [hbm:s6], $0xF7A  }
0x23: {  	s9 =	sor.u32 $0xD0000000, s2;
	s6 =	simm.s32 $0x108;
	_ =	swait.ge @!p0 [sflag:s8], $0x0  }
0x24: {  	s3 =	sadd.s32 $0x88, s3;
	s6 =	simm.s32 @!p1 $0x1082;
	[sflag:s4] =	ssyncset.s32 $0xFFFFF086  }
0x25: {  	[simem:s6], [sflag:s4] =	dma.local [hbm:s3], $0xF7A  }
0x26: {  	[smem:$0x3F9B] =	sst s1;
	(tag) =	ssettag s2;
	_ =	strace s9  }
0x27: {  	s1 =	sld [smem:$0x3FAB]  }
0x28: {  	s2 =	sld [smem:$0x3FAC]  }
0x29: {  	s4 =	sld [smem:$0x3FAE]  }
0x2a: {  	p0 =	seq.s32 s5, $0x0;
	s5 =	sld [smem:$0x3FAF]  }
0x2b: {  	s6 =	sld [smem:$0x3FB0]  }
0x2c: {  	s7 =	sld [smem:$0x3FB1]  }
0x2d: {  	s3 =	simm.s32 $0x108;
	s8 =	sld [smem:$0x3FB2]  }
0x2e: {  	s3 =	simm.s32 @!p0 $0x1082;
	s9 =	sld [smem:$0x3FB3]  }
0x2f: {  	lr =	sadd.s32 s0, s3;
	s0 =	sld [smem:$0x3FAA]  }
0x30: {  	s3 =	sld [smem:$0x3FAD]  }
0x31: {  	[smem:$0x3FB6] =	sst s10  }
0x32: {  	s10 =	sld [smem:$0x3FB4];
	_ =	sdelay $0x3  }
0x33: {  	p0 =	seq.s32 s10, $0x1;
	s10 =	sld [smem:$0x3FB6];
	_ =	sdelay $0x3  }
0x34: {  	[smem:$0x3FB6] =	sst s10  }
0x35: {  	s10 =	sld [smem:$0x3FB5];
	_ =	sdelay $0x3  }
0x36: {  	p1 =	seq.s32 s10, $0x1;
	s10 =	sld [smem:$0x3FB6];
	_ =	sdelay $0x3  }
0x37: {  	[smem:$0x3FB6] =	sst s10  }
0x38: {  	s10 =	sld [smem:$0x3FB7]  }
0x39: {  	_ = 	snop;
	(pc) =	sbr.ind lr, $3  }
0x3a: {  	_ = 	snop  }
0x3b: {  	_ = 	snop  }
0x3c: {  	p2 =	seq.s32 s10, $0x1;
	s10 =	sld [smem:$0x3FB6]  }
0x3d: {  	_ =	shalt  }
0x3e: {  	_ =	shalt  }
0x3f: {  	_ =	shalt  }
0x40: {  	_ =	shalt  }
0x41: {  	_ =	shalt  }
0x42: {  	_ =	shalt  }
0x43: {  	_ =	shalt  }
0x44: {  	_ =	shalt  }
0x45: {  	_ =	shalt  }
0x46: {  	_ =	shalt  }
0x47: {  	_ =	shalt  }
0x48: {  	_ =	shalt  }
0x49: {  	_ =	shalt  }
0x4a: {  	_ =	shalt  }
0x4b: {  	_ =	shalt  }
0x4c: {  	_ =	shalt  }
0x4d: {  	_ =	shalt  }
0x4e: {  	_ =	shalt  }
0x4f: {  	_ =	shalt  }
0x50: {  	_ =	shalt  }
0x51: {  	_ =	shalt  }
0x52: {  	_ =	shalt  }
0x53: {  	_ =	shalt  }
0x54: {  	_ =	shalt  }
0x55: {  	_ =	shalt  }
0x56: {  	_ =	shalt  }
0x57: {  	_ =	shalt  }
0x58: {  	_ =	shalt  }
0x59: {  	_ =	shalt  }
0x5a: {  	_ =	shalt  }
0x5b: {  	_ =	shalt  }
0x5c: {  	_ =	shalt  }
0x5d: {  	_ =	shalt  }
0x5e: {  	_ =	shalt  }
0x5f: {  	_ =	shalt  }
0x60: {  	_ =	shalt  }
0x61: {  	_ =	shalt  }
0x62: {  	_ =	shalt  }
0x63: {  	_ =	shalt  }
0x64: {  	_ =	shalt  }
0x65: {  	_ =	shalt  }
0x66: {  	_ =	shalt  }
0x67: {  	_ =	shalt  }
0x68: {  	_ =	shalt  }
0x69: {  	_ =	shalt  }
0x6a: {  	_ =	shalt  }
0x6b: {  	_ =	shalt  }
0x6c: {  	_ =	shalt  }
0x6d: {  	_ =	shalt  }
0x6e: {  	_ =	shalt  }
0x6f: {  	_ =	shalt  }
0x70: {  	_ =	shalt  }
0x71: {  	_ =	shalt  }
0x72: {  	_ =	shalt  }
0x73: {  	_ =	shalt  }
0x74: {  	_ =	shalt  }
0x75: {  	_ =	shalt  }
0x76: {  	_ =	shalt  }
0x77: {  	_ =	shalt  }
0x78: {  	_ =	shalt  }
0x79: {  	_ =	shalt  }
0x7a: {  	_ =	shalt  }
0x7b: {  	_ =	shalt  }
0x7c: {  	_ =	shalt  }
0x7d: {  	_ =	shalt  }
0x7e: {  	_ =	shalt  }
0x7f: {  	_ =	shalt  }
0x80: {  	_ =	shalt  }
0x81: {  	_ =	shalt  }
0x82: {  	_ =	shalt  }
0x83: {  	_ =	shalt  }
0x84: {  	_ =	shalt  }
0x85: {  	_ =	shalt  }
0x86: {  	_ =	shalt  }
0x87: {  	_ =	shalt  }
.Lfunc_end0:
.L_simem_size_0:
called_computation.2_lowered:
.L_overlay_start_0:
0x88: {  	s2 =	sld [smem:$0x3FD9]  }
0x89: {  	s3 =	sld [smem:$0x3FFE];
	_ =	sdelay $0x1  }
0x8a: {  	s1 =	srdreg.scid  }
0x8b: {  	s0 =	sand.u32 $0x1, s1  }
0x8c: {  	s17 =	sshll.u32 s0, $0xA;
	s2 =	sadd.s32 s3, s2  }
0x8d: {  	s2 =	sadd.s32 s2, s17  }
0x8e: {  	[smem:$0x3FC2] =	sst s2  }
0x8f: {  	_ = 	snop  }
0x90: {  	s2 =	sld [smem:$0x3FD0];
	(tm) =	ssettm $0x1  }
0x91: {  	s18 =	sld [smem:$0x3FFB];
	_ =	sdelay $0x3  }
0x92: {  	_ =	strace s18  }
0x93: {  	s3 =	sld [smem:$0x3FFC];
	_ =	sdelay $0x3  }
0x94: {  	_ =	strace s3  }
0x95: {  	s3 =	sld [smem:$0x3FFD];
	_ =	sdelay $0x3  }
0x96: {  	_ =	strace s3  }
0x97: {  	_ =	strace $0x8FFFFFFF  }
0x98: {  	s19 =	sld [smem:$0x3FDB];
	_ =	sdelay $0x1  }
0x99: {  	s4 =	simm.s32 $_scs_section_size  }
0x9a: {  	s5 =	simm.s32 $_size__tile_overlayer_lowered;
	s6 =	simm.s32 $_tile_overlayer_lowered  }
0x9b: {  	s22 =	simm.s32 $0x1BFF;
	s21 =	sshll.u32 s6, $0x1;
	s3 =	sadd.s32 s4, s19  }
0x9c: {  	s7 =	simm.s32 $0x0;
	s20 =	sshll.u32 s5, $0x1;
	s5 =	sadd.s32 s21, s3  }
0x9d: {  	[timem:s7], [sflag:s22] =	dma.local [hbm:s5], s20  }
0x9e: {  	_ =	swait.ge [sflag:s22], s20  }
0x9f: {  	s4 =	ssub.s32 $0x0, s20;
	[sflag:s22] =	ssyncset.done $0x0  }
0xa0: {  	[sflag:s22] =	ssyncadd.s32 s4;
	_ =	sdelay $0x1  }
0xa1: {  	s23 =	simm.s32 $0x1B8B  }
0xa2: {  	_ =	swait.ge [sflag:s23], $0x1  }
0xa3: {  	[sflag:s23] =	ssyncset.done $0x0  }
0xa4: {  	s25 =	simm.s32 $0x1B8E;
	s24 =	sld [smem:$0x3FFE];
	[sflag:s23] =	ssyncadd.s32 $0xFFFFFFFF  }
0xa5: {  	s26 =	simm.s32 $execute0_lowered;
	[smem:$0x3FD2] =	sst s25  }
0xa6: {  	s5 =	sshll.u32 s26, $0x1;
	_ =	strace $0x8000004C;
	[dreg:$0x1] =	wrdreg $0xFFFFFFFF  }
0xa7: {  	s28 =	simm.s32 $_size_execute0_lowered;
	s3 =	sadd.s32 s3, s5;
	[dreg:$0x0] =	wrdreg $0x0  }
0xa8: {  	s5 =	sshll.u32 s28, $0x1;
	[dreg:$0x2] =	wrdreg s3  }
0xa9: {  	[dreg:$0x3] =	wrdreg s5  }
0xaa: {  	[dreg:$0x4] =	wrdreg $0xC0  }
0xab: {  	_ =	task [dreg:s7], $0x5FFFF  }
0xac: {  	[dreg:$0x1] =	wrdreg $0xFFFFFFFF  }
0xad: {  	[dreg:$0x0] =	wrdreg $0x60  }
0xae: {  	[dreg:$0x2] =	wrdreg s2  }
0xaf: {  	[dreg:$0x3] =	wrdreg s24  }
0xb0: {  	[dreg:$0x4] =	wrdreg $0x96800  }
0xb1: {  	[dreg:$0x5] =	wrdreg $0x9  }
0xb2: {  	_ =	task.clear_ibuf [dreg:s7], $0x6FFFF;
	_ =	strace $0x9000004C  }
0xb3: {  	s29 =	simm.s32 $0x9;
	_ =	strace $0x8000004E  }
0xb4: {  	_ =	swait.ge [sflag:s29], $0x1  }
0xb5: {  	[sflag:s29] =	ssyncadd.s32 $0xFFFFFFFF  }
0xb6: {  	_ =	strace $0x9000004E  }
0xb7: {  	_ =	sfence  }
0xb8: {  	s30 =	sld [smem:$0x0];
	_ =	sdelay $0x2  }
0xb9: {  	s31 =	sshll.u32 s1, $0xD;
	s1 =	sshrl.u32 s1, $0x2  }
0xba: {  	s3 =	sand.u32 $0x4000, s31;
	s1 =	sadd.s32 s1, s30  }
0xbb: {  	s0 =	sor.u32 s3, s0;
	s1 =	sshll.u32 s1, $0x11  }
0xbc: {  	s0 =	sor.u32 s1, s0  }
0xbd: {  	s0 =	sadd.s32 $0x8F2B, s0  }
0xbe: {  	[sflag:s0] =	ssyncadd.remote.s32 $0x1  }
0xbf: {  	_ =	sfence.sel $0xFFFF  }
0xc0: {  	[dreg:$0x0] =	wrdreg $0xFFFFFFFF;
	(pc) =	sbr.abs _section_cstart, $3  }
0xc1: {  	[dreg:$0x1] =	wrdreg $0xFFFFFFFF  }
0xc2: {  	_ =	task.clear_ibuf [dreg:s7], $0x2FFFF;
	_ =	strace $0x9FFFFFFF  }
0xc3: {  	(tm) =	ssettm $0x7FFFFFFF  }
tec
execute0_lowered:
.L_overlay_start_1:
0x0: {  	(tag) =	ssettag $0x1  }
0x1: {  	s2 =	rddreg [dreg:$0x0]  }
0x2: {  	s0 =	rddreg [dreg:$0x1]  }
0x3: {  	s3 =	rddreg [dreg:$0x2]  }
0x4: {  	s1 =	srdreg.scid;
	s7 =	stileid.u32  }
0x5: {  	s8 =	simm.s32 $0x0;
	s14 =	simm.s32 $0x9;
	s16 =	simm.s32 $0x8E80  }
0x6: {  	s17 =	simm.s32 $0x7D;
	s18 =	simm.s32 $0x5000;
	s20 =	simm.s32 $0x57D0  }
0x7: {  	s29 =	simm.s32 $0x7710;
	s31 =	simm.s32 $0x7EE0;
	s15 =	simm.s32 $0x86B0  }
0x8: {  	s19 =	simm.s32 $0x1;
	s21 =	simm.s32 $0x2;
	s28 =	simm.s32 $0x5  }
0x9: {  	s30 =	simm.s32 $0x7;
	s1 =	sand.u32 $0x1, s1;
	s4 =	smul.u32 $0x2800, s7  }
0xa: {  	s5 =	sshll.u32 s7, $0x1;
	[smem:$0x7FF] =	sst s8;
	s7 =	smul.u32 $0xA000, s7  }
0xb: {  	s6 =	smul.u32 $0x28000, s1;
	s5 =	sor.u32 s1, s5;
	s1 =	ssub.s32 $0x2, s1  }
0xc: {  	_ =	strace $0x8000004D;
	s5 =	smul.u32 $0x500, s5;
	s22 =	sshrl.u32 s1, $0x1  }
0xd: {  	s24 =	sshrl.u32 s7, $0x2;
	s7 =	sadd.s32 s4, s3;
	s6 =	sadd.s32 s4, s6  }
0xe: {  	s1 =	ssub.s32 s1, s22;
	s25 =	sadd.s32 s24, s3;
	s22 =	simm.s32 $0x5FA0  }
0xf: {  	s24 =	simm.s32 $0x6770;
	s4 =	simm.s32 $0x0;
	s6 =	sshrl.u32 s6, $0x3  }
0x10: {  	s5 =	sadd.s32 s5, s0;
	s26 =	sadd.s32 $0x800, s25;
	s9 =	sadd.s32 $0x1000, s25  }
0x11: {  	s10 =	sadd.s32 $0x1800, s25;
	s11 =	sadd.s32 $0x2000, s25;
	s13 =	smax.u32 s1, $0x1  }
0x12: {  	s25 =	simm.s32 $0x4;
	s23 =	sadd.s32 $0x16A00, s5;
	[dreg:$0x6] =	wrdreg s26  }
0x13: {  	s1 =	simm.s32 $0x6;
	s5 =	sadd.s32 $0x2A00, s5;
	[dreg:$0x4] =	wrdreg s23  }
0x14: {  	s0 =	sadd.s32 s6, s0;
	s26 =	simm.s32 $0x6F40;
	[dreg:$0x5] =	wrdreg s5  }
0x15: {  	v0 =	vimm.f32 $0.0e+00;
	s12 =	sadd.s32 $0xCA00, s0;
	s23 =	simm.s32 $0x3;
	s0 =	simm.s32 $0x8  }
.LBB2_1:
0x16: {  	s5 =	simm.s32 $0x0;
	s6 =	rddreg [dreg:$0x4]  }
0x17: {  	[tilespmem:s5], [sflag:$0x9] =	stream.linear.gather [hbm4b:s6+s5], $0x2800, $0x38;
	[tilespmem:$0xBE80] =	vst v63  }
0x18: {  	_ =	swait.ge [sflag:s14], $0x2800  }
0x19: {  	[sflag:s14] =	ssyncset.done $0x0  }
0x1a: {  	s8 =	simm.s32 $0x2800;
	s6 =	rddreg [dreg:$0x5];
	[sflag:s14] =	ssyncadd.s32 $0xFFFFD800  }
0x1b: {  	[tilespmem:s8], [sflag:$0x9] =	stream.linear.gather [hbm4b:s6+s5], $0x2800, $0x38;
	[tilespmem:$0xBE80] =	vst v63  }
0x1c: {  	_ =	swait.ge [sflag:s14], $0x2800  }
0x1d: {  	[sflag:s14] =	ssyncset.done $0x0  }
0x1e: {  	s5 =	simm.s32 $0x40;
	s6 =	simm.s32 $0x0;
	[sflag:s14] =	ssyncadd.s32 $0xFFFFD800  }
.LBB2_2:
0x1f: {  	p0 =	sne.s32 s5, $0x1FC0;
	[tilespmem:s6+$0x8E80] =	vst v0;
	s6 =	smov.u32 s5;
	s5 =	sadd.s32 $0x40, s5  }
.Ltmp0:
0x20: {  	(pc) =	sbr.rel @p0 .LBB2_2-.Ltmp0, $2  }
0x21: {  	_ =	sdelay $0x2  }
0x22: {  	s6 =	sshra.s32 s6, $0x2  }
0x23: {  	[tilespmem:s6+$0x8E80] =	vst v0  }
0x24: {  	[spmem:s7] =	stream.linear.scatter [tilespmem:s16], [sflag:$0x9], $0x800, $0x38;
	[tilespmem:$0xBE80] =	vst v63  }
0x25: {  	_ =	swait.ge [sflag:s14], $0x800  }
0x26: {  	[sflag:s14] =	ssyncset.done $0x0  }
0x27: {  	s5 =	rddreg [dreg:$0x6];
	[sflag:s14] =	ssyncadd.s32 $0xFFFFF800  }
0x28: {  	[spmem:s5] =	stream.linear.scatter [tilespmem:s16], [sflag:$0x9], $0x800, $0x38;
	[tilespmem:$0xBE80] =	vst v63  }
0x29: {  	_ =	swait.ge [sflag:s14], $0x800  }
0x2a: {  	[sflag:s14] =	ssyncset.done $0x0  }
0x2b: {  	[sflag:s14] =	ssyncadd.s32 $0xFFFFF800  }
0x2c: {  	[spmem:s9] =	stream.linear.scatter [tilespmem:s16], [sflag:$0x9], $0x800, $0x38;
	[tilespmem:$0xBE80] =	vst v63  }
0x2d: {  	_ =	swait.ge [sflag:s14], $0x800  }
0x2e: {  	[sflag:s14] =	ssyncset.done $0x0  }
0x2f: {  	[sflag:s14] =	ssyncadd.s32 $0xFFFFF800  }
0x30: {  	[spmem:s10] =	stream.linear.scatter [tilespmem:s16], [sflag:$0x9], $0x800, $0x38;
	[tilespmem:$0xBE80] =	vst v63  }
0x31: {  	_ =	swait.ge [sflag:s14], $0x800  }
0x32: {  	[sflag:s14] =	ssyncset.done $0x0  }
0x33: {  	[sflag:s14] =	ssyncadd.s32 $0xFFFFF800  }
0x34: {  	[spmem:s11] =	stream.linear.scatter [tilespmem:s16], [sflag:$0x9], $0x800, $0x38;
	[tilespmem:$0xBE80] =	vst v63  }
0x35: {  	_ =	swait.ge [sflag:s14], $0x800  }
0x36: {  	[sflag:s14] =	ssyncset.done $0x0  }
0x37: {  	[sflag:s14] =	ssyncadd.s32 $0xFFFFF800  }
0x38: {  	s8 =	simm.s32 $0x0;
	[bflag:$0x0] =	sbarrier.arrive $0xFFFF  }
0x39: {  	[tilespmem:s18], [sflag:$0x1] =	stream.indirect.gather [hbm4b:s2+s17], $0x10, s8, s17, $0xb8;
	[tilespmem:$0xBE80] =	vst v63  }
0x3a: {  	s6 =	simm.s32 $0x80  }
0x3b: {  	[tilespmem:s20], [sflag:$0x2] =	stream.indirect.gather [hbm4b:s2+s17], $0x10, s6, s17, $0xb8;
	[tilespmem:$0xBE80] =	vst v63  }
0x3c: {  	s8 =	simm.s32 $0x100  }
0x3d: {  	[tilespmem:s22], [sflag:$0x3] =	stream.indirect.gather [hbm4b:s2+s17], $0x10, s8, s17, $0xb8;
	[tilespmem:$0xBE80] =	vst v63  }
0x3e: {  	s6 =	simm.s32 $0x180  }
0x3f: {  	[tilespmem:s24], [sflag:$0x4] =	stream.indirect.gather [hbm4b:s2+s17], $0x10, s6, s17, $0xb8;
	[tilespmem:$0xBE80] =	vst v63  }
0x40: {  	s8 =	simm.s32 $0x200  }
0x41: {  	[tilespmem:s26], [sflag:$0x5] =	stream.indirect.gather [hbm4b:s2+s17], $0x10, s8, s17, $0xb8;
	[tilespmem:$0xBE80] =	vst v63  }
0x42: {  	s6 =	simm.s32 $0x280  }
0x43: {  	[tilespmem:s29], [sflag:$0x6] =	stream.indirect.gather [hbm4b:s2+s17], $0x10, s6, s17, $0xb8;
	[tilespmem:$0xBE80] =	vst v63  }
0x44: {  	s8 =	simm.s32 $0x300  }
0x45: {  	[tilespmem:s31], [sflag:$0x7] =	stream.indirect.gather [hbm4b:s2+s17], $0x10, s8, s17, $0xb8;
	[tilespmem:$0xBE80] =	vst v63  }
0x46: {  	s6 =	simm.s32 $0x380  }
0x47: {  	[tilespmem:s15], [sflag:$0x8] =	stream.indirect.gather [hbm4b:s2+s17], $0x10, s6, s17, $0xb8;
	[tilespmem:$0xBE80] =	vst v63  }
0x48: {  	_ =	swait.ge [sflag:s19], $0x7D0  }
0x49: {  	[sflag:s19] =	ssyncset.done $0x0  }
0x4a: {  	s8 =	simm.s32 $0x2800;
	[sflag:s19] =	ssyncadd.s32 $0xFFFFF830  }
0x4b: {  	[spmem:s3] =	stream.indirect.scatter.add.f32 [tilespmem:s18], [sflag:$0x1], $0x10, s8, s17, $0xb8;
	[tilespmem:$0xBE80] =	vst v63  }
0x4c: {  	_ =	swait.ge [sflag:s21], $0x7D0  }
0x4d: {  	[sflag:s21] =	ssyncset.done $0x0  }
0x4e: {  	s6 =	simm.s32 $0x2880;
	[sflag:s21] =	ssyncadd.s32 $0xFFFFF830  }
0x4f: {  	[spmem:s3] =	stream.indirect.scatter.add.f32 [tilespmem:s20], [sflag:$0x2], $0x10, s6, s17, $0xb8;
	[tilespmem:$0xBE80] =	vst v63  }
0x50: {  	_ =	swait.ge [sflag:s23], $0x7D0  }
0x51: {  	[sflag:s23] =	ssyncset.done $0x0  }
0x52: {  	s8 =	simm.s32 $0x2900;
	[sflag:s23] =	ssyncadd.s32 $0xFFFFF830  }
0x53: {  	[spmem:s3] =	stream.indirect.scatter.add.f32 [tilespmem:s22], [sflag:$0x3], $0x10, s8, s17, $0xb8;
	[tilespmem:$0xBE80] =	vst v63  }
0x54: {  	_ =	swait.ge [sflag:s25], $0x7D0  }
0x55: {  	[sflag:s25] =	ssyncset.done $0x0  }
0x56: {  	s6 =	simm.s32 $0x2980;
	[sflag:s25] =	ssyncadd.s32 $0xFFFFF830  }
0x57: {  	[spmem:s3] =	stream.indirect.scatter.add.f32 [tilespmem:s24], [sflag:$0x4], $0x10, s6, s17, $0xb8;
	[tilespmem:$0xBE80] =	vst v63  }
0x58: {  	_ =	swait.ge [sflag:s28], $0x7D0  }
0x59: {  	[sflag:s28] =	ssyncset.done $0x0  }
0x5a: {  	s8 =	simm.s32 $0x2A00;
	[sflag:s28] =	ssyncadd.s32 $0xFFFFF830  }
0x5b: {  	[spmem:s3] =	stream.indirect.scatter.add.f32 [tilespmem:s26], [sflag:$0x5], $0x10, s8, s17, $0xb8;
	[tilespmem:$0xBE80] =	vst v63  }
0x5c: {  	_ =	swait.ge [sflag:s1], $0x7D0  }
0x5d: {  	[sflag:s1] =	ssyncset.done $0x0  }
0x5e: {  	s6 =	simm.s32 $0x2A80;
	[sflag:s1] =	ssyncadd.s32 $0xFFFFF830  }
0x5f: {  	[spmem:s3] =	stream.indirect.scatter.add.f32 [tilespmem:s29], [sflag:$0x6], $0x10, s6, s17, $0xb8;
	[tilespmem:$0xBE80] =	vst v63  }
0x60: {  	_ =	swait.ge [sflag:s30], $0x7D0  }
0x61: {  	[sflag:s30] =	ssyncset.done $0x0  }
0x62: {  	s8 =	simm.s32 $0x2B00;
	[sflag:s30] =	ssyncadd.s32 $0xFFFFF830  }
0x63: {  	[spmem:s3] =	stream.indirect.scatter.add.f32 [tilespmem:s31], [sflag:$0x7], $0x10, s8, s17, $0xb8;
	[tilespmem:$0xBE80] =	vst v63  }
0x64: {  	_ =	swait.ge [sflag:s0], $0x7D0  }
0x65: {  	[sflag:s0] =	ssyncset.done $0x0  }
0x66: {  	s6 =	simm.s32 $0x2B80;
	[sflag:s0] =	ssyncadd.s32 $0xFFFFF830  }
0x67: {  	[spmem:s3] =	stream.indirect.scatter.add.f32 [tilespmem:s15], [sflag:$0x8], $0x10, s6, s17, $0xb8;
	[tilespmem:$0xBE80] =	vst v63  }
0x68: {  	_ =	swait.ge [sflag:s19], $0x7D0  }
0x69: {  	[sflag:s19] =	ssyncset.done $0x0  }
0x6a: {  	s8 =	simm.s32 $0x400;
	[sflag:s19] =	ssyncadd.s32 $0xFFFFF830  }
0x6b: {  	[tilespmem:s18], [sflag:$0x1] =	stream.indirect.gather [hbm4b:s2+s17], $0x10, s8, s17, $0xb8;
	[tilespmem:$0xBE80] =	vst v63  }
0x6c: {  	_ =	swait.ge [sflag:s21], $0x7D0  }
0x6d: {  	[sflag:s21] =	ssyncset.done $0x0  }
0x6e: {  	s6 =	simm.s32 $0x480;
	[sflag:s21] =	ssyncadd.s32 $0xFFFFF830  }
0x6f: {  	[tilespmem:s20], [sflag:$0x2] =	stream.indirect.gather [hbm4b:s2+s17], $0x10, s6, s17, $0xb8;
	[tilespmem:$0xBE80] =	vst v63  }
0x70: {  	_ =	swait.ge [sflag:s23], $0x7D0  }
0x71: {  	[sflag:s23] =	ssyncset.done $0x0  }
0x72: {  	s8 =	simm.s32 $0x500;
	[sflag:s23] =	ssyncadd.s32 $0xFFFFF830  }
0x73: {  	[tilespmem:s22], [sflag:$0x3] =	stream.indirect.gather [hbm4b:s2+s17], $0x10, s8, s17, $0xb8;
	[tilespmem:$0xBE80] =	vst v63  }
0x74: {  	_ =	swait.ge [sflag:s25], $0x7D0  }
0x75: {  	[sflag:s25] =	ssyncset.done $0x0  }
0x76: {  	s6 =	simm.s32 $0x580;
	[sflag:s25] =	ssyncadd.s32 $0xFFFFF830  }
0x77: {  	[tilespmem:s24], [sflag:$0x4] =	stream.indirect.gather [hbm4b:s2+s17], $0x10, s6, s17, $0xb8;
	[tilespmem:$0xBE80] =	vst v63  }
0x78: {  	_ =	swait.ge [sflag:s28], $0x7D0  }
0x79: {  	[sflag:s28] =	ssyncset.done $0x0  }
0x7a: {  	s8 =	simm.s32 $0x600;
	[sflag:s28] =	ssyncadd.s32 $0xFFFFF830  }
0x7b: {  	[tilespmem:s26], [sflag:$0x5] =	stream.indirect.gather [hbm4b:s2+s17], $0x10, s8, s17, $0xb8;
	[tilespmem:$0xBE80] =	vst v63  }
0x7c: {  	_ =	swait.ge [sflag:s1], $0x7D0  }
0x7d: {  	[sflag:s1] =	ssyncset.done $0x0  }
0x7e: {  	s6 =	simm.s32 $0x680;
	[sflag:s1] =	ssyncadd.s32 $0xFFFFF830  }
0x7f: {  	[tilespmem:s29], [sflag:$0x6] =	stream.indirect.gather [hbm4b:s2+s17], $0x10, s6, s17, $0xb8;
	[tilespmem:$0xBE80] =	vst v63  }
0x80: {  	_ =	swait.ge [sflag:s30], $0x7D0  }
0x81: {  	[sflag:s30] =	ssyncset.done $0x0  }
0x82: {  	s8 =	simm.s32 $0x700;
	[sflag:s30] =	ssyncadd.s32 $0xFFFFF830  }
0x83: {  	[tilespmem:s31], [sflag:$0x7] =	stream.indirect.gather [hbm4b:s2+s17], $0x10, s8, s17, $0xb8;
	[tilespmem:$0xBE80] =	vst v63  }
0x84: {  	_ =	swait.ge [sflag:s0], $0x7D0  }
0x85: {  	[sflag:s0] =	ssyncset.done $0x0  }
0x86: {  	s5 =	simm.s32 $0x1000;
	s6 =	simm.s32 $0x780;
	[sflag:s0] =	ssyncadd.s32 $0xFFFFF830  }
.LBB2_4:
0x87: {  	[tilespmem:s15], [sflag:$0x8] =	stream.indirect.gather [hbm4b:s2+s17], $0x10, s6, s17, $0xb8;
	[tilespmem:$0xBE80] =	vst v63  }
0x88: {  	s6 =	smov.u32 s5  }
0x89: {  	p0 =	sne.s32 s5, $0x8000;
	s5 =	sadd.s32 $0x1000, s5;
	_ =	swait.ge [sflag:s19], $0x7D0  }
0x8a: {  	s6 =	sshra.s32 s6, $0x2;
	[sflag:s19] =	ssyncset.done $0x0  }
0x8b: {  	s8 =	sadd.s32 $0x2800, s6;
	[sflag:s19] =	ssyncadd.s32 $0xFFFFF830  }
0x8c: {  	[spmem:s3] =	stream.indirect.scatter.add.f32 [tilespmem:s18], [sflag:$0x1], $0x10, s8, s17, $0xb8;
	[tilespmem:$0xBE80] =	vst v63  }
0x8d: {  	_ =	swait.ge [sflag:s21], $0x7D0  }
0x8e: {  	[sflag:s21] =	ssyncset.done $0x0  }
0x8f: {  	s8 =	sadd.s32 $0x2880, s6;
	[sflag:s21] =	ssyncadd.s32 $0xFFFFF830  }
0x90: {  	[spmem:s3] =	stream.indirect.scatter.add.f32 [tilespmem:s20], [sflag:$0x2], $0x10, s8, s17, $0xb8;
	[tilespmem:$0xBE80] =	vst v63  }
0x91: {  	_ =	swait.ge [sflag:s23], $0x7D0  }
0x92: {  	[sflag:s23] =	ssyncset.done $0x0  }
0x93: {  	s8 =	sadd.s32 $0x2900, s6;
	[sflag:s23] =	ssyncadd.s32 $0xFFFFF830  }
0x94: {  	[spmem:s3] =	stream.indirect.scatter.add.f32 [tilespmem:s22], [sflag:$0x3], $0x10, s8, s17, $0xb8;
	[tilespmem:$0xBE80] =	vst v63  }
0x95: {  	_ =	swait.ge [sflag:s25], $0x7D0  }
0x96: {  	[sflag:s25] =	ssyncset.done $0x0  }
0x97: {  	s8 =	sadd.s32 $0x2980, s6;
	[sflag:s25] =	ssyncadd.s32 $0xFFFFF830  }
0x98: {  	[spmem:s3] =	stream.indirect.scatter.add.f32 [tilespmem:s24], [sflag:$0x4], $0x10, s8, s17, $0xb8;
	[tilespmem:$0xBE80] =	vst v63  }
0x99: {  	_ =	swait.ge [sflag:s28], $0x7D0  }
0x9a: {  	[sflag:s28] =	ssyncset.done $0x0  }
0x9b: {  	s8 =	sadd.s32 $0x2A00, s6;
	[sflag:s28] =	ssyncadd.s32 $0xFFFFF830  }
0x9c: {  	[spmem:s3] =	stream.indirect.scatter.add.f32 [tilespmem:s26], [sflag:$0x5], $0x10, s8, s17, $0xb8;
	[tilespmem:$0xBE80] =	vst v63  }
0x9d: {  	_ =	swait.ge [sflag:s1], $0x7D0  }
0x9e: {  	[sflag:s1] =	ssyncset.done $0x0  }
0x9f: {  	s8 =	sadd.s32 $0x2A80, s6;
	[sflag:s1] =	ssyncadd.s32 $0xFFFFF830  }
0xa0: {  	[spmem:s3] =	stream.indirect.scatter.add.f32 [tilespmem:s29], [sflag:$0x6], $0x10, s8, s17, $0xb8;
	[tilespmem:$0xBE80] =	vst v63  }
0xa1: {  	_ =	swait.ge [sflag:s30], $0x7D0  }
0xa2: {  	[sflag:s30] =	ssyncset.done $0x0  }
0xa3: {  	s8 =	sadd.s32 $0x2B00, s6;
	[sflag:s30] =	ssyncadd.s32 $0xFFFFF830  }
0xa4: {  	[spmem:s3] =	stream.indirect.scatter.add.f32 [tilespmem:s31], [sflag:$0x7], $0x10, s8, s17, $0xb8;
	[tilespmem:$0xBE80] =	vst v63  }
0xa5: {  	_ =	swait.ge [sflag:s0], $0x7D0  }
0xa6: {  	[sflag:s0] =	ssyncset.done $0x0  }
0xa7: {  	s8 =	sadd.s32 $0x2B80, s6;
	[sflag:s0] =	ssyncadd.s32 $0xFFFFF830  }
0xa8: {  	[spmem:s3] =	stream.indirect.scatter.add.f32 [tilespmem:s15], [sflag:$0x8], $0x10, s8, s17, $0xb8;
	[tilespmem:$0xBE80] =	vst v63  }
0xa9: {  	_ =	swait.ge [sflag:s19], $0x7D0  }
0xaa: {  	[sflag:s19] =	ssyncset.done $0x0  }
0xab: {  	s8 =	sadd.s32 $0x400, s6;
	[sflag:s19] =	ssyncadd.s32 $0xFFFFF830  }
0xac: {  	[tilespmem:s18], [sflag:$0x1] =	stream.indirect.gather [hbm4b:s2+s17], $0x10, s8, s17, $0xb8;
	[tilespmem:$0xBE80] =	vst v63  }
0xad: {  	_ =	swait.ge [sflag:s21], $0x7D0  }
0xae: {  	[sflag:s21] =	ssyncset.done $0x0  }
0xaf: {  	s8 =	sadd.s32 $0x480, s6;
	[sflag:s21] =	ssyncadd.s32 $0xFFFFF830  }
0xb0: {  	[tilespmem:s20], [sflag:$0x2] =	stream.indirect.gather [hbm4b:s2+s17], $0x10, s8, s17, $0xb8;
	[tilespmem:$0xBE80] =	vst v63  }
0xb1: {  	_ =	swait.ge [sflag:s23], $0x7D0  }
0xb2: {  	[sflag:s23] =	ssyncset.done $0x0  }
0xb3: {  	s8 =	sadd.s32 $0x500, s6;
	[sflag:s23] =	ssyncadd.s32 $0xFFFFF830  }
0xb4: {  	[tilespmem:s22], [sflag:$0x3] =	stream.indirect.gather [hbm4b:s2+s17], $0x10, s8, s17, $0xb8;
	[tilespmem:$0xBE80] =	vst v63  }
0xb5: {  	_ =	swait.ge [sflag:s25], $0x7D0  }
0xb6: {  	[sflag:s25] =	ssyncset.done $0x0  }
0xb7: {  	s8 =	sadd.s32 $0x580, s6;
	[sflag:s25] =	ssyncadd.s32 $0xFFFFF830  }
0xb8: {  	[tilespmem:s24], [sflag:$0x4] =	stream.indirect.gather [hbm4b:s2+s17], $0x10, s8, s17, $0xb8;
	[tilespmem:$0xBE80] =	vst v63  }
0xb9: {  	_ =	swait.ge [sflag:s28], $0x7D0  }
0xba: {  	[sflag:s28] =	ssyncset.done $0x0  }
0xbb: {  	s8 =	sadd.s32 $0x600, s6;
	[sflag:s28] =	ssyncadd.s32 $0xFFFFF830  }
0xbc: {  	[tilespmem:s26], [sflag:$0x5] =	stream.indirect.gather [hbm4b:s2+s17], $0x10, s8, s17, $0xb8;
	[tilespmem:$0xBE80] =	vst v63  }
0xbd: {  	_ =	swait.ge [sflag:s1], $0x7D0  }
0xbe: {  	[sflag:s1] =	ssyncset.done $0x0  }
0xbf: {  	s8 =	sadd.s32 $0x680, s6;
	[sflag:s1] =	ssyncadd.s32 $0xFFFFF830  }
0xc0: {  	[tilespmem:s29], [sflag:$0x6] =	stream.indirect.gather [hbm4b:s2+s17], $0x10, s8, s17, $0xb8;
	[tilespmem:$0xBE80] =	vst v63  }
0xc1: {  	_ =	swait.ge [sflag:s30], $0x7D0  }
0xc2: {  	[sflag:s30] =	ssyncset.done $0x0  }
.Ltmp1:
0xc3: {  	s8 =	sadd.s32 $0x700, s6;
	[sflag:s30] =	ssyncadd.s32 $0xFFFFF830;
	(pc) =	sbr.rel @p0 .LBB2_4-.Ltmp1, $4  }
0xc4: {  	[tilespmem:s31], [sflag:$0x7] =	stream.indirect.gather [hbm4b:s2+s17], $0x10, s8, s17, $0xb8;
	[tilespmem:$0xBE80] =	vst v63  }
0xc5: {  	_ =	swait.ge [sflag:s0], $0x7D0  }
0xc6: {  	[sflag:s0] =	ssyncset.done $0x0  }
0xc7: {  	s6 =	sadd.s32 $0x780, s6;
	[sflag:s0] =	ssyncadd.s32 $0xFFFFF830  }
0xc8: {  	[tilespmem:s15], [sflag:$0x8] =	stream.indirect.gather [hbm4b:s2+s17], $0x10, s6, s17, $0xb8;
	[tilespmem:$0xBE80] =	vst v63  }
0xc9: {  	_ =	swait.ge [sflag:s19], $0x7D0  }
0xca: {  	[sflag:s19] =	ssyncset.done $0x0  }
0xcb: {  	s5 =	simm.s32 $0x4C00;
	[sflag:s19] =	ssyncadd.s32 $0xFFFFF830  }
0xcc: {  	[spmem:s3] =	stream.indirect.scatter.add.f32 [tilespmem:s18], [sflag:$0x1], $0x10, s5, s17, $0xb8;
	[tilespmem:$0xBE80] =	vst v63  }
0xcd: {  	_ =	swait.ge [sflag:s21], $0x7D0  }
0xce: {  	[sflag:s21] =	ssyncset.done $0x0  }
0xcf: {  	s8 =	simm.s32 $0x4C80;
	[sflag:s21] =	ssyncadd.s32 $0xFFFFF830  }
0xd0: {  	[spmem:s3] =	stream.indirect.scatter.add.f32 [tilespmem:s20], [sflag:$0x2], $0x10, s8, s17, $0xb8;
	[tilespmem:$0xBE80] =	vst v63  }
0xd1: {  	_ =	swait.ge [sflag:s23], $0x7D0  }
0xd2: {  	[sflag:s23] =	ssyncset.done $0x0  }
0xd3: {  	s6 =	simm.s32 $0x4D00;
	[sflag:s23] =	ssyncadd.s32 $0xFFFFF830  }
0xd4: {  	[spmem:s3] =	stream.indirect.scatter.add.f32 [tilespmem:s22], [sflag:$0x3], $0x10, s6, s17, $0xb8;
	[tilespmem:$0xBE80] =	vst v63  }
0xd5: {  	_ =	swait.ge [sflag:s25], $0x7D0  }
0xd6: {  	[sflag:s25] =	ssyncset.done $0x0  }
0xd7: {  	s8 =	simm.s32 $0x4D80;
	[sflag:s25] =	ssyncadd.s32 $0xFFFFF830  }
0xd8: {  	[spmem:s3] =	stream.indirect.scatter.add.f32 [tilespmem:s24], [sflag:$0x4], $0x10, s8, s17, $0xb8;
	[tilespmem:$0xBE80] =	vst v63  }
0xd9: {  	_ =	swait.ge [sflag:s28], $0x7D0  }
0xda: {  	[sflag:s28] =	ssyncset.done $0x0  }
0xdb: {  	s6 =	simm.s32 $0x4E00;
	[sflag:s28] =	ssyncadd.s32 $0xFFFFF830  }
0xdc: {  	[spmem:s3] =	stream.indirect.scatter.add.f32 [tilespmem:s26], [sflag:$0x5], $0x10, s6, s17, $0xb8;
	[tilespmem:$0xBE80] =	vst v63  }
0xdd: {  	_ =	swait.ge [sflag:s1], $0x7D0  }
0xde: {  	[sflag:s1] =	ssyncset.done $0x0  }
0xdf: {  	s8 =	simm.s32 $0x4E80;
	[sflag:s1] =	ssyncadd.s32 $0xFFFFF830  }
0xe0: {  	[spmem:s3] =	stream.indirect.scatter.add.f32 [tilespmem:s29], [sflag:$0x6], $0x10, s8, s17, $0xb8;
	[tilespmem:$0xBE80] =	vst v63  }
0xe1: {  	_ =	swait.ge [sflag:s30], $0x7D0  }
0xe2: {  	[sflag:s30] =	ssyncset.done $0x0  }
0xe3: {  	s6 =	simm.s32 $0x4F00;
	[sflag:s30] =	ssyncadd.s32 $0xFFFFF830  }
0xe4: {  	[spmem:s3] =	stream.indirect.scatter.add.f32 [tilespmem:s31], [sflag:$0x7], $0x10, s6, s17, $0xb8;
	[tilespmem:$0xBE80] =	vst v63  }
0xe5: {  	_ =	swait.ge [sflag:s0], $0x7D0  }
0xe6: {  	[sflag:s0] =	ssyncset.done $0x0  }
0xe7: {  	s8 =	simm.s32 $0x4F80;
	[sflag:s0] =	ssyncadd.s32 $0xFFFFF830  }
0xe8: {  	[spmem:s3] =	stream.indirect.scatter.add.f32 [tilespmem:s15], [sflag:$0x8], $0x10, s8, s17, $0xb8;
	[tilespmem:$0xBE80] =	vst v63  }
0xe9: {  	_ =	swait.ge [sflag:s19], $0x7D0  }
0xea: {  	[sflag:s19] =	ssyncset.done $0x0  }
0xeb: {  	[sflag:s19] =	ssyncadd.s32 $0xFFFFF830  }
0xec: {  	_ =	swait.ge [sflag:s21], $0x7D0  }
0xed: {  	[sflag:s21] =	ssyncset.done $0x0  }
0xee: {  	[sflag:s21] =	ssyncadd.s32 $0xFFFFF830  }
0xef: {  	_ =	swait.ge [sflag:s23], $0x7D0  }
0xf0: {  	[sflag:s23] =	ssyncset.done $0x0  }
0xf1: {  	[sflag:s23] =	ssyncadd.s32 $0xFFFFF830  }
0xf2: {  	_ =	swait.ge [sflag:s25], $0x7D0  }
0xf3: {  	[sflag:s25] =	ssyncset.done $0x0  }
0xf4: {  	[sflag:s25] =	ssyncadd.s32 $0xFFFFF830  }
0xf5: {  	_ =	swait.ge [sflag:s28], $0x7D0  }
0xf6: {  	[sflag:s28] =	ssyncset.done $0x0  }
0xf7: {  	[sflag:s28] =	ssyncadd.s32 $0xFFFFF830  }
0xf8: {  	_ =	swait.ge [sflag:s1], $0x7D0  }
0xf9: {  	[sflag:s1] =	ssyncset.done $0x0  }
0xfa: {  	[sflag:s1] =	ssyncadd.s32 $0xFFFFF830  }
0xfb: {  	_ =	swait.ge [sflag:s30], $0x7D0  }
0xfc: {  	[sflag:s30] =	ssyncset.done $0x0  }
0xfd: {  	[sflag:s30] =	ssyncadd.s32 $0xFFFFF830  }
0xfe: {  	s6 =	stileid.u32;
	_ =	swait.ge [sflag:s0], $0x7D0  }
0xff: {  	s4 =	sadd.s32 $0x1, s4;
	s5 =	sshll.u32 s6, $0x6;
	[sflag:s0] =	ssyncset.done $0x0  }
0x100: {  	p0 =	sne.s32 s4, s13;
	s5 =	sor.u32 $0x1C09, s5;
	[sflag:s0] =	ssyncadd.s32 $0xFFFFF830  }
.Ltmp2:
0x101: {  	s8 =	sshrl.u32 s7, $0x3;
	[bflag:$0x0] =	sbarrier.arrive $0xFFFF;
	(pc) =	sbr.rel @p0 .LBB2_1-.Ltmp2, $4  }
0x102: {  	[hbm:s12], [sflag:s5] =	dma.local [spmem:s8], $0x500  }
0x103: {  	_ =	swait.ge [sflag:s14], $0x500  }
0x104: {  	[sflag:s14] =	ssyncset.done $0x0  }
0x105: {  	[sflag:s14] =	ssyncadd.s32 $0xFFFFFB00  }
0x106: {  	_ =	sfence.sel $0x180000  }
0x107: {  	[bflag:$0x0] =	sbarrier.arrive $0xFFFF  }
0x108: {  	_ =	strace $0x9000004D  }
0x109: {  	s0 =	stileid.u32;
	[bflag:$0x2] =	sbarrier.arrive $0xFFFF  }
0x10a: {  	p0 =	sne.s32 s0, $0x0;
	s0 =	rddreg [dreg:$0x3]  }
0x10b: {  	s0 =	sadd.s32 @!p0 $0x100000, s0  }
0x10c: {  	[sflag:s0] =	ssyncadd.tile.s32 @!p0 $0x1;
	_ =	shalt  }
.Lfunc_end2:
_tile_overlayer_lowered:
.L_overlay_start_2:
0x10d: {  	(tag) =	ssettag $0x2  }
0x10e: {  	s0 =	rddreg [dreg:$0x0];
	s2 =	stileid.u32  }
0x10f: {  	s1 =	rddreg [dreg:$0x1];
	p0 =	sne.s32 s2, $0x0  }
0x110: {  	s3 =	rddreg [dreg:$0x2];
	[bflag:$0x3] =	sbarrier.arrive $0xFFFF;
	s2 =	simm.s32 @!p0 $0x1C09  }
0x111: {  	[timem:s3], [sflag:s2] =	dma.local @!p0 [hbm:s0], s1  }
0x112: {  	s0 =	simm.s32 @!p0 $0x9  }
0x113: {  	_ =	swait.ge @!p0 [sflag:s0], s1  }
0x114: {  	s1 =	ssub.s32 @!p0 $0x0, s1;
	[sflag:s0] =	ssyncset.done @!p0 $0x0  }
0x115: {  	[sflag:s0] =	ssyncadd.s32 @!p0 s1  }
0x116: {  	[bflag:$0x3] =	sbarrier.arrive $0xFFFF  }
0x117: {  	_ =	shalt  }

// kernel: kernel.8.cloned.1.call-start
scs
__scs_entry_jumppad:
0x0: {  	(pc) =	sbr.rel $0x88, $3  }
0x1: {  	(tag) =	ssettag $0x0;
	lr =	simm.s32 $0x1  }
0x2: {  	[smem:$0x3F9B] =	sst lr;
	_ =	strace $0xD0000000  }
0x3: {  	_ = 	snop  }
0x4: {  	_ = 	snop  }
0x5: {  	_ = 	snop  }
0x6: {  	_ = 	snop  }
0x7: {  	_ = 	snop  }
__scs_overlays_trampoline_lowered:
0x8: {  	[smem:$0x3FAA] =	sst s0  }
0x9: {  	[smem:$0x3FAB] =	sst s1  }
0xa: {  	[smem:$0x3FAC] =	sst s2  }
0xb: {  	[smem:$0x3FAD] =	sst s3  }
0xc: {  	[smem:$0x3FAE] =	sst s4  }
0xd: {  	[smem:$0x3FAF] =	sst s5  }
0xe: {  	[smem:$0x3FB0] =	sst s6  }
0xf: {  	[smem:$0x3FB1] =	sst s7  }
0x10: {  	[smem:$0x3FB2] =	sst s8  }
0x11: {  	[smem:$0x3FB3] =	sst s9;
	s0 =	simm.s32 @!p0 $0x0  }
0x12: {  	s1 =	sld [smem:$0x3F99];
	s0 =	simm.s32 @p0 $0x1  }
0x13: {  	[smem:$0x3FB4] =	sst s0;
	s0 =	simm.s32 @!p1 $0x0  }
0x14: {  	s2 =	sld [smem:$0x3F98];
	s0 =	simm.s32 @p1 $0x1  }
0x15: {  	[smem:$0x3FB5] =	sst s0;
	s0 =	simm.s32 @!p2 $0x0  }
0x16: {  	s3 =	sld [smem:$0x3FDB];
	s0 =	simm.s32 @p2 $0x1  }
0x17: {  	s4 =	simm.s32 $0x1BF5;
	[smem:$0x3FB7] =	sst s0  }
0x18: {  	s0 =	sld [smem:$0x3F9A];
	_ =	swait.ge [sflag:s4], $0x0  }
0x19: {  	s7 =	sld [smem:$0x3F9B]  }
0x1a: {  	s8 =	sadd.s32 $0xFFFFE003, lr  }
0x1b: {  	s9 =	sadd.s32 $0xFFFFFEF7, lr;
	s5 =	simm.s32 $0xFFFFFFFF;
	p2 =	slt.u32 s8, $0xFFFFF086  }
0x1c: {  	p1 =	slt.u32 s9, $0xF7A;
	s5 =	simm.s32 @!p2 $0x0  }
0x1d: {  	s5 =	simm.s32 @p1 $0x1;
	p0 =	seq.s32 s7, s2  }
0x1e: {  	s7 =	smul.u32 @!p0 $0xF7A, s2;
	p2 =	seq.s32 @!p0 s5, $0x0  }
0x1f: {  	s9 =	smul.u32 $0xF7A, s1;
	s8 =	simm.s32 @!p0 $0x1BF5;
	p2 =	por !p2, p0  }
0x20: {  	[sflag:s8] =	ssyncset.s32 @!p0 $0xFFFFF086;
	s6 =	sadd.s32 @!p0 s3, s7;
	s7 =	simm.s32 @!p0 $0x108  }
0x21: {  	s3 =	sadd.s32 s3, s9;
	s6 =	sadd.s32 @!p0 $0x88, s6;
	s7 =	simm.s32 @p2 $0x1082  }
0x22: {  	[simem:s7], [sflag:s8] =	dma.local @!p0 [hbm:s6], $0xF7A  }
0x23: {  	s9 =	sor.u32 $0xD0000000, s2;
	s6 =	simm.s32 $0x108;
	_ =	swait.ge @!p0 [sflag:s8], $0x0  }
0x24: {  	s3 =	sadd.s32 $0x88, s3;
	s6 =	simm.s32 @!p1 $0x1082;
	[sflag:s4] =	ssyncset.s32 $0xFFFFF086  }
0x25: {  	[simem:s6], [sflag:s4] =	dma.local [hbm:s3], $0xF7A  }
0x26: {  	[smem:$0x3F9B] =	sst s1;
	(tag) =	ssettag s2;
	_ =	strace s9  }
0x27: {  	s1 =	sld [smem:$0x3FAB]  }
0x28: {  	s2 =	sld [smem:$0x3FAC]  }
0x29: {  	s4 =	sld [smem:$0x3FAE]  }
0x2a: {  	p0 =	seq.s32 s5, $0x0;
	s5 =	sld [smem:$0x3FAF]  }
0x2b: {  	s6 =	sld [smem:$0x3FB0]  }
0x2c: {  	s7 =	sld [smem:$0x3FB1]  }
0x2d: {  	s3 =	simm.s32 $0x108;
	s8 =	sld [smem:$0x3FB2]  }
0x2e: {  	s3 =	simm.s32 @!p0 $0x1082;
	s9 =	sld [smem:$0x3FB3]  }
0x2f: {  	lr =	sadd.s32 s0, s3;
	s0 =	sld [smem:$0x3FAA]  }
0x30: {  	s3 =	sld [smem:$0x3FAD]  }
0x31: {  	[smem:$0x3FB6] =	sst s10  }
0x32: {  	s10 =	sld [smem:$0x3FB4];
	_ =	sdelay $0x3  }
0x33: {  	p0 =	seq.s32 s10, $0x1;
	s10 =	sld [smem:$0x3FB6];
	_ =	sdelay $0x3  }
0x34: {  	[smem:$0x3FB6] =	sst s10  }
0x35: {  	s10 =	sld [smem:$0x3FB5];
	_ =	sdelay $0x3  }
0x36: {  	p1 =	seq.s32 s10, $0x1;
	s10 =	sld [smem:$0x3FB6];
	_ =	sdelay $0x3  }
0x37: {  	[smem:$0x3FB6] =	sst s10  }
0x38: {  	s10 =	sld [smem:$0x3FB7]  }
0x39: {  	_ = 	snop;
	(pc) =	sbr.ind lr, $3  }
0x3a: {  	_ = 	snop  }
0x3b: {  	_ = 	snop  }
0x3c: {  	p2 =	seq.s32 s10, $0x1;
	s10 =	sld [smem:$0x3FB6]  }
0x3d: {  	_ =	shalt  }
0x3e: {  	_ =	shalt  }
0x3f: {  	_ =	shalt  }
0x40: {  	_ =	shalt  }
0x41: {  	_ =	shalt  }
0x42: {  	_ =	shalt  }
0x43: {  	_ =	shalt  }
0x44: {  	_ =	shalt  }
0x45: {  	_ =	shalt  }
0x46: {  	_ =	shalt  }
0x47: {  	_ =	shalt  }
0x48: {  	_ =	shalt  }
0x49: {  	_ =	shalt  }
0x4a: {  	_ =	shalt  }
0x4b: {  	_ =	shalt  }
0x4c: {  	_ =	shalt  }
0x4d: {  	_ =	shalt  }
0x4e: {  	_ =	shalt  }
0x4f: {  	_ =	shalt  }
0x50: {  	_ =	shalt  }
0x51: {  	_ =	shalt  }
0x52: {  	_ =	shalt  }
0x53: {  	_ =	shalt  }
0x54: {  	_ =	shalt  }
0x55: {  	_ =	shalt  }
0x56: {  	_ =	shalt  }
0x57: {  	_ =	shalt  }
0x58: {  	_ =	shalt  }
0x59: {  	_ =	shalt  }
0x5a: {  	_ =	shalt  }
0x5b: {  	_ =	shalt  }
0x5c: {  	_ =	shalt  }
0x5d: {  	_ =	shalt  }
0x5e: {  	_ =	shalt  }
0x5f: {  	_ =	shalt  }
0x60: {  	_ =	shalt  }
0x61: {  	_ =	shalt  }
0x62: {  	_ =	shalt  }
0x63: {  	_ =	shalt  }
0x64: {  	_ =	shalt  }
0x65: {  	_ =	shalt  }
0x66: {  	_ =	shalt  }
0x67: {  	_ =	shalt  }
0x68: {  	_ =	shalt  }
0x69: {  	_ =	shalt  }
0x6a: {  	_ =	shalt  }
0x6b: {  	_ =	shalt  }
0x6c: {  	_ =	shalt  }
0x6d: {  	_ =	shalt  }
0x6e: {  	_ =	shalt  }
0x6f: {  	_ =	shalt  }
0x70: {  	_ =	shalt  }
0x71: {  	_ =	shalt  }
0x72: {  	_ =	shalt  }
0x73: {  	_ =	shalt  }
0x74: {  	_ =	shalt  }
0x75: {  	_ =	shalt  }
0x76: {  	_ =	shalt  }
0x77: {  	_ =	shalt  }
0x78: {  	_ =	shalt  }
0x79: {  	_ =	shalt  }
0x7a: {  	_ =	shalt  }
0x7b: {  	_ =	shalt  }
0x7c: {  	_ =	shalt  }
0x7d: {  	_ =	shalt  }
0x7e: {  	_ =	shalt  }
0x7f: {  	_ =	shalt  }
0x80: {  	_ =	shalt  }
0x81: {  	_ =	shalt  }
0x82: {  	_ =	shalt  }
0x83: {  	_ =	shalt  }
0x84: {  	_ =	shalt  }
0x85: {  	_ =	shalt  }
0x86: {  	_ =	shalt  }
0x87: {  	_ =	shalt  }
.Lfunc_end0:
.L_simem_size_0:
called_computation_lowered:
.L_overlay_start_0:
0x88: {  	s2 =	sld [smem:$0x3FD9]  }
0x89: {  	s3 =	sld [smem:$0x3FFE];
	_ =	sdelay $0x1  }
0x8a: {  	s1 =	srdreg.scid  }
0x8b: {  	s0 =	sand.u32 $0x1, s1  }
0x8c: {  	s16 =	sshll.u32 s0, $0xA;
	s2 =	sadd.s32 s3, s2  }
0x8d: {  	s2 =	sadd.s32 s2, s16  }
0x8e: {  	[smem:$0x3FC2] =	sst s2  }
0x8f: {  	_ = 	snop  }
0x90: {  	(tm) =	ssettm $0x1  }
0x91: {  	s17 =	sld [smem:$0x3FFB];
	_ =	sdelay $0x3  }
0x92: {  	_ =	strace s17  }
0x93: {  	s2 =	sld [smem:$0x3FFC];
	_ =	sdelay $0x3  }
0x94: {  	_ =	strace s2  }
0x95: {  	s2 =	sld [smem:$0x3FFD];
	_ =	sdelay $0x3  }
0x96: {  	_ =	strace s2  }
0x97: {  	_ =	strace $0x8FFFFFFF  }
0x98: {  	s18 =	sld [smem:$0x3FDB];
	_ =	sdelay $0x1  }
0x99: {  	s19 =	simm.s32 $_scs_section_size  }
0x9a: {  	s4 =	simm.s32 $_size__tile_overlayer_lowered;
	s5 =	simm.s32 $_tile_overlayer_lowered  }
0x9b: {  	s22 =	simm.s32 $0x1BFF;
	s21 =	sshll.u32 s5, $0x1;
	s2 =	sadd.s32 s19, s18  }
0x9c: {  	s6 =	simm.s32 $0x0;
	s20 =	sshll.u32 s4, $0x1;
	s4 =	sadd.s32 s21, s2  }
0x9d: {  	[timem:s6], [sflag:s22] =	dma.local [hbm:s4], s20  }
0x9e: {  	_ =	swait.ge [sflag:s22], s20  }
0x9f: {  	s3 =	ssub.s32 $0x0, s20;
	[sflag:s22] =	ssyncset.done $0x0  }
0xa0: {  	[sflag:s22] =	ssyncadd.s32 s3;
	_ =	sdelay $0x1  }
0xa1: {  	s23 =	simm.s32 $0x1B8B  }
0xa2: {  	_ =	swait.ge [sflag:s23], $0x1  }
0xa3: {  	[sflag:s23] =	ssyncset.done $0x0  }
0xa4: {  	s25 =	simm.s32 $0x1B8E;
	s24 =	sld [smem:$0x3FFE];
	[sflag:s23] =	ssyncadd.s32 $0xFFFFFFFF  }
0xa5: {  	s26 =	simm.s32 $execute0_lowered;
	[smem:$0x3FD2] =	sst s25  }
0xa6: {  	s4 =	sshll.u32 s26, $0x1;
	_ =	strace $0x80000046;
	[dreg:$0x1] =	wrdreg $0xFFFFFFFF  }
0xa7: {  	s28 =	simm.s32 $_size_execute0_lowered;
	s2 =	sadd.s32 s2, s4;
	[dreg:$0x0] =	wrdreg $0x0  }
0xa8: {  	s4 =	sshll.u32 s28, $0x1;
	[dreg:$0x2] =	wrdreg s2  }
0xa9: {  	[dreg:$0x3] =	wrdreg s4  }
0xaa: {  	[dreg:$0x4] =	wrdreg $0xC0  }
0xab: {  	_ =	task [dreg:s6], $0x5FFFF  }
0xac: {  	[dreg:$0x1] =	wrdreg $0xFFFFFFFF  }
0xad: {  	[dreg:$0x0] =	wrdreg $0x60  }
0xae: {  	[dreg:$0x2] =	wrdreg s24  }
0xaf: {  	[dreg:$0x3] =	wrdreg $0x6E800  }
0xb0: {  	[dreg:$0x4] =	wrdreg $0x9  }
0xb1: {  	_ =	task.clear_ibuf [dreg:s6], $0x5FFFF;
	_ =	strace $0x90000046  }
0xb2: {  	s29 =	simm.s32 $0x9;
	_ =	strace $0x80000048  }
0xb3: {  	_ =	swait.ge [sflag:s29], $0x1  }
0xb4: {  	[sflag:s29] =	ssyncadd.s32 $0xFFFFFFFF  }
0xb5: {  	_ =	strace $0x90000048  }
0xb6: {  	_ =	sfence  }
0xb7: {  	s30 =	sld [smem:$0x0];
	_ =	sdelay $0x2  }
0xb8: {  	s31 =	sshll.u32 s1, $0xD;
	s1 =	sshrl.u32 s1, $0x2  }
0xb9: {  	s3 =	sand.u32 $0x4000, s31;
	s1 =	sadd.s32 s1, s30  }
0xba: {  	s0 =	sor.u32 s3, s0;
	s1 =	sshll.u32 s1, $0x11  }
0xbb: {  	s0 =	sor.u32 s1, s0  }
0xbc: {  	s0 =	sadd.s32 $0x8F2B, s0  }
0xbd: {  	[sflag:s0] =	ssyncadd.remote.s32 $0x1  }
0xbe: {  	_ =	sfence.sel $0xFFFF  }
0xbf: {  	[dreg:$0x0] =	wrdreg $0xFFFFFFFF;
	(pc) =	sbr.abs _section_cstart, $3  }
0xc0: {  	[dreg:$0x1] =	wrdreg $0xFFFFFFFF  }
0xc1: {  	_ =	task.clear_ibuf [dreg:s6], $0x2FFFF;
	_ =	strace $0x9FFFFFFF  }
0xc2: {  	(tm) =	ssettm $0x7FFFFFFF  }
0xc3: {  	_ =	shalt  }
tec
execute0_lowered:
.L_overlay_start_1:
0x0: {  	(tag) =	ssettag $0x1  }
0x1: {  	s4 =	rddreg [dreg:$0x0]  }
0x2: {  	s2 =	rddreg [dreg:$0x1]  }
0x3: {  	s0 =	rddreg [dreg:$0x2];
	s3 =	srdreg.scid  }
0x4: {  	s1 =	stileid.u32;
	s12 =	simm.s32 $0x1;
	s13 =	simm.s32 $0x6680  }
0x5: {  	s14 =	simm.s32 $0x7D;
	s15 =	simm.s32 $0x2800;
	s18 =	simm.s32 $0x0  }
0x6: {  	s5 =	sand.u32 $0x1, s3;
	s6 =	sshll.u32 s1, $0x1;
	s7 =	smul.u32 $0x2800, s1  }
0x7: {  	s3 =	simm.s32 $0x0;
	s9 =	smul.u32 $0xA000, s1;
	s16 =	sshll.u32 s1, $0x6  }
0x8: {  	s6 =	sor.u32 s5, s6;
	s8 =	smul.u32 $0x28000, s5;
	[smem:$0x7FF] =	sst s3  }
0x9: {  	s5 =	ssub.s32 $0x2, s5;
	s16 =	sor.u32 $0x1C01, s16;
	s6 =	smul.u32 $0x500, s6  }
0xa: {  	_ =	strace $0x80000047;
	s30 =	sshrl.u32 s5, $0x1;
	s31 =	sshrl.u32 s9, $0x2  }
0xb: {  	s8 =	sadd.s32 s7, s8;
	s11 =	ssub.s32 s5, s30;
	s9 =	sadd.s32 s31, s2  }
0xc: {  	s5 =	sadd.s32 s7, s2;
	s6 =	sadd.s32 s6, s4;
	s8 =	sshrl.u32 s8, $0x3  }
0xd: {  	s7 =	sadd.s32 $0x1000, s9;
	s11 =	smax.u32 s11, $0x1;
	s17 =	sshrl.u32 s5, $0x3  }
0xe: {  	s10 =	sadd.s32 s8, s4;
	s4 =	sadd.s32 $0x2A00, s6;
	s6 =	sadd.s32 $0x800, s9  }
0xf: {  	v0 =	vimm.f32 $0.0e+00;
	v1 =	vimm.f32 $1.000000000e+00;
	s8 =	sadd.s32 $0x1800, s9;
	s9 =	sadd.s32 $0x2000, s9;
	s10 =	sadd.s32 $0xCA00, s10  }
.LBB2_1:
0x10: {  	[tilespmem:s3], [sflag:$0x1] =	stream.linear.gather [hbm4b:s4+s3], $0x2800, $0x38;
	[tilespmem:$0x9680] =	vst v63  }
0x11: {  	_ =	swait.ge [sflag:s12], $0x2800  }
0x12: {  	[sflag:s12] =	ssyncset.done $0x0  }
0x13: {  	s19 =	simm.s32 $0x0;
	[sflag:s12] =	ssyncadd.s32 $0xFFFFD800  }
.LBB2_2:
0x14: {  	p0 =	sne.s32 s19, $0x1FC0  }
.Ltmp0:
0x15: {  	_ = 	snop;
	(pc) =	sbr.rel @p0 .LBB2_2-.Ltmp0, $3  }
0x16: {  	_ =	sdelay $0x1  }
0x17: {  	s20 =	sshra.s32 s19, $0x2  }
0x18: {  	s19 =	sadd.s32 $0x40, s19;
	[tilespmem:s20+$0x6680] =	vst v0  }
0x19: {  	s19 =	simm.s32 $0x40;
	s20 =	simm.s32 $0x0  }
.LBB2_4:
0x1a: {  	p0 =	sne.s32 s19, $0x1F00;
	[tilespmem:s20+$0x2800] =	vst v1;
	s20 =	smov.u32 s19;
	s19 =	sadd.s32 $0x40, s19  }
.Ltmp1:
0x1b: {  	(pc) =	sbr.rel @p0 .LBB2_4-.Ltmp1, $2  }
0x1c: {  	_ =	sdelay $0x2  }
0x1d: {  	s20 =	sshra.s32 s20, $0x2  }
0x1e: {  	[tilespmem:s20+$0x2800] =	vst v1  }
0x1f: {  	[spmem:s5] =	stream.linear.scatter [tilespmem:s13], [sflag:$0x1], $0x800, $0x38;
	[tilespmem:$0x9680] =	vst v63  }
0x20: {  	_ =	swait.ge [sflag:s12], $0x800  }
0x21: {  	[sflag:s12] =	ssyncset.done $0x0  }
0x22: {  	[sflag:s12] =	ssyncadd.s32 $0xFFFFF800  }
0x23: {  	[spmem:s6] =	stream.linear.scatter [tilespmem:s13], [sflag:$0x1], $0x800, $0x38;
	[tilespmem:$0x9680] =	vst v63  }
0x24: {  	_ =	swait.ge [sflag:s12], $0x800  }
0x25: {  	[sflag:s12] =	ssyncset.done $0x0  }
0x26: {  	[sflag:s12] =	ssyncadd.s32 $0xFFFFF800  }
0x27: {  	[spmem:s7] =	stream.linear.scatter [tilespmem:s13], [sflag:$0x1], $0x800, $0x38;
	[tilespmem:$0x9680] =	vst v63  }
0x28: {  	_ =	swait.ge [sflag:s12], $0x800  }
0x29: {  	[sflag:s12] =	ssyncset.done $0x0  }
0x2a: {  	[sflag:s12] =	ssyncadd.s32 $0xFFFFF800  }
0x2b: {  	[spmem:s8] =	stream.linear.scatter [tilespmem:s13], [sflag:$0x1], $0x800, $0x38;
	[tilespmem:$0x9680] =	vst v63  }
0x2c: {  	_ =	swait.ge [sflag:s12], $0x800  }
0x2d: {  	[sflag:s12] =	ssyncset.done $0x0  }
0x2e: {  	[sflag:s12] =	ssyncadd.s32 $0xFFFFF800  }
0x2f: {  	[spmem:s9] =	stream.linear.scatter [tilespmem:s13], [sflag:$0x1], $0x800, $0x38;
	[tilespmem:$0x9680] =	vst v63  }
0x30: {  	_ =	swait.ge [sflag:s12], $0x800  }
0x31: {  	[sflag:s12] =	ssyncset.done $0x0  }
0x32: {  	[sflag:s12] =	ssyncadd.s32 $0xFFFFF800  }
0x33: {  	s19 =	simm.s32 $0x0;
	[bflag:$0x0] =	sbarrier.arrive $0xFFFF  }
0x34: {  	[spmem:s2] =	stream.indirect.scatter.add.f32 [tilespmem:s15], [sflag:$0x1], $0x10, s19, s14, $0xb8;
	[tilespmem:$0x9680] =	vst v63  }
0x35: {  	_ =	swait.ge [sflag:s12], $0x7D0  }
0x36: {  	s19 =	simm.s32 $0x200;
	[sflag:s12] =	ssyncset.done $0x0  }
.LBB2_6:
0x37: {  	s20 =	sshra.s32 s19, $0x2;
	[sflag:s12] =	ssyncadd.s32 $0xFFFFF830;
	p0 =	sne.s32 s19, $0x9E00  }
0x38: {  	[spmem:s2] =	stream.indirect.scatter.add.f32 [tilespmem:s15], [sflag:$0x1], $0x10, s20, s14, $0xb8;
	[tilespmem:$0x9680] =	vst v63  }
.Ltmp2:
0x39: {  	_ = 	snop;
	(pc) =	sbr.rel @p0 .LBB2_6-.Ltmp2, $4  }
0x3a: {  	_ = 	snop  }
0x3b: {  	s19 =	sadd.s32 $0x200, s19  }
0x3c: {  	_ =	swait.ge [sflag:s12], $0x7D0  }
0x3d: {  	[sflag:s12] =	ssyncset.done $0x0  }
0x3e: {  	s18 =	sadd.s32 $0x1, s18  }
0x3f: {  	[sflag:s12] =	ssyncadd.s32 $0xFFFFF830;
	p0 =	sne.s32 s18, s11  }
.Ltmp3:
0x40: {  	[bflag:$0x0] =	sbarrier.arrive $0xFFFF;
	(pc) =	sbr.rel @p0 .LBB2_1-.Ltmp3, $4  }
0x41: {  	[hbm:s10], [sflag:s16] =	dma.local [spmem:s17], $0x500  }
0x42: {  	_ =	swait.ge [sflag:s12], $0x500  }
0x43: {  	[sflag:s12] =	ssyncset.done $0x0  }
0x44: {  	[sflag:s12] =	ssyncadd.s32 $0xFFFFFB00  }
0x45: {  	_ =	sfence.sel $0x180000  }
0x46: {  	[bflag:$0x0] =	sbarrier.arrive $0xFFFF  }
0x47: {  	p0 =	sne.s32 s1, $0x0;
	_ =	strace $0x90000047  }
0x48: {  	s0 =	sadd.s32 @!p0 $0x100000, s0;
	[bflag:$0x2] =	sbarrier.arrive $0xFFFF  }
0x49: {  	[sflag:s0] =	ssyncadd.tile.s32 @!p0 $0x1;
	_ =	shalt  }
.Lfunc_end2:
_tile_overlayer_lowered:
.L_overlay_start_2:
0x4a: {  	(tag) =	ssettag $0x2  }
0x4b: {  	s0 =	rddreg [dreg:$0x0];
	s2 =	stileid.u32  }
0x4c: {  	s1 =	rddreg [dreg:$0x1];
	p0 =	sne.s32 s2, $0x0  }
0x4d: {  	s3 =	rddreg [dreg:$0x2];
	[bflag:$0x3] =	sbarrier.arrive $0xFFFF;
	s2 =	simm.s32 @!p0 $0x1C01  }
0x4e: {  	[timem:s3], [sflag:s2] =	dma.local @!p0 [hbm:s0], s1  }
0x4f: {  	s0 =	simm.s32 @!p0 $0x1  }
0x50: {  	_ =	swait.ge @!p0 [sflag:s0], s1  }
0x51: {  	s1 =	ssub.s32 @!p0 $0x0, s1;
	[sflag:s0] =	ssyncset.done @!p0 $0x0  }
0x52: {  	[sflag:s0] =	ssyncadd.s32 @!p0 s1  }
0x53: {  	[bflag:$0x3] =	sbarrier.arrive $0xFFFF  }
0x54: {  	_ =	shalt  }

</sc_bundles>
